<compile_context>
chip_gen: v7x
topology: tpu7x:2x2x1
jax: 0.10.2.dev20260603
libtpu: 0.0.44.dev20260713+nightly
codegen_flags: <defaults>
</compile_context>

<pallas_src>
import functools
import math

import jax
import jax.numpy as jnp
from jax import lax
from jax.experimental import pallas as pl
from jax.experimental.pallas import tpu as pltpu
from jax.experimental.pallas import tpu_sc as plsc

N = 10000
E = 320000
H = 128
NR = 32
FD = 64
CUT = 5.0
LN2 = math.log(2.0)
OFF_STEP = CUT / (NR - 1)
COEFF = -0.5 / OFF_STEP**2

NC, NS = 2, 16
NW = NC * NS
EPW = E // NW
CHUNK = 80
CPW = EPW // CHUNK
RPS = 624
TAIL = N - RPS * NS
TOFF = RPS * NS

BE = 2000
BN = 2000


def _sp(v):
    return jnp.maximum(v, 0.0) + jnp.log1p(jnp.exp(-jnp.abs(v))) - LN2


def _sig(v):
    return 1.0 / (1.0 + jnp.exp(-v))


def _dist_env(ew):
    d2 = jnp.sum(ew * ew, axis=1, keepdims=True)
    d = jnp.sqrt(d2)
    offs = lax.broadcasted_iota(jnp.int32, (1, NR), 1).astype(jnp.float32) * OFF_STEP
    ea = jnp.exp(COEFF * (d - offs) ** 2)
    u = jnp.clip(d / CUT, 0.0, 1.0)
    u2 = u * u
    u3 = u2 * u
    env = 1.0 - (6.0 * u3 * u2 - 15.0 * u2 * u2 + 10.0 * u3)
    return d, offs, ea, u, env



def _filter_fwd_body(ew_ref, w1_ref, b1_ref, w2p_ref, b2p_ref, wf0_ref, wf1_ref):
    ew = ew_ref[...]
    _, _, ea, _, env = _dist_env(ew)
    outs = (wf0_ref, wf1_ref)
    for t in range(2):
        a = jnp.dot(ea, w1_ref[t], preferred_element_type=jnp.float32) + b1_ref[t : t + 1, :]
        f = jnp.dot(_sp(a), w2p_ref[t], preferred_element_type=jnp.float32) + b2p_ref[t : t + 1, :]
        outs[t][...] = f * env


def _filter_fwd(ew, w1, b1, w2p, b2p):
    return pl.pallas_call(
        _filter_fwd_body,
        grid=(E // BE,),
        in_specs=[
            pl.BlockSpec((BE, 3), lambda i: (i, 0)),
            pl.BlockSpec((2, NR, FD), lambda i: (0, 0, 0)),
            pl.BlockSpec((2, FD), lambda i: (0, 0)),
            pl.BlockSpec((2, FD, H), lambda i: (0, 0, 0)),
            pl.BlockSpec((2, H), lambda i: (0, 0)),
        ],
        out_specs=[
            pl.BlockSpec((BE, H), lambda i: (i, 0)),
            pl.BlockSpec((BE, H), lambda i: (i, 0)),
        ],
        out_shape=[
            jax.ShapeDtypeStruct((E, H), jnp.float32),
            jax.ShapeDtypeStruct((E, H), jnp.float32),
        ],
    )(ew, w1, b1, w2p, b2p)


def _emb_body(x_ref, emb_ref, l1wp_ref, h0_ref, hp0_ref):
    xi = x_ref[...]
    ids = lax.broadcasted_iota(jnp.int32, (BN, H), 1)
    oh = (xi == ids).astype(jnp.float32)
    h0 = jnp.dot(oh, emb_ref[...], preferred_element_type=jnp.float32, precision=lax.Precision.HIGHEST)
    h0_ref[...] = h0
    hp0_ref[...] = jnp.dot(h0, l1wp_ref[...], preferred_element_type=jnp.float32, precision=lax.Precision.HIGHEST)


def _emb(x_col, emb_pad, l1w0p):
    return pl.pallas_call(
        _emb_body,
        grid=(N // BN,),
        in_specs=[
            pl.BlockSpec((BN, 1), lambda i: (i, 0)),
            pl.BlockSpec((H, H), lambda i: (0, 0)),
            pl.BlockSpec((H, H), lambda i: (0, 0)),
        ],
        out_specs=[
            pl.BlockSpec((BN, H), lambda i: (i, 0)),
            pl.BlockSpec((BN, H), lambda i: (i, 0)),
        ],
        out_shape=[
            jax.ShapeDtypeStruct((N, H), jnp.float32),
            jax.ShapeDtypeStruct((N, H), jnp.float32),
        ],
    )(x_col, emb_pad, l1w0p)


def _node1_body(h0_ref, ap_ref, l2wp_ref, l2b_ref, l1wp_ref, h1_ref, hp1_ref, agg0_ref):
    agg = ap_ref[0] + ap_ref[1]
    z2 = jnp.dot(agg, l2wp_ref[...], preferred_element_type=jnp.float32, precision=lax.Precision.HIGHEST) + l2b_ref[...]
    h1 = h0_ref[...] + _sp(z2)
    h1_ref[...] = h1
    hp1_ref[...] = jnp.dot(h1, l1wp_ref[...], preferred_element_type=jnp.float32, precision=lax.Precision.HIGHEST)
    agg0_ref[...] = agg


def _node1(h0, aggp, l2w0p, l2b0, l1w1p):
    return pl.pallas_call(
        _node1_body,
        grid=(N // BN,),
        in_specs=[
            pl.BlockSpec((BN, H), lambda i: (i, 0)),
            pl.BlockSpec((2, BN, H), lambda i: (0, i, 0)),
            pl.BlockSpec((H, H), lambda i: (0, 0)),
            pl.BlockSpec((1, H), lambda i: (0, 0)),
            pl.BlockSpec((H, H), lambda i: (0, 0)),
        ],
        out_specs=[
            pl.BlockSpec((BN, H), lambda i: (i, 0)),
            pl.BlockSpec((BN, H), lambda i: (i, 0)),
            pl.BlockSpec((BN, H), lambda i: (i, 0)),
        ],
        out_shape=[
            jax.ShapeDtypeStruct((N, H), jnp.float32),
            jax.ShapeDtypeStruct((N, H), jnp.float32),
            jax.ShapeDtypeStruct((N, H), jnp.float32),
        ],
    )(h0, aggp, l2w0p, l2b0, l1w1p)


def _node2_body(h1_ref, ap_ref, l2wp_ref, l2b_ref, ow1_ref, ob1_ref, ow2r_ref,
                ow1t_ref, l2wtp_ref, gh2_ref, gagg1_ref, es_ref):
    i = pl.program_id(0)
    agg = ap_ref[0] + ap_ref[1]
    z2 = jnp.dot(agg, l2wp_ref[...], preferred_element_type=jnp.float32, precision=lax.Precision.HIGHEST) + l2b_ref[...]
    h2 = h1_ref[...] + _sp(z2)
    z1 = jnp.dot(h2, ow1_ref[...], preferred_element_type=jnp.float32, precision=lax.Precision.HIGHEST) + ob1_ref[...]
    w2row = ow2r_ref[...]
    e_node = jnp.sum(_sp(z1) * w2row, axis=1, keepdims=True)
    s = jnp.sum(e_node)
    r0 = lax.broadcasted_iota(jnp.int32, (8, 128), 0) == 0
    c0 = lax.broadcasted_iota(jnp.int32, (8, 128), 1) == 0
    contrib = jnp.where(r0 & c0, s, 0.0)

    @pl.when(i == 0)
    def _():
        es_ref[...] = contrib

    @pl.when(i > 0)
    def _():
        es_ref[...] = es_ref[...] + contrib

    gz1 = _sig(z1) * w2row
    gh2 = jnp.dot(gz1, ow1t_ref[...], preferred_element_type=jnp.float32, precision=lax.Precision.HIGHEST)
    gh2_ref[...] = gh2
    gagg1_ref[...] = jnp.dot(gh2 * _sig(z2), l2wtp_ref[...], preferred_element_type=jnp.float32, precision=lax.Precision.HIGHEST)


def _node2(h1, aggp, l2w1p, l2b1, ow1, ob1, ow2r, ow1t, l2w1tp):
    return pl.pallas_call(
        _node2_body,
        grid=(N // BN,),
        in_specs=[
            pl.BlockSpec((BN, H), lambda i: (i, 0)),
            pl.BlockSpec((2, BN, H), lambda i: (0, i, 0)),
            pl.BlockSpec((H, H), lambda i: (0, 0)),
            pl.BlockSpec((1, H), lambda i: (0, 0)),
            pl.BlockSpec((H, FD), lambda i: (0, 0)),
            pl.BlockSpec((1, FD), lambda i: (0, 0)),
            pl.BlockSpec((1, FD), lambda i: (0, 0)),
            pl.BlockSpec((FD, H), lambda i: (0, 0)),
            pl.BlockSpec((H, H), lambda i: (0, 0)),
        ],
        out_specs=[
            pl.BlockSpec((BN, H), lambda i: (i, 0)),
            pl.BlockSpec((BN, H), lambda i: (i, 0)),
            pl.BlockSpec((8, 128), lambda i: (0, 0)),
        ],
        out_shape=[
            jax.ShapeDtypeStruct((N, H), jnp.float32),
            jax.ShapeDtypeStruct((N, H), jnp.float32),
            jax.ShapeDtypeStruct((8, 128), jnp.float32),
        ],
        compiler_params=pltpu.CompilerParams(dimension_semantics=("arbitrary",)),
    )(h1, aggp, l2w1p, l2b1, ow1, ob1, ow2r, ow1t, l2w1tp)


def _node3_body(gh2_ref, gp_ref, l1wtp_ref, agg0_ref, l2wp_ref, l2b_ref, l2wtp_ref, gagg0_ref):
    gproj = gp_ref[0] + gp_ref[1]
    gh1 = gh2_ref[...] + jnp.dot(gproj, l1wtp_ref[...], preferred_element_type=jnp.float32, precision=lax.Precision.HIGHEST)
    z2 = jnp.dot(agg0_ref[...], l2wp_ref[...], preferred_element_type=jnp.float32, precision=lax.Precision.HIGHEST) + l2b_ref[...]
    gagg0_ref[...] = jnp.dot(gh1 * _sig(z2), l2wtp_ref[...], preferred_element_type=jnp.float32, precision=lax.Precision.HIGHEST)


def _node3(gh2, gpp, l1w1tp, agg0, l2w0p, l2b0, l2w0tp):
    return pl.pallas_call(
        _node3_body,
        grid=(N // BN,),
        in_specs=[
            pl.BlockSpec((BN, H), lambda i: (i, 0)),
            pl.BlockSpec((2, BN, H), lambda i: (0, i, 0)),
            pl.BlockSpec((H, H), lambda i: (0, 0)),
            pl.BlockSpec((BN, H), lambda i: (i, 0)),
            pl.BlockSpec((H, H), lambda i: (0, 0)),
            pl.BlockSpec((1, H), lambda i: (0, 0)),
            pl.BlockSpec((H, H), lambda i: (0, 0)),
        ],
        out_specs=pl.BlockSpec((BN, H), lambda i: (i, 0)),
        out_shape=jax.ShapeDtypeStruct((N, H), jnp.float32),
    )(gh2, gpp, l1w1tp, agg0, l2w0p, l2b0, l2w0tp)


def _filter_bwd_body(ew_ref, gw0_ref, gw1_ref, w1_ref, b1_ref, w2p_ref, b2p_ref,
                     w1t_ref, w2tp_ref, de_ref, sig_ref):
    i = pl.program_id(0)
    ew = ew_ref[...]
    d, offs, ea, u, env = _dist_env(ew)
    gws = (gw0_ref, gw1_ref)
    g_ea = jnp.zeros((BE, NR), jnp.float32)
    g_env = jnp.zeros((BE, 1), jnp.float32)
    for t in range(2):
        a = jnp.dot(ea, w1_ref[t], preferred_element_type=jnp.float32) + b1_ref[t : t + 1, :]
        f = jnp.dot(_sp(a), w2p_ref[t], preferred_element_type=jnp.float32) + b2p_ref[t : t + 1, :]
        gw = gws[t][...]
        g_env = g_env + jnp.sum(gw * f, axis=1, keepdims=True)
        ga = jnp.dot(gw * env, w2tp_ref[t], preferred_element_type=jnp.float32) * _sig(a)
        g_ea = g_ea + jnp.dot(ga, w1t_ref[t], preferred_element_type=jnp.float32)
    dea = 2.0 * COEFF * (d - offs) * ea
    u2 = u * u
    denv = jnp.where(d <= CUT, -(30.0 * u2 * u2 - 60.0 * u2 * u + 30.0 * u2) / CUT, 0.0)
    g_d = jnp.sum(g_ea * dea, axis=1, keepdims=True) + g_env * denv
    gew = (g_d / d) * ew
    de = jnp.concatenate([gew, jnp.zeros((BE, H - 3), jnp.float32)], axis=1)
    de_ref[...] = de
    r0 = lax.broadcasted_iota(jnp.int32, (8, 128), 0) == 0
    lanes = lax.broadcasted_iota(jnp.int32, (8, 128), 1)
    total = jnp.zeros((8, 128), jnp.float32)
    for k in range(3):
        for l in range(3):
            skl = jnp.sum(ew[:, k : k + 1] * gew[:, l : l + 1])
            total = total + jnp.where(r0 & (lanes == 3 * k + l), skl, 0.0)

    @pl.when(i == 0)
    def _():
        sig_ref[...] = total

    @pl.when(i > 0)
    def _():
        sig_ref[...] = sig_ref[...] + total


def _filter_bwd(ew, gw0, gw1, w1, b1, w2p, b2p, w1t, w2tp):
    return pl.pallas_call(
        _filter_bwd_body,
        grid=(E // BE,),
        in_specs=[
            pl.BlockSpec((BE, 3), lambda i: (i, 0)),
            pl.BlockSpec((BE, H), lambda i: (i, 0)),
            pl.BlockSpec((BE, H), lambda i: (i, 0)),
            pl.BlockSpec((2, NR, FD), lambda i: (0, 0, 0)),
            pl.BlockSpec((2, FD), lambda i: (0, 0)),
            pl.BlockSpec((2, FD, H), lambda i: (0, 0, 0)),
            pl.BlockSpec((2, H), lambda i: (0, 0)),
            pl.BlockSpec((2, FD, NR), lambda i: (0, 0, 0)),
            pl.BlockSpec((2, H, FD), lambda i: (0, 0, 0)),
        ],
        out_specs=[
            pl.BlockSpec((BE, H), lambda i: (i, 0)),
            pl.BlockSpec((8, 128), lambda i: (0, 0)),
        ],
        out_shape=[
            jax.ShapeDtypeStruct((E, H), jnp.float32),
            jax.ShapeDtypeStruct((8, 128), jnp.float32),
        ],
        compiler_params=pltpu.CompilerParams(dimension_semantics=("arbitrary",)),
    )(ew, gw0, gw1, w1, b1, w2p, b2p, w1t, w2tp)



_sc_mesh = plsc.VectorSubcoreMesh(core_axis_name="c", subcore_axis_name="s")


@functools.partial(
    pl.kernel,
    out_type=jax.ShapeDtypeStruct((NC, N, H), jnp.float32),
    mesh=_sc_mesh,
    scratch_types=[
        pltpu.VMEM((CHUNK,), jnp.int32),
        pltpu.VMEM((CHUNK,), jnp.int32),
        pltpu.VMEM((CHUNK, H), jnp.float32),
        pltpu.VMEM((CHUNK, H), jnp.float32),
        pltpu.VMEM_SHARED((N, H), jnp.float32),
        pltpu.SemaphoreType.DMA,
    ],
)
def _sc_fwd(hproj, wf, ii1, jj1, zn, out, ii_c, jj_c, rows_c, wf_c, agg_sh, sem):
    cid = lax.axis_index("c")
    sid = lax.axis_index("s")
    wid = sid * NC + cid
    r0 = sid * RPS
    pltpu.sync_copy(zn.at[pl.ds(r0, RPS)], agg_sh.at[pl.ds(r0, RPS)])

    @pl.when(sid == NS - 1)
    def _():
        pltpu.sync_copy(zn.at[pl.ds(TOFF, TAIL)], agg_sh.at[pl.ds(TOFF, TAIL)])

    plsc.subcore_barrier()

    def blk(b, carry):
        cbase = wid * EPW + b * CHUNK
        pltpu.sync_copy(ii1.at[pl.ds(cbase, CHUNK)], ii_c)
        pltpu.sync_copy(jj1.at[pl.ds(cbase, CHUNK)], jj_c)
        pltpu.sync_copy(wf.at[pl.ds(cbase, CHUNK)], wf_c)
        pltpu.async_copy(hproj.at[jj_c], rows_c, sem).wait()

        def mul(e, c2):
            for c in range(FD // 16):
                s = pl.ds(c * 16, 16)
                wf_c[e, s] = rows_c[e, s] * wf_c[e, s]
            return c2

        lax.fori_loop(0, CHUNK, mul, 0)
        pltpu.sync_copy(wf_c, agg_sh.at[ii_c], add=True)
        return carry

    lax.fori_loop(0, CPW, blk, 0)
    plsc.subcore_barrier()
    pltpu.sync_copy(agg_sh.at[pl.ds(r0, RPS)], out.at[cid, pl.ds(r0, RPS)])

    @pl.when(sid == NS - 1)
    def _():
        pltpu.sync_copy(agg_sh.at[pl.ds(TOFF, TAIL)], out.at[cid, pl.ds(TOFF, TAIL)])


@functools.partial(
    pl.kernel,
    out_type=[
        jax.ShapeDtypeStruct((E, H), jnp.float32),
        jax.ShapeDtypeStruct((NC, N, H), jnp.float32),
    ],
    mesh=_sc_mesh,
    scratch_types=[
        pltpu.VMEM((CHUNK,), jnp.int32),
        pltpu.VMEM((CHUNK,), jnp.int32),
        pltpu.VMEM((CHUNK, H), jnp.float32),
        pltpu.VMEM((CHUNK, H), jnp.float32),
        pltpu.VMEM((CHUNK, H), jnp.float32),
        pltpu.VMEM_SHARED((N, H), jnp.float32),
        pltpu.SemaphoreType.DMA,
    ],
)
def _sc_bwd1(gagg, hproj, wf, ii1, jj1, zn, gw_out, gp_out,
             ii_c, jj_c, ga_c, hp_c, wf_c, gp_sh, sem):
    cid = lax.axis_index("c")
    sid = lax.axis_index("s")
    wid = sid * NC + cid
    r0 = sid * RPS
    pltpu.sync_copy(zn.at[pl.ds(r0, RPS)], gp_sh.at[pl.ds(r0, RPS)])

    @pl.when(sid == NS - 1)
    def _():
        pltpu.sync_copy(zn.at[pl.ds(TOFF, TAIL)], gp_sh.at[pl.ds(TOFF, TAIL)])

    plsc.subcore_barrier()

    def blk(b, carry):
        cbase = wid * EPW + b * CHUNK
        pltpu.sync_copy(ii1.at[pl.ds(cbase, CHUNK)], ii_c)
        pltpu.sync_copy(jj1.at[pl.ds(cbase, CHUNK)], jj_c)
        pltpu.sync_copy(wf.at[pl.ds(cbase, CHUNK)], wf_c)
        cp1 = pltpu.async_copy(gagg.at[ii_c], ga_c, sem)
        cp2 = pltpu.async_copy(hproj.at[jj_c], hp_c, sem)
        cp1.wait()
        cp2.wait()

        def mul(e, c2):
            for c in range(FD // 16):
                s = pl.ds(c * 16, 16)
                ga = ga_c[e, s]
                hp_c[e, s] = ga * hp_c[e, s]
                wf_c[e, s] = ga * wf_c[e, s]
            return c2

        lax.fori_loop(0, CHUNK, mul, 0)
        pltpu.sync_copy(hp_c, gw_out.at[pl.ds(cbase, CHUNK)])
        pltpu.sync_copy(wf_c, gp_sh.at[jj_c], add=True)
        return carry

    lax.fori_loop(0, CPW, blk, 0)
    plsc.subcore_barrier()
    pltpu.sync_copy(gp_sh.at[pl.ds(r0, RPS)], gp_out.at[cid, pl.ds(r0, RPS)])

    @pl.when(sid == NS - 1)
    def _():
        pltpu.sync_copy(gp_sh.at[pl.ds(TOFF, TAIL)], gp_out.at[cid, pl.ds(TOFF, TAIL)])


@functools.partial(
    pl.kernel,
    out_type=jax.ShapeDtypeStruct((E, H), jnp.float32),
    mesh=_sc_mesh,
    scratch_types=[
        pltpu.VMEM((CHUNK,), jnp.int32),
        pltpu.VMEM((CHUNK,), jnp.int32),
        pltpu.VMEM((CHUNK, H), jnp.float32),
        pltpu.VMEM((CHUNK, H), jnp.float32),
        pltpu.SemaphoreType.DMA,
    ],
)
def _sc_bwd0(gagg, hproj, ii1, jj1, gw_out, ii_c, jj_c, ga_c, hp_c, sem):
    cid = lax.axis_index("c")
    sid = lax.axis_index("s")
    wid = sid * NC + cid

    def blk(b, carry):
        cbase = wid * EPW + b * CHUNK
        pltpu.sync_copy(ii1.at[pl.ds(cbase, CHUNK)], ii_c)
        pltpu.sync_copy(jj1.at[pl.ds(cbase, CHUNK)], jj_c)
        cp1 = pltpu.async_copy(gagg.at[ii_c], ga_c, sem)
        cp2 = pltpu.async_copy(hproj.at[jj_c], hp_c, sem)
        cp1.wait()
        cp2.wait()

        def mul(e, c2):
            for c in range(FD // 16):
                s = pl.ds(c * 16, 16)
                hp_c[e, s] = ga_c[e, s] * hp_c[e, s]
            return c2

        lax.fori_loop(0, CHUNK, mul, 0)
        pltpu.sync_copy(hp_c, gw_out.at[pl.ds(cbase, CHUNK)])
        return carry

    lax.fori_loop(0, CPW, blk, 0)


@functools.partial(
    pl.kernel,
    out_type=jax.ShapeDtypeStruct((NC, N, H), jnp.float32),
    mesh=_sc_mesh,
    scratch_types=[
        pltpu.VMEM((CHUNK,), jnp.int32),
        pltpu.VMEM((CHUNK,), jnp.int32),
        pltpu.VMEM((CHUNK, H), jnp.float32),
        pltpu.VMEM((CHUNK, H), jnp.float32),
        pltpu.VMEM_SHARED((N, H), jnp.float32),
        pltpu.SemaphoreType.DMA,
    ],
)
def _sc_force(de, ii1, jj1, zn, out, ii_c, jj_c, de_c, nde_c, f_sh, sem):
    cid = lax.axis_index("c")
    sid = lax.axis_index("s")
    wid = sid * NC + cid
    r0 = sid * RPS
    pltpu.sync_copy(zn.at[pl.ds(r0, RPS)], f_sh.at[pl.ds(r0, RPS)])

    @pl.when(sid == NS - 1)
    def _():
        pltpu.sync_copy(zn.at[pl.ds(TOFF, TAIL)], f_sh.at[pl.ds(TOFF, TAIL)])

    def z0(e, c2):
        for c in range(H // 16):
            nde_c[e, pl.ds(c * 16, 16)] = jnp.zeros((16,), jnp.float32)
        return c2

    lax.fori_loop(0, CHUNK, z0, 0)
    plsc.subcore_barrier()

    def blk(b, carry):
        cbase = wid * EPW + b * CHUNK
        pltpu.sync_copy(ii1.at[pl.ds(cbase, CHUNK)], ii_c)
        pltpu.sync_copy(jj1.at[pl.ds(cbase, CHUNK)], jj_c)
        pltpu.sync_copy(de.at[pl.ds(cbase, CHUNK)], de_c)

        def neg(e, c2):
            nde_c[e, pl.ds(0, 16)] = -de_c[e, pl.ds(0, 16)]
            return c2

        lax.fori_loop(0, CHUNK, neg, 0)
        pltpu.sync_copy(de_c, f_sh.at[ii_c], add=True)
        pltpu.sync_copy(nde_c, f_sh.at[jj_c], add=True)
        return carry

    lax.fori_loop(0, CPW, blk, 0)
    plsc.subcore_barrier()
    pltpu.sync_copy(f_sh.at[pl.ds(r0, RPS)], out.at[cid, pl.ds(r0, RPS)])

    @pl.when(sid == NS - 1)
    def _():
        pltpu.sync_copy(f_sh.at[pl.ds(TOFF, TAIL)], out.at[cid, pl.ds(TOFF, TAIL)])



def _padc(w, cols):
    return jnp.pad(w, ((0, 0), (0, cols - w.shape[1])))


def _padr(w, rows):
    return jnp.pad(w, ((0, rows - w.shape[0]), (0, 0)))


def kernel(x, edge_index, edge_weight, emb, mlp_W1, mlp_b1, mlp_W2, mlp_b2,
           lin1_W, lin2_W, lin2_b, out_W1, out_b1, out_W2, out_b2):
    ii1 = edge_index[0].astype(jnp.int32)
    jj1 = edge_index[1].astype(jnp.int32)
    x_col = x.astype(jnp.int32).reshape(N, 1)
    emb_pad = jnp.zeros((H, H), jnp.float32).at[: emb.shape[0]].set(emb)
    zn = jnp.zeros((N, H), jnp.float32)

    w2p = jnp.pad(mlp_W2, ((0, 0), (0, 0), (0, H - FD)))
    b2p = jnp.pad(mlp_b2, ((0, 0), (0, H - FD)))
    w1t = jnp.swapaxes(mlp_W1, 1, 2)
    w2tp = jnp.pad(jnp.swapaxes(mlp_W2, 1, 2), ((0, 0), (0, H - FD), (0, 0)))
    l1w0p = _padc(lin1_W[0], H)
    l1w1p = _padc(lin1_W[1], H)
    l2w0p = _padr(lin2_W[0], H)
    l2w1p = _padr(lin2_W[1], H)
    l2w0tp = _padc(lin2_W[0].T, H)
    l2w1tp = _padc(lin2_W[1].T, H)
    l1w1tp = _padr(lin1_W[1].T, H)

    wf0, wf1 = _filter_fwd(edge_weight, mlp_W1, mlp_b1, w2p, b2p)
    h0, hp0 = _emb(x_col, emb_pad, l1w0p)
    aggp0 = _sc_fwd(hp0, wf0, ii1, jj1, zn)
    h1, hp1, agg0 = _node1(h0, aggp0, l2w0p, lin2_b[0:1], l1w1p)
    aggp1 = _sc_fwd(hp1, wf1, ii1, jj1, zn)
    gh2, gagg1, es_blk = _node2(
        h1, aggp1, l2w1p, lin2_b[1:2], out_W1, out_b1.reshape(1, FD),
        out_W2.T, out_W1.T, l2w1tp)
    gw1, gpp = _sc_bwd1(gagg1, hp1, wf1, ii1, jj1, zn)
    gagg0 = _node3(gh2, gpp, l1w1tp, agg0, l2w0p, lin2_b[0:1], l2w0tp)
    gw0 = _sc_bwd0(gagg0, hp0, ii1, jj1)
    de, sig_blk = _filter_bwd(edge_weight, gw0, gw1, mlp_W1, mlp_b1,
                              w2p, b2p, w1t, w2tp)
    fpart = _sc_force(de, ii1, jj1, zn)

    e_sum = es_blk[0, 0] + N * out_b2[0]
    forces = (fpart[0] + fpart[1])[:, :3]
    sig = sig_blk[0, :9].reshape(3, 3)
    sigma = 0.5 * (sig + sig.T)
    return (e_sum, forces, sigma)

# --- scband reference (transcript-rebuilt; emitter-appended) ---
"""Pipeline reference for scband-sch-net-model-90151363543798 (READ-ONLY COPY).

The authoritative reference and input builder live on the scoring server;
editing this copy changes nothing except your own understanding.
"""

import jax, jax.numpy as jnp
import numpy as np

N_NODES = 10000
N_EDGES = 320000
HIDDEN = 128
N_RADIAL = 32
FILTERS = 64
N_INTER = 2
CUTOFF = 5.0
TYPE_NUM = 100


def sp(v):
    return jax.nn.softplus(v) - jnp.log(2.0)


def envelope(d):
    u = jnp.clip(d / CUTOFF, 0.0, 1.0)
    return 1.0 - (6.0 * u**5 - 15.0 * u**4 + 10.0 * u**3)


def rbf(d):
    offsets = jnp.linspace(0.0, CUTOFF, N_RADIAL)
    coeff = -0.5 / (offsets[1] - offsets[0]) ** 2
    return jnp.exp(coeff * (d[:, None] - offsets[None, :]) ** 2)


def setup_inputs(seed: int = 0):
    key = jax.random.key(seed)
    ks = jax.random.split(key, 16)
    return {
        'x': jax.random.randint(ks[0], (N_NODES,), 0, TYPE_NUM),
        'edge_index': jax.random.randint(ks[1], (2, N_EDGES), 0, N_NODES),
        'edge_weight': jax.random.normal(ks[2], (N_EDGES, 3), dtype=jnp.float32),
        'emb': jax.random.normal(ks[3], (TYPE_NUM, HIDDEN), dtype=jnp.float32) * 0.1,
        'mlp_W1': jax.random.normal(ks[4], (N_INTER, N_RADIAL, FILTERS), dtype=jnp.float32) * 0.05,
        'mlp_b1': jnp.zeros((N_INTER, FILTERS), dtype=jnp.float32),
        'mlp_W2': jax.random.normal(ks[5], (N_INTER, FILTERS, FILTERS), dtype=jnp.float32) * 0.05,
        'mlp_b2': jnp.zeros((N_INTER, FILTERS), dtype=jnp.float32),
        'lin1_W': jax.random.normal(ks[6], (N_INTER, HIDDEN, FILTERS), dtype=jnp.float32) * 0.05,
        'lin2_W': jax.random.normal(ks[7], (N_INTER, FILTERS, HIDDEN), dtype=jnp.float32) * 0.05,
        'lin2_b': jnp.zeros((N_INTER, HIDDEN), dtype=jnp.float32),
        'out_W1': jax.random.normal(ks[8], (HIDDEN, HIDDEN // 2), dtype=jnp.float32) * 0.05,
        'out_b1': jnp.zeros((HIDDEN // 2,), dtype=jnp.float32),
        'out_W2': jax.random.normal(ks[9], (HIDDEN // 2, 1), dtype=jnp.float32) * 0.05,
        'out_b2': jnp.zeros((1,), dtype=jnp.float32),
    }


def reference(x, edge_index, edge_weight, emb, mlp_W1, mlp_b1, mlp_W2, mlp_b2, lin1_W, lin2_W, lin2_b, out_W1, out_b1, out_W2, out_b2):
    i_idx = edge_index[0]
    j_idx = edge_index[1]

    def energy_of(ew):
        d = jnp.linalg.norm(ew, axis=-1)
        edge_attr = rbf(d)
        env = envelope(d)
        h = emb[x]
        for t in range(N_INTER):
            W = (sp(edge_attr @ mlp_W1[t] + mlp_b1[t]) @ mlp_W2[t] + mlp_b2[t]) * env[:, None]
            messages = W * (h[j_idx] @ lin1_W[t])
            agg = jnp.zeros((N_NODES, FILTERS), dtype=h.dtype).at[i_idx].add(messages)
            h = h + sp(agg @ lin2_W[t] + lin2_b[t])
        energy = sp(h @ out_W1 + out_b1) @ out_W2 + out_b2
        return energy.sum(), energy

    (e_sum, energy), diff_E = jax.value_and_grad(energy_of, has_aux=True)(edge_weight)
    sigma_ij = jnp.einsum('pk,pl->pkl', edge_weight, diff_E)
    force_i = jnp.zeros((N_NODES, 3), dtype=jnp.float32).at[i_idx].add(diff_E)
    force_j = jnp.zeros((N_NODES, 3), dtype=jnp.float32).at[j_idx].add(-diff_E)
    forces = force_i + force_j
    sigma = sigma_ij.sum(axis=0)
    sigma = 0.5 * (sigma + sigma.T)
    return (e_sum, forces, sigma)

if __name__ == "__main__":
    import jax
    _d = setup_inputs()
    print(jax.jit(kernel)(*tuple(_d.values())))

</pallas_src>

<mosaic_0001>
#map = affine_map<(d0, d1) -> (0, 0)>
#map1 = affine_map<(d0, d1) -> (0)>
#map2 = affine_map<(d0, d1) -> (0, 0, 0)>
module attributes {stable_mosaic.version = 14 : i64} {
  func.func @_sc_fwd(%arg0: i32, %arg1: i32, %arg2: memref<10000x128xf32, #tpu.memory_space<hbm>>, %arg3: memref<320000x128xf32, #tpu.memory_space<hbm>>, %arg4: memref<320000xi32, #tpu.memory_space<hbm>>, %arg5: memref<320000xi32, #tpu.memory_space<hbm>>, %arg6: memref<10000x128xf32, #tpu.memory_space<hbm>>, %arg7: memref<2x10000x128xf32, #tpu.memory_space<hbm>>, %arg8: memref<80xi32, #tpu.memory_space<vmem>>, %arg9: memref<80xi32, #tpu.memory_space<vmem>>, %arg10: memref<80x128xf32, #tpu.memory_space<vmem>>, %arg11: memref<80x128xf32, #tpu.memory_space<vmem>>, %arg12: memref<10000x128xf32, #tpu.memory_space<vmem_shared>>, %arg13: memref<!tpu.dma_semaphore, #tpu.memory_space<semaphore_mem>>) attributes {dimension_semantics = [#tpu.dimension_semantics<core_parallel>, #tpu.dimension_semantics<subcore_parallel>], iteration_bounds = array<i64: 2, 16>, scalar_prefetch = 0 : i64, scratch_operands = 6 : i64, tpu.core_type = #tpu.core_type<sc_vector_subcore>, window_params = [{transform_indices = #map}, {transform_indices = #map}, {transform_indices = #map1}, {transform_indices = #map1}, {transform_indices = #map}, {transform_indices = #map2}]} {
    %mul3A = arith.constant 2 : i32
    %mul3A_0 = arith.muli %arg1, %mul3A : i32
    %add3A = arith.addi %mul3A_0, %arg0 : i32
    %mul3A_1 = arith.constant 624 : i32
    %mul3A_2 = arith.muli %arg1, %mul3A_1 : i32
    "tpu.region"() ({
      %run_scoped3A = tpu.sem_alloc : memref<!tpu.dma_semaphore, #tpu.memory_space<semaphore_mem>>
      %dma_start3A = arith.constant 0 : i32
      %dma_start3A_16 = tpu.memref_slice %arg12[%mul3A_2, %dma_start3A] : memref<10000x128xf32, #tpu.memory_space<vmem_shared>> -> memref<624x128xf32, #tpu.memory_space<vmem_shared>>
      %dma_start3A_17 = arith.constant 0 : i32
      %dma_start3A_18 = tpu.memref_slice %arg6[%mul3A_2, %dma_start3A_17] : memref<10000x128xf32, #tpu.memory_space<hbm>> -> memref<624x128xf32, #tpu.memory_space<hbm>>
      tpu.enqueue_dma source(%dma_start3A_18 : memref<624x128xf32, #tpu.memory_space<hbm>>) target(%dma_start3A_16 : memref<624x128xf32, #tpu.memory_space<vmem_shared>>) target_semaphore(%run_scoped3A : memref<!tpu.dma_semaphore, #tpu.memory_space<semaphore_mem>>)
      %dma_wait3A = arith.constant 0 : i32
      %dma_wait3A_19 = tpu.memref_slice %arg12[%mul3A_2, %dma_wait3A] : memref<10000x128xf32, #tpu.memory_space<vmem_shared>> -> memref<624x128xf32, #tpu.memory_space<vmem_shared>>
      %dma_wait3A_20 = arith.constant 0 : i32
      %dma_wait3A_21 = tpu.memref_slice %arg6[%mul3A_2, %dma_wait3A_20] : memref<10000x128xf32, #tpu.memory_space<hbm>> -> memref<624x128xf32, #tpu.memory_space<hbm>>
      tpu.wait_dma2 semaphore(%run_scoped3A : memref<!tpu.dma_semaphore, #tpu.memory_space<semaphore_mem>>) src(%dma_wait3A_21 : memref<624x128xf32, #tpu.memory_space<hbm>>) dst(%dma_wait3A_19 : memref<624x128xf32, #tpu.memory_space<vmem_shared>>)
      tpu.yield
    }) : () -> ()
    %eq3A = arith.constant 15 : i32
    %eq3A_3 = arith.cmpi eq, %arg1, %eq3A : i32
    %convert_element_type3A = arith.extui %eq3A_3 : i1 to i32
    %cond3A = arith.constant 0 : i32
    %cond3A_4 = arith.cmpi ne, %convert_element_type3A, %cond3A : i32
    scf.if %cond3A_4 {
      "tpu.region"() ({
        %run_scoped3A = tpu.sem_alloc : memref<!tpu.dma_semaphore, #tpu.memory_space<semaphore_mem>>
        %dma_start3A = arith.constant 9984 : i32
        %dma_start3A_16 = arith.constant 0 : i32
        %dma_start3A_17 = tpu.memref_slice %arg12[%dma_start3A, %dma_start3A_16] : memref<10000x128xf32, #tpu.memory_space<vmem_shared>> -> memref<16x128xf32, #tpu.memory_space<vmem_shared>>
        %dma_start3A_18 = arith.constant 9984 : i32
        %dma_start3A_19 = arith.constant 0 : i32
        %dma_start3A_20 = tpu.memref_slice %arg6[%dma_start3A_18, %dma_start3A_19] : memref<10000x128xf32, #tpu.memory_space<hbm>> -> memref<16x128xf32, #tpu.memory_space<hbm>>
        tpu.enqueue_dma source(%dma_start3A_20 : memref<16x128xf32, #tpu.memory_space<hbm>>) target(%dma_start3A_17 : memref<16x128xf32, #tpu.memory_space<vmem_shared>>) target_semaphore(%run_scoped3A : memref<!tpu.dma_semaphore, #tpu.memory_space<semaphore_mem>>)
        %dma_wait3A = arith.constant 9984 : i32
        %dma_wait3A_21 = arith.constant 0 : i32
        %dma_wait3A_22 = tpu.memref_slice %arg12[%dma_wait3A, %dma_wait3A_21] : memref<10000x128xf32, #tpu.memory_space<vmem_shared>> -> memref<16x128xf32, #tpu.memory_space<vmem_shared>>
        %dma_wait3A_23 = arith.constant 9984 : i32
        %dma_wait3A_24 = arith.constant 0 : i32
        %dma_wait3A_25 = tpu.memref_slice %arg6[%dma_wait3A_23, %dma_wait3A_24] : memref<10000x128xf32, #tpu.memory_space<hbm>> -> memref<16x128xf32, #tpu.memory_space<hbm>>
        tpu.wait_dma2 semaphore(%run_scoped3A : memref<!tpu.dma_semaphore, #tpu.memory_space<semaphore_mem>>) src(%dma_wait3A_25 : memref<16x128xf32, #tpu.memory_space<hbm>>) dst(%dma_wait3A_22 : memref<16x128xf32, #tpu.memory_space<vmem_shared>>)
        tpu.yield
      }) : () -> ()
    } else {
    }
    %barrier3A = arith.constant 0 : index
    tpu.barrier barrier_id(%barrier3A)
    %scan3A = arith.constant 0 : i32
    %scan3A_5 = arith.constant 0 : i32
    %scan3A_6 = arith.constant 125 : i32
    %scan3A_7 = arith.addi %scan3A_5, %scan3A_6 : i32
    %scan3A_8 = arith.constant 1 : i32
    scf.for %scan3A_16 = %scan3A_5 to %scan3A_7 step %scan3A_8  : i32 {
      %mul3A_17 = arith.constant 10000 : i32
      %mul3A_18 = arith.muli %add3A, %mul3A_17 : i32
      %mul3A_19 = arith.constant 80 : i32
      %mul3A_20 = arith.muli %scan3A_16, %mul3A_19 : i32
      %add3A_21 = arith.addi %mul3A_18, %mul3A_20 : i32
      "tpu.region"() ({
        %run_scoped3A = tpu.sem_alloc : memref<!tpu.dma_semaphore, #tpu.memory_space<semaphore_mem>>
        %dma_start3A_32 = tpu.memref_slice %arg4[%add3A_21] : memref<320000xi32, #tpu.memory_space<hbm>> -> memref<80xi32, #tpu.memory_space<hbm>>
        %dma_start3A_33 = tpu.memref_slice %arg4[%add3A_21] : memref<320000xi32, #tpu.memory_space<hbm>> -> memref<80xi32, #tpu.memory_space<hbm>>
        tpu.enqueue_dma source(%dma_start3A_33 : memref<80xi32, #tpu.memory_space<hbm>>) target(%arg8 : memref<80xi32, #tpu.memory_space<vmem>>) target_semaphore(%run_scoped3A : memref<!tpu.dma_semaphore, #tpu.memory_space<semaphore_mem>>)
        %dma_wait3A_34 = tpu.memref_slice %arg4[%add3A_21] : memref<320000xi32, #tpu.memory_space<hbm>> -> memref<80xi32, #tpu.memory_space<hbm>>
        %dma_wait3A_35 = tpu.memref_slice %arg4[%add3A_21] : memref<320000xi32, #tpu.memory_space<hbm>> -> memref<80xi32, #tpu.memory_space<hbm>>
        tpu.wait_dma2 semaphore(%run_scoped3A : memref<!tpu.dma_semaphore, #tpu.memory_space<semaphore_mem>>) src(%dma_wait3A_35 : memref<80xi32, #tpu.memory_space<hbm>>) dst(%arg8 : memref<80xi32, #tpu.memory_space<vmem>>)
        tpu.yield
      }) : () -> ()
      "tpu.region"() ({
        %run_scoped3A = tpu.sem_alloc : memref<!tpu.dma_semaphore, #tpu.memory_space<semaphore_mem>>
        %dma_start3A_32 = tpu.memref_slice %arg5[%add3A_21] : memref<320000xi32, #tpu.memory_space<hbm>> -> memref<80xi32, #tpu.memory_space<hbm>>
        %dma_start3A_33 = tpu.memref_slice %arg5[%add3A_21] : memref<320000xi32, #tpu.memory_space<hbm>> -> memref<80xi32, #tpu.memory_space<hbm>>
        tpu.enqueue_dma source(%dma_start3A_33 : memref<80xi32, #tpu.memory_space<hbm>>) target(%arg9 : memref<80xi32, #tpu.memory_space<vmem>>) target_semaphore(%run_scoped3A : memref<!tpu.dma_semaphore, #tpu.memory_space<semaphore_mem>>)
        %dma_wait3A_34 = tpu.memref_slice %arg5[%add3A_21] : memref<320000xi32, #tpu.memory_space<hbm>> -> memref<80xi32, #tpu.memory_space<hbm>>
        %dma_wait3A_35 = tpu.memref_slice %arg5[%add3A_21] : memref<320000xi32, #tpu.memory_space<hbm>> -> memref<80xi32, #tpu.memory_space<hbm>>
        tpu.wait_dma2 semaphore(%run_scoped3A : memref<!tpu.dma_semaphore, #tpu.memory_space<semaphore_mem>>) src(%dma_wait3A_35 : memref<80xi32, #tpu.memory_space<hbm>>) dst(%arg9 : memref<80xi32, #tpu.memory_space<vmem>>)
        tpu.yield
      }) : () -> ()
      "tpu.region"() ({
        %run_scoped3A = tpu.sem_alloc : memref<!tpu.dma_semaphore, #tpu.memory_space<semaphore_mem>>
        %dma_start3A_32 = arith.constant 0 : i32
        %dma_start3A_33 = tpu.memref_slice %arg3[%add3A_21, %dma_start3A_32] : memref<320000x128xf32, #tpu.memory_space<hbm>> -> memref<80x128xf32, #tpu.memory_space<hbm>>
        %dma_start3A_34 = arith.constant 0 : i32
        %dma_start3A_35 = tpu.memref_slice %arg3[%add3A_21, %dma_start3A_34] : memref<320000x128xf32, #tpu.memory_space<hbm>> -> memref<80x128xf32, #tpu.memory_space<hbm>>
        tpu.enqueue_dma source(%dma_start3A_35 : memref<80x128xf32, #tpu.memory_space<hbm>>) target(%arg11 : memref<80x128xf32, #tpu.memory_space<vmem>>) target_semaphore(%run_scoped3A : memref<!tpu.dma_semaphore, #tpu.memory_space<semaphore_mem>>)
        %dma_wait3A_36 = arith.constant 0 : i32
        %dma_wait3A_37 = tpu.memref_slice %arg3[%add3A_21, %dma_wait3A_36] : memref<320000x128xf32, #tpu.memory_space<hbm>> -> memref<80x128xf32, #tpu.memory_space<hbm>>
        %dma_wait3A_38 = arith.constant 0 : i32
        %dma_wait3A_39 = tpu.memref_slice %arg3[%add3A_21, %dma_wait3A_38] : memref<320000x128xf32, #tpu.memory_space<hbm>> -> memref<80x128xf32, #tpu.memory_space<hbm>>
        tpu.wait_dma2 semaphore(%run_scoped3A : memref<!tpu.dma_semaphore, #tpu.memory_space<semaphore_mem>>) src(%dma_wait3A_39 : memref<80x128xf32, #tpu.memory_space<hbm>>) dst(%arg11 : memref<80x128xf32, #tpu.memory_space<vmem>>)
        tpu.yield
      }) : () -> ()
      %dma_start3A = arith.constant 0 : i32
      %dma_start3A_22 = arith.constant 0 : i32
      %dma_start3A_23 = tpu.memref_slice %arg2[%dma_start3A, %dma_start3A_22] : memref<10000x128xf32, #tpu.memory_space<hbm>> -> memref<10000x128xf32, #tpu.memory_space<hbm>>
      tpu.enqueue_indirect_dma source(%dma_start3A_23 : memref<10000x128xf32, #tpu.memory_space<hbm>>) target(%arg10 : memref<80x128xf32, #tpu.memory_space<vmem>>) offsets(%arg9 : memref<80xi32, #tpu.memory_space<vmem>>) semaphore(%arg13 : memref<!tpu.dma_semaphore, #tpu.memory_space<semaphore_mem>>)
      %dma_wait3A = arith.constant 0 : i32
      %dma_wait3A_24 = arith.constant 0 : i32
      %dma_wait3A_25 = tpu.memref_slice %arg2[%dma_wait3A, %dma_wait3A_24] : memref<10000x128xf32, #tpu.memory_space<hbm>> -> memref<10000x128xf32, #tpu.memory_space<hbm>>
      tpu.wait_indirect_dma semaphore(%arg13 : memref<!tpu.dma_semaphore, #tpu.memory_space<semaphore_mem>>) src(%dma_wait3A_25 : memref<10000x128xf32, #tpu.memory_space<hbm>>) dst(%arg10 : memref<80x128xf32, #tpu.memory_space<vmem>>)
      %scan3A_26 = arith.constant 0 : i32
      %scan3A_27 = arith.constant 0 : i32
      %scan3A_28 = arith.constant 80 : i32
      %scan3A_29 = arith.addi %scan3A_27, %scan3A_28 : i32
      %scan3A_30 = arith.constant 1 : i32
      scf.for %scan3A_32 = %scan3A_27 to %scan3A_29 step %scan3A_30  : i32 {
        %get3A = arith.index_cast %scan3A_32 : i32 to index
        %get3A_33 = arith.constant 0 : index
        %get3A_34 = tpu.vector_load %arg10[%get3A, %get3A_33] {strides = array<i32>} : memref<80x128xf32, #tpu.memory_space<vmem>>, vector<1x16xf32>,
        %get3A_35 = vector.shape_cast %get3A_34 : vector<1x16xf32> to vector<16xf32>
        %get3A_36 = arith.index_cast %scan3A_32 : i32 to index
        %get3A_37 = arith.constant 0 : index
        %get3A_38 = tpu.vector_load %arg11[%get3A_36, %get3A_37] {strides = array<i32>} : memref<80x128xf32, #tpu.memory_space<vmem>>, vector<1x16xf32>,
        %get3A_39 = vector.shape_cast %get3A_38 : vector<1x16xf32> to vector<16xf32>
        %mul3A_40 = arith.mulf %get3A_35, %get3A_39 : vector<16xf32>
        %swap3A = arith.index_cast %scan3A_32 : i32 to index
        %swap3A_41 = arith.constant 0 : index
        %swap3A_42 = tpu.vector_load %arg11[%swap3A, %swap3A_41] {strides = array<i32>} : memref<80x128xf32, #tpu.memory_space<vmem>>, vector<1x16xf32>,
        %swap3A_43 = vector.shape_cast %swap3A_42 : vector<1x16xf32> to vector<16xf32>
        %swap3A_44 = vector.shape_cast %mul3A_40 : vector<16xf32> to vector<1x16xf32>
        tpu.vector_store %arg11[%swap3A, %swap3A_41], %swap3A_44 {strides = array<i32>} : memref<80x128xf32, #tpu.memory_space<vmem>>, vector<1x16xf32>,
        %get3A_45 = arith.index_cast %scan3A_32 : i32 to index
        %get3A_46 = arith.constant 16 : index
        %get3A_47 = tpu.vector_load %arg10[%get3A_45, %get3A_46] {strides = array<i32>} : memref<80x128xf32, #tpu.memory_space<vmem>>, vector<1x16xf32>,
        %get3A_48 = vector.shape_cast %get3A_47 : vector<1x16xf32> to vector<16xf32>
        %get3A_49 = arith.index_cast %scan3A_32 : i32 to index
        %get3A_50 = arith.constant 16 : index
        %get3A_51 = tpu.vector_load %arg11[%get3A_49, %get3A_50] {strides = array<i32>} : memref<80x128xf32, #tpu.memory_space<vmem>>, vector<1x16xf32>,
        %get3A_52 = vector.shape_cast %get3A_51 : vector<1x16xf32> to vector<16xf32>
        %mul3A_53 = arith.mulf %get3A_48, %get3A_52 : vector<16xf32>
        %swap3A_54 = arith.index_cast %scan3A_32 : i32 to index
        %swap3A_55 = arith.constant 16 : index
        %swap3A_56 = tpu.vector_load %arg11[%swap3A_54, %swap3A_55] {strides = array<i32>} : memref<80x128xf32, #tpu.memory_space<vmem>>, vector<1x16xf32>,
        %swap3A_57 = vector.shape_cast %swap3A_56 : vector<1x16xf32> to vector<16xf32>
        %swap3A_58 = vector.shape_cast %mul3A_53 : vector<16xf32> to vector<1x16xf32>
        tpu.vector_store %arg11[%swap3A_54, %swap3A_55], %swap3A_58 {strides = array<i32>} : memref<80x128xf32, #tpu.memory_space<vmem>>, vector<1x16xf32>,
        %get3A_59 = arith.index_cast %scan3A_32 : i32 to index
        %get3A_60 = arith.constant 32 : index
        %get3A_61 = tpu.vector_load %arg10[%get3A_59, %get3A_60] {strides = array<i32>} : memref<80x128xf32, #tpu.memory_space<vmem>>, vector<1x16xf32>,
        %get3A_62 = vector.shape_cast %get3A_61 : vector<1x16xf32> to vector<16xf32>
        %get3A_63 = arith.index_cast %scan3A_32 : i32 to index
        %get3A_64 = arith.constant 32 : index
        %get3A_65 = tpu.vector_load %arg11[%get3A_63, %get3A_64] {strides = array<i32>} : memref<80x128xf32, #tpu.memory_space<vmem>>, vector<1x16xf32>,
        %get3A_66 = vector.shape_cast %get3A_65 : vector<1x16xf32> to vector<16xf32>
        %mul3A_67 = arith.mulf %get3A_62, %get3A_66 : vector<16xf32>
        %swap3A_68 = arith.index_cast %scan3A_32 : i32 to index
        %swap3A_69 = arith.constant 32 : index
        %swap3A_70 = tpu.vector_load %arg11[%swap3A_68, %swap3A_69] {strides = array<i32>} : memref<80x128xf32, #tpu.memory_space<vmem>>, vector<1x16xf32>,
        %swap3A_71 = vector.shape_cast %swap3A_70 : vector<1x16xf32> to vector<16xf32>
        %swap3A_72 = vector.shape_cast %mul3A_67 : vector<16xf32> to vector<1x16xf32>
        tpu.vector_store %arg11[%swap3A_68, %swap3A_69], %swap3A_72 {strides = array<i32>} : memref<80x128xf32, #tpu.memory_space<vmem>>, vector<1x16xf32>,
        %get3A_73 = arith.index_cast %scan3A_32 : i32 to index
        %get3A_74 = arith.constant 48 : index
        %get3A_75 = tpu.vector_load %arg10[%get3A_73, %get3A_74] {strides = array<i32>} : memref<80x128xf32, #tpu.memory_space<vmem>>, vector<1x16xf32>,
        %get3A_76 = vector.shape_cast %get3A_75 : vector<1x16xf32> to vector<16xf32>
        %get3A_77 = arith.index_cast %scan3A_32 : i32 to index
        %get3A_78 = arith.constant 48 : index
        %get3A_79 = tpu.vector_load %arg11[%get3A_77, %get3A_78] {strides = array<i32>} : memref<80x128xf32, #tpu.memory_space<vmem>>, vector<1x16xf32>,
        %get3A_80 = vector.shape_cast %get3A_79 : vector<1x16xf32> to vector<16xf32>
        %mul3A_81 = arith.mulf %get3A_76, %get3A_80 : vector<16xf32>
        %swap3A_82 = arith.index_cast %scan3A_32 : i32 to index
        %swap3A_83 = arith.constant 48 : index
        %swap3A_84 = tpu.vector_load %arg11[%swap3A_82, %swap3A_83] {strides = array<i32>} : memref<80x128xf32, #tpu.memory_space<vmem>>, vector<1x16xf32>,
        %swap3A_85 = vector.shape_cast %swap3A_84 : vector<1x16xf32> to vector<16xf32>
        %swap3A_86 = vector.shape_cast %mul3A_81 : vector<16xf32> to vector<1x16xf32>
        tpu.vector_store %arg11[%swap3A_82, %swap3A_83], %swap3A_86 {strides = array<i32>} : memref<80x128xf32, #tpu.memory_space<vmem>>, vector<1x16xf32>,
      }
      %scan3A_31 = arith.constant 80 : i32
      "tpu.region"() ({
        %run_scoped3A = tpu.sem_alloc : memref<!tpu.dma_semaphore, #tpu.memory_space<semaphore_mem>>
        %dma_start3A_32 = arith.constant 0 : i32
        %dma_start3A_33 = arith.constant 0 : i32
        %dma_start3A_34 = tpu.memref_slice %arg12[%dma_start3A_32, %dma_start3A_33] : memref<10000x128xf32, #tpu.memory_space<vmem_shared>> -> memref<10000x128xf32, #tpu.memory_space<vmem_shared>>
        tpu.enqueue_indirect_dma source(%arg11 : memref<80x128xf32, #tpu.memory_space<vmem>>) target(%dma_start3A_34 : memref<10000x128xf32, #tpu.memory_space<vmem_shared>>) offsets(%arg8 : memref<80xi32, #tpu.memory_space<vmem>>) semaphore(%run_scoped3A : memref<!tpu.dma_semaphore, #tpu.memory_space<semaphore_mem>>) {add = true}
        %dma_wait3A_35 = arith.constant 0 : i32
        %dma_wait3A_36 = arith.constant 0 : i32
        %dma_wait3A_37 = tpu.memref_slice %arg12[%dma_wait3A_35, %dma_wait3A_36] : memref<10000x128xf32, #tpu.memory_space<vmem_shared>> -> memref<10000x128xf32, #tpu.memory_space<vmem_shared>>
        tpu.wait_indirect_dma semaphore(%run_scoped3A : memref<!tpu.dma_semaphore, #tpu.memory_space<semaphore_mem>>) src(%arg11 : memref<80x128xf32, #tpu.memory_space<vmem>>) dst(%dma_wait3A_37 : memref<10000x128xf32, #tpu.memory_space<vmem_shared>>)
        tpu.yield
      }) : () -> ()
    }
    %scan3A_9 = arith.constant 125 : i32
    %barrier3A_10 = arith.constant 0 : index
    tpu.barrier barrier_id(%barrier3A_10)
    "tpu.region"() ({
      %run_scoped3A = tpu.sem_alloc : memref<!tpu.dma_semaphore, #tpu.memory_space<semaphore_mem>>
      %dma_start3A = arith.constant 0 : i32
      %dma_start3A_16 = tpu.memref_slice %arg7[%arg0, %mul3A_2, %dma_start3A] : memref<2x10000x128xf32, #tpu.memory_space<hbm>> -> memref<1x624x128xf32, #tpu.memory_space<hbm>>
      %dma_start3A_17 = tpu.memref_squeeze %dma_start3A_16 : memref<1x624x128xf32, #tpu.memory_space<hbm>> -> memref<624x128xf32, #tpu.memory_space<hbm>>
      %dma_start3A_18 = arith.constant 0 : i32
      %dma_start3A_19 = tpu.memref_slice %arg12[%mul3A_2, %dma_start3A_18] : memref<10000x128xf32, #tpu.memory_space<vmem_shared>> -> memref<624x128xf32, #tpu.memory_space<vmem_shared>>
      tpu.enqueue_dma source(%dma_start3A_19 : memref<624x128xf32, #tpu.memory_space<vmem_shared>>) target(%dma_start3A_17 : memref<624x128xf32, #tpu.memory_space<hbm>>) target_semaphore(%run_scoped3A : memref<!tpu.dma_semaphore, #tpu.memory_space<semaphore_mem>>)
      %dma_wait3A = arith.constant 0 : i32
      %dma_wait3A_20 = tpu.memref_slice %arg7[%arg0, %mul3A_2, %dma_wait3A] : memref<2x10000x128xf32, #tpu.memory_space<hbm>> -> memref<1x624x128xf32, #tpu.memory_space<hbm>>
      %dma_wait3A_21 = tpu.memref_squeeze %dma_wait3A_20 : memref<1x624x128xf32, #tpu.memory_space<hbm>> -> memref<624x128xf32, #tpu.memory_space<hbm>>
      %dma_wait3A_22 = arith.constant 0 : i32
      %dma_wait3A_23 = tpu.memref_slice %arg12[%mul3A_2, %dma_wait3A_22] : memref<10000x128xf32, #tpu.memory_space<vmem_shared>> -> memref<624x128xf32, #tpu.memory_space<vmem_shared>>
      tpu.wait_dma2 semaphore(%run_scoped3A : memref<!tpu.dma_semaphore, #tpu.memory_space<semaphore_mem>>) src(%dma_wait3A_23 : memref<624x128xf32, #tpu.memory_space<vmem_shared>>) dst(%dma_wait3A_21 : memref<624x128xf32, #tpu.memory_space<hbm>>)
      tpu.yield
    }) : () -> ()
    %eq3A_11 = arith.constant 15 : i32
    %eq3A_12 = arith.cmpi eq, %arg1, %eq3A_11 : i32
    %convert_element_type3A_13 = arith.extui %eq3A_12 : i1 to i32
    %cond3A_14 = arith.constant 0 : i32
    %cond3A_15 = arith.cmpi ne, %convert_element_type3A_13, %cond3A_14 : i32
    scf.if %cond3A_15 {
      "tpu.region"() ({
        %run_scoped3A = tpu.sem_alloc : memref<!tpu.dma_semaphore, #tpu.memory_space<semaphore_mem>>
        %dma_start3A = arith.constant 9984 : i32
        %dma_start3A_16 = arith.constant 0 : i32
        %dma_start3A_17 = tpu.memref_slice %arg7[%arg0, %dma_start3A, %dma_start3A_16] : memref<2x10000x128xf32, #tpu.memory_space<hbm>> -> memref<1x16x128xf32, #tpu.memory_space<hbm>>
        %dma_start3A_18 = tpu.memref_squeeze %dma_start3A_17 : memref<1x16x128xf32, #tpu.memory_space<hbm>> -> memref<16x128xf32, #tpu.memory_space<hbm>>
        %dma_start3A_19 = arith.constant 9984 : i32
        %dma_start3A_20 = arith.constant 0 : i32
        %dma_start3A_21 = tpu.memref_slice %arg12[%dma_start3A_19, %dma_start3A_20] : memref<10000x128xf32, #tpu.memory_space<vmem_shared>> -> memref<16x128xf32, #tpu.memory_space<vmem_shared>>
        tpu.enqueue_dma source(%dma_start3A_21 : memref<16x128xf32, #tpu.memory_space<vmem_shared>>) target(%dma_start3A_18 : memref<16x128xf32, #tpu.memory_space<hbm>>) target_semaphore(%run_scoped3A : memref<!tpu.dma_semaphore, #tpu.memory_space<semaphore_mem>>)
        %dma_wait3A = arith.constant 9984 : i32
        %dma_wait3A_22 = arith.constant 0 : i32
        %dma_wait3A_23 = tpu.memref_slice %arg7[%arg0, %dma_wait3A, %dma_wait3A_22] : memref<2x10000x128xf32, #tpu.memory_space<hbm>> -> memref<1x16x128xf32, #tpu.memory_space<hbm>>
        %dma_wait3A_24 = tpu.memref_squeeze %dma_wait3A_23 : memref<1x16x128xf32, #tpu.memory_space<hbm>> -> memref<16x128xf32, #tpu.memory_space<hbm>>
        %dma_wait3A_25 = arith.constant 9984 : i32
        %dma_wait3A_26 = arith.constant 0 : i32
        %dma_wait3A_27 = tpu.memref_slice %arg12[%dma_wait3A_25, %dma_wait3A_26] : memref<10000x128xf32, #tpu.memory_space<vmem_shared>> -> memref<16x128xf32, #tpu.memory_space<vmem_shared>>
        tpu.wait_dma2 semaphore(%run_scoped3A : memref<!tpu.dma_semaphore, #tpu.memory_space<semaphore_mem>>) src(%dma_wait3A_27 : memref<16x128xf32, #tpu.memory_space<vmem_shared>>) dst(%dma_wait3A_24 : memref<16x128xf32, #tpu.memory_space<hbm>>)
        tpu.yield
      }) : () -> ()
    } else {
    }
    return
  }
}

#map = affine_map<(d0, d1) -> (0, 0)>
#map1 = affine_map<(d0, d1) -> (0)>
module attributes {stable_mosaic.version = 14 : i64} {
  func.func @_sc_bwd0(%arg0: i32, %arg1: i32, %arg2: memref<10000x128xf32, #tpu.memory_space<hbm>>, %arg3: memref<10000x128xf32, #tpu.memory_space<hbm>>, %arg4: memref<320000xi32, #tpu.memory_space<hbm>>, %arg5: memref<320000xi32, #tpu.memory_space<hbm>>, %arg6: memref<320000x128xf32, #tpu.memory_space<hbm>>, %arg7: memref<80xi32, #tpu.memory_space<vmem>>, %arg8: memref<80xi32, #tpu.memory_space<vmem>>, %arg9: memref<80x128xf32, #tpu.memory_space<vmem>>, %arg10: memref<80x128xf32, #tpu.memory_space<vmem>>, %arg11: memref<!tpu.dma_semaphore, #tpu.memory_space<semaphore_mem>>) attributes {dimension_semantics = [#tpu.dimension_semantics<core_parallel>, #tpu.dimension_semantics<subcore_parallel>], iteration_bounds = array<i64: 2, 16>, scalar_prefetch = 0 : i64, scratch_operands = 5 : i64, tpu.core_type = #tpu.core_type<sc_vector_subcore>, window_params = [{transform_indices = #map}, {transform_indices = #map}, {transform_indices = #map1}, {transform_indices = #map1}, {transform_indices = #map}]} {
    %mul3A = arith.constant 2 : i32
    %mul3A_0 = arith.muli %arg1, %mul3A : i32
    %add3A = arith.addi %mul3A_0, %arg0 : i32
    %scan3A = arith.constant 0 : i32
    %scan3A_1 = arith.constant 0 : i32
    %scan3A_2 = arith.constant 125 : i32
    %scan3A_3 = arith.addi %scan3A_1, %scan3A_2 : i32
    %scan3A_4 = arith.constant 1 : i32
    scf.for %scan3A_6 = %scan3A_1 to %scan3A_3 step %scan3A_4  : i32 {
      %mul3A_7 = arith.constant 10000 : i32
      %mul3A_8 = arith.muli %add3A, %mul3A_7 : i32
      %mul3A_9 = arith.constant 80 : i32
      %mul3A_10 = arith.muli %scan3A_6, %mul3A_9 : i32
      %add3A_11 = arith.addi %mul3A_8, %mul3A_10 : i32
      "tpu.region"() ({
        %run_scoped3A = tpu.sem_alloc : memref<!tpu.dma_semaphore, #tpu.memory_space<semaphore_mem>>
        %dma_start3A_28 = tpu.memref_slice %arg4[%add3A_11] : memref<320000xi32, #tpu.memory_space<hbm>> -> memref<80xi32, #tpu.memory_space<hbm>>
        %dma_start3A_29 = tpu.memref_slice %arg4[%add3A_11] : memref<320000xi32, #tpu.memory_space<hbm>> -> memref<80xi32, #tpu.memory_space<hbm>>
        tpu.enqueue_dma source(%dma_start3A_29 : memref<80xi32, #tpu.memory_space<hbm>>) target(%arg7 : memref<80xi32, #tpu.memory_space<vmem>>) target_semaphore(%run_scoped3A : memref<!tpu.dma_semaphore, #tpu.memory_space<semaphore_mem>>)
        %dma_wait3A_30 = tpu.memref_slice %arg4[%add3A_11] : memref<320000xi32, #tpu.memory_space<hbm>> -> memref<80xi32, #tpu.memory_space<hbm>>
        %dma_wait3A_31 = tpu.memref_slice %arg4[%add3A_11] : memref<320000xi32, #tpu.memory_space<hbm>> -> memref<80xi32, #tpu.memory_space<hbm>>
        tpu.wait_dma2 semaphore(%run_scoped3A : memref<!tpu.dma_semaphore, #tpu.memory_space<semaphore_mem>>) src(%dma_wait3A_31 : memref<80xi32, #tpu.memory_space<hbm>>) dst(%arg7 : memref<80xi32, #tpu.memory_space<vmem>>)
        tpu.yield
      }) : () -> ()
      "tpu.region"() ({
        %run_scoped3A = tpu.sem_alloc : memref<!tpu.dma_semaphore, #tpu.memory_space<semaphore_mem>>
        %dma_start3A_28 = tpu.memref_slice %arg5[%add3A_11] : memref<320000xi32, #tpu.memory_space<hbm>> -> memref<80xi32, #tpu.memory_space<hbm>>
        %dma_start3A_29 = tpu.memref_slice %arg5[%add3A_11] : memref<320000xi32, #tpu.memory_space<hbm>> -> memref<80xi32, #tpu.memory_space<hbm>>
        tpu.enqueue_dma source(%dma_start3A_29 : memref<80xi32, #tpu.memory_space<hbm>>) target(%arg8 : memref<80xi32, #tpu.memory_space<vmem>>) target_semaphore(%run_scoped3A : memref<!tpu.dma_semaphore, #tpu.memory_space<semaphore_mem>>)
        %dma_wait3A_30 = tpu.memref_slice %arg5[%add3A_11] : memref<320000xi32, #tpu.memory_space<hbm>> -> memref<80xi32, #tpu.memory_space<hbm>>
        %dma_wait3A_31 = tpu.memref_slice %arg5[%add3A_11] : memref<320000xi32, #tpu.memory_space<hbm>> -> memref<80xi32, #tpu.memory_space<hbm>>
        tpu.wait_dma2 semaphore(%run_scoped3A : memref<!tpu.dma_semaphore, #tpu.memory_space<semaphore_mem>>) src(%dma_wait3A_31 : memref<80xi32, #tpu.memory_space<hbm>>) dst(%arg8 : memref<80xi32, #tpu.memory_space<vmem>>)
        tpu.yield
      }) : () -> ()
      %dma_start3A = arith.constant 0 : i32
      %dma_start3A_12 = arith.constant 0 : i32
      %dma_start3A_13 = tpu.memref_slice %arg2[%dma_start3A, %dma_start3A_12] : memref<10000x128xf32, #tpu.memory_space<hbm>> -> memref<10000x128xf32, #tpu.memory_space<hbm>>
      tpu.enqueue_indirect_dma source(%dma_start3A_13 : memref<10000x128xf32, #tpu.memory_space<hbm>>) target(%arg9 : memref<80x128xf32, #tpu.memory_space<vmem>>) offsets(%arg7 : memref<80xi32, #tpu.memory_space<vmem>>) semaphore(%arg11 : memref<!tpu.dma_semaphore, #tpu.memory_space<semaphore_mem>>)
      %dma_start3A_14 = arith.constant 0 : i32
      %dma_start3A_15 = arith.constant 0 : i32
      %dma_start3A_16 = tpu.memref_slice %arg3[%dma_start3A_14, %dma_start3A_15] : memref<10000x128xf32, #tpu.memory_space<hbm>> -> memref<10000x128xf32, #tpu.memory_space<hbm>>
      tpu.enqueue_indirect_dma source(%dma_start3A_16 : memref<10000x128xf32, #tpu.memory_space<hbm>>) target(%arg10 : memref<80x128xf32, #tpu.memory_space<vmem>>) offsets(%arg8 : memref<80xi32, #tpu.memory_space<vmem>>) semaphore(%arg11 : memref<!tpu.dma_semaphore, #tpu.memory_space<semaphore_mem>>)
      %dma_wait3A = arith.constant 0 : i32
      %dma_wait3A_17 = arith.constant 0 : i32
      %dma_wait3A_18 = tpu.memref_slice %arg2[%dma_wait3A, %dma_wait3A_17] : memref<10000x128xf32, #tpu.memory_space<hbm>> -> memref<10000x128xf32, #tpu.memory_space<hbm>>
      tpu.wait_indirect_dma semaphore(%arg11 : memref<!tpu.dma_semaphore, #tpu.memory_space<semaphore_mem>>) src(%dma_wait3A_18 : memref<10000x128xf32, #tpu.memory_space<hbm>>) dst(%arg9 : memref<80x128xf32, #tpu.memory_space<vmem>>)
      %dma_wait3A_19 = arith.constant 0 : i32
      %dma_wait3A_20 = arith.constant 0 : i32
      %dma_wait3A_21 = tpu.memref_slice %arg3[%dma_wait3A_19, %dma_wait3A_20] : memref<10000x128xf32, #tpu.memory_space<hbm>> -> memref<10000x128xf32, #tpu.memory_space<hbm>>
      tpu.wait_indirect_dma semaphore(%arg11 : memref<!tpu.dma_semaphore, #tpu.memory_space<semaphore_mem>>) src(%dma_wait3A_21 : memref<10000x128xf32, #tpu.memory_space<hbm>>) dst(%arg10 : memref<80x128xf32, #tpu.memory_space<vmem>>)
      %scan3A_22 = arith.constant 0 : i32
      %scan3A_23 = arith.constant 0 : i32
      %scan3A_24 = arith.constant 80 : i32
      %scan3A_25 = arith.addi %scan3A_23, %scan3A_24 : i32
      %scan3A_26 = arith.constant 1 : i32
      scf.for %scan3A_28 = %scan3A_23 to %scan3A_25 step %scan3A_26  : i32 {
        %get3A = arith.index_cast %scan3A_28 : i32 to index
        %get3A_29 = arith.constant 0 : index
        %get3A_30 = tpu.vector_load %arg9[%get3A, %get3A_29] {strides = array<i32>} : memref<80x128xf32, #tpu.memory_space<vmem>>, vector<1x16xf32>,
        %get3A_31 = vector.shape_cast %get3A_30 : vector<1x16xf32> to vector<16xf32>
        %get3A_32 = arith.index_cast %scan3A_28 : i32 to index
        %get3A_33 = arith.constant 0 : index
        %get3A_34 = tpu.vector_load %arg10[%get3A_32, %get3A_33] {strides = array<i32>} : memref<80x128xf32, #tpu.memory_space<vmem>>, vector<1x16xf32>,
        %get3A_35 = vector.shape_cast %get3A_34 : vector<1x16xf32> to vector<16xf32>
        %mul3A_36 = arith.mulf %get3A_31, %get3A_35 : vector<16xf32>
        %swap3A = arith.index_cast %scan3A_28 : i32 to index
        %swap3A_37 = arith.constant 0 : index
        %swap3A_38 = tpu.vector_load %arg10[%swap3A, %swap3A_37] {strides = array<i32>} : memref<80x128xf32, #tpu.memory_space<vmem>>, vector<1x16xf32>,
        %swap3A_39 = vector.shape_cast %swap3A_38 : vector<1x16xf32> to vector<16xf32>
        %swap3A_40 = vector.shape_cast %mul3A_36 : vector<16xf32> to vector<1x16xf32>
        tpu.vector_store %arg10[%swap3A, %swap3A_37], %swap3A_40 {strides = array<i32>} : memref<80x128xf32, #tpu.memory_space<vmem>>, vector<1x16xf32>,
        %get3A_41 = arith.index_cast %scan3A_28 : i32 to index
        %get3A_42 = arith.constant 16 : index
        %get3A_43 = tpu.vector_load %arg9[%get3A_41, %get3A_42] {strides = array<i32>} : memref<80x128xf32, #tpu.memory_space<vmem>>, vector<1x16xf32>,
        %get3A_44 = vector.shape_cast %get3A_43 : vector<1x16xf32> to vector<16xf32>
        %get3A_45 = arith.index_cast %scan3A_28 : i32 to index
        %get3A_46 = arith.constant 16 : index
        %get3A_47 = tpu.vector_load %arg10[%get3A_45, %get3A_46] {strides = array<i32>} : memref<80x128xf32, #tpu.memory_space<vmem>>, vector<1x16xf32>,
        %get3A_48 = vector.shape_cast %get3A_47 : vector<1x16xf32> to vector<16xf32>
        %mul3A_49 = arith.mulf %get3A_44, %get3A_48 : vector<16xf32>
        %swap3A_50 = arith.index_cast %scan3A_28 : i32 to index
        %swap3A_51 = arith.constant 16 : index
        %swap3A_52 = tpu.vector_load %arg10[%swap3A_50, %swap3A_51] {strides = array<i32>} : memref<80x128xf32, #tpu.memory_space<vmem>>, vector<1x16xf32>,
        %swap3A_53 = vector.shape_cast %swap3A_52 : vector<1x16xf32> to vector<16xf32>
        %swap3A_54 = vector.shape_cast %mul3A_49 : vector<16xf32> to vector<1x16xf32>
        tpu.vector_store %arg10[%swap3A_50, %swap3A_51], %swap3A_54 {strides = array<i32>} : memref<80x128xf32, #tpu.memory_space<vmem>>, vector<1x16xf32>,
        %get3A_55 = arith.index_cast %scan3A_28 : i32 to index
        %get3A_56 = arith.constant 32 : index
        %get3A_57 = tpu.vector_load %arg9[%get3A_55, %get3A_56] {strides = array<i32>} : memref<80x128xf32, #tpu.memory_space<vmem>>, vector<1x16xf32>,
        %get3A_58 = vector.shape_cast %get3A_57 : vector<1x16xf32> to vector<16xf32>
        %get3A_59 = arith.index_cast %scan3A_28 : i32 to index
        %get3A_60 = arith.constant 32 : index
        %get3A_61 = tpu.vector_load %arg10[%get3A_59, %get3A_60] {strides = array<i32>} : memref<80x128xf32, #tpu.memory_space<vmem>>, vector<1x16xf32>,
        %get3A_62 = vector.shape_cast %get3A_61 : vector<1x16xf32> to vector<16xf32>
        %mul3A_63 = arith.mulf %get3A_58, %get3A_62 : vector<16xf32>
        %swap3A_64 = arith.index_cast %scan3A_28 : i32 to index
        %swap3A_65 = arith.constant 32 : index
        %swap3A_66 = tpu.vector_load %arg10[%swap3A_64, %swap3A_65] {strides = array<i32>} : memref<80x128xf32, #tpu.memory_space<vmem>>, vector<1x16xf32>,
        %swap3A_67 = vector.shape_cast %swap3A_66 : vector<1x16xf32> to vector<16xf32>
        %swap3A_68 = vector.shape_cast %mul3A_63 : vector<16xf32> to vector<1x16xf32>
        tpu.vector_store %arg10[%swap3A_64, %swap3A_65], %swap3A_68 {strides = array<i32>} : memref<80x128xf32, #tpu.memory_space<vmem>>, vector<1x16xf32>,
        %get3A_69 = arith.index_cast %scan3A_28 : i32 to index
        %get3A_70 = arith.constant 48 : index
        %get3A_71 = tpu.vector_load %arg9[%get3A_69, %get3A_70] {strides = array<i32>} : memref<80x128xf32, #tpu.memory_space<vmem>>, vector<1x16xf32>,
        %get3A_72 = vector.shape_cast %get3A_71 : vector<1x16xf32> to vector<16xf32>
        %get3A_73 = arith.index_cast %scan3A_28 : i32 to index
        %get3A_74 = arith.constant 48 : index
        %get3A_75 = tpu.vector_load %arg10[%get3A_73, %get3A_74] {strides = array<i32>} : memref<80x128xf32, #tpu.memory_space<vmem>>, vector<1x16xf32>,
        %get3A_76 = vector.shape_cast %get3A_75 : vector<1x16xf32> to vector<16xf32>
        %mul3A_77 = arith.mulf %get3A_72, %get3A_76 : vector<16xf32>
        %swap3A_78 = arith.index_cast %scan3A_28 : i32 to index
        %swap3A_79 = arith.constant 48 : index
        %swap3A_80 = tpu.vector_load %arg10[%swap3A_78, %swap3A_79] {strides = array<i32>} : memref<80x128xf32, #tpu.memory_space<vmem>>, vector<1x16xf32>,
        %swap3A_81 = vector.shape_cast %swap3A_80 : vector<1x16xf32> to vector<16xf32>
        %swap3A_82 = vector.shape_cast %mul3A_77 : vector<16xf32> to vector<1x16xf32>
        tpu.vector_store %arg10[%swap3A_78, %swap3A_79], %swap3A_82 {strides = array<i32>} : memref<80x128xf32, #tpu.memory_space<vmem>>, vector<1x16xf32>,
      }
      %scan3A_27 = arith.constant 80 : i32
      "tpu.region"() ({
        %run_scoped3A = tpu.sem_alloc : memref<!tpu.dma_semaphore, #tpu.memory_space<semaphore_mem>>
        %dma_start3A_28 = arith.constant 0 : i32
        %dma_start3A_29 = tpu.memref_slice %arg6[%add3A_11, %dma_start3A_28] : memref<320000x128xf32, #tpu.memory_space<hbm>> -> memref<80x128xf32, #tpu.memory_space<hbm>>
        %dma_start3A_30 = arith.constant 0 : i32
        %dma_start3A_31 = tpu.memref_slice %arg6[%add3A_11, %dma_start3A_30] : memref<320000x128xf32, #tpu.memory_space<hbm>> -> memref<80x128xf32, #tpu.memory_space<hbm>>
        tpu.enqueue_dma source(%arg10 : memref<80x128xf32, #tpu.memory_space<vmem>>) target(%dma_start3A_31 : memref<80x128xf32, #tpu.memory_space<hbm>>) target_semaphore(%run_scoped3A : memref<!tpu.dma_semaphore, #tpu.memory_space<semaphore_mem>>)
        %dma_wait3A_32 = arith.constant 0 : i32
        %dma_wait3A_33 = tpu.memref_slice %arg6[%add3A_11, %dma_wait3A_32] : memref<320000x128xf32, #tpu.memory_space<hbm>> -> memref<80x128xf32, #tpu.memory_space<hbm>>
        %dma_wait3A_34 = arith.constant 0 : i32
        %dma_wait3A_35 = tpu.memref_slice %arg6[%add3A_11, %dma_wait3A_34] : memref<320000x128xf32, #tpu.memory_space<hbm>> -> memref<80x128xf32, #tpu.memory_space<hbm>>
        tpu.wait_dma2 semaphore(%run_scoped3A : memref<!tpu.dma_semaphore, #tpu.memory_space<semaphore_mem>>) src(%arg10 : memref<80x128xf32, #tpu.memory_space<vmem>>) dst(%dma_wait3A_35 : memref<80x128xf32, #tpu.memory_space<hbm>>)
        tpu.yield
      }) : () -> ()
    }
    %scan3A_5 = arith.constant 125 : i32
    return
  }
}

#map = affine_map<(d0, d1) -> (0, 0)>
#map1 = affine_map<(d0, d1) -> (0)>
#map2 = affine_map<(d0, d1) -> (0, 0, 0)>
module attributes {stable_mosaic.version = 14 : i64} {
  func.func @_sc_bwd1(%arg0: i32, %arg1: i32, %arg2: memref<10000x128xf32, #tpu.memory_space<hbm>>, %arg3: memref<10000x128xf32, #tpu.memory_space<hbm>>, %arg4: memref<320000x128xf32, #tpu.memory_space<hbm>>, %arg5: memref<320000xi32, #tpu.memory_space<hbm>>, %arg6: memref<320000xi32, #tpu.memory_space<hbm>>, %arg7: memref<10000x128xf32, #tpu.memory_space<hbm>>, %arg8: memref<320000x128xf32, #tpu.memory_space<hbm>>, %arg9: memref<2x10000x128xf32, #tpu.memory_space<hbm>>, %arg10: memref<80xi32, #tpu.memory_space<vmem>>, %arg11: memref<80xi32, #tpu.memory_space<vmem>>, %arg12: memref<80x128xf32, #tpu.memory_space<vmem>>, %arg13: memref<80x128xf32, #tpu.memory_space<vmem>>, %arg14: memref<80x128xf32, #tpu.memory_space<vmem>>, %arg15: memref<10000x128xf32, #tpu.memory_space<vmem_shared>>, %arg16: memref<!tpu.dma_semaphore, #tpu.memory_space<semaphore_mem>>) attributes {dimension_semantics = [#tpu.dimension_semantics<core_parallel>, #tpu.dimension_semantics<subcore_parallel>], iteration_bounds = array<i64: 2, 16>, scalar_prefetch = 0 : i64, scratch_operands = 7 : i64, tpu.core_type = #tpu.core_type<sc_vector_subcore>, window_params = [{transform_indices = #map}, {transform_indices = #map}, {transform_indices = #map}, {transform_indices = #map1}, {transform_indices = #map1}, {transform_indices = #map}, {transform_indices = #map}, {transform_indices = #map2}]} {
    %mul3A = arith.constant 2 : i32
    %mul3A_0 = arith.muli %arg1, %mul3A : i32
    %add3A = arith.addi %mul3A_0, %arg0 : i32
    %mul3A_1 = arith.constant 624 : i32
    %mul3A_2 = arith.muli %arg1, %mul3A_1 : i32
    "tpu.region"() ({
      %run_scoped3A = tpu.sem_alloc : memref<!tpu.dma_semaphore, #tpu.memory_space<semaphore_mem>>
      %dma_start3A = arith.constant 0 : i32
      %dma_start3A_16 = tpu.memref_slice %arg15[%mul3A_2, %dma_start3A] : memref<10000x128xf32, #tpu.memory_space<vmem_shared>> -> memref<624x128xf32, #tpu.memory_space<vmem_shared>>
      %dma_start3A_17 = arith.constant 0 : i32
      %dma_start3A_18 = tpu.memref_slice %arg7[%mul3A_2, %dma_start3A_17] : memref<10000x128xf32, #tpu.memory_space<hbm>> -> memref<624x128xf32, #tpu.memory_space<hbm>>
      tpu.enqueue_dma source(%dma_start3A_18 : memref<624x128xf32, #tpu.memory_space<hbm>>) target(%dma_start3A_16 : memref<624x128xf32, #tpu.memory_space<vmem_shared>>) target_semaphore(%run_scoped3A : memref<!tpu.dma_semaphore, #tpu.memory_space<semaphore_mem>>)
      %dma_wait3A = arith.constant 0 : i32
      %dma_wait3A_19 = tpu.memref_slice %arg15[%mul3A_2, %dma_wait3A] : memref<10000x128xf32, #tpu.memory_space<vmem_shared>> -> memref<624x128xf32, #tpu.memory_space<vmem_shared>>
      %dma_wait3A_20 = arith.constant 0 : i32
      %dma_wait3A_21 = tpu.memref_slice %arg7[%mul3A_2, %dma_wait3A_20] : memref<10000x128xf32, #tpu.memory_space<hbm>> -> memref<624x128xf32, #tpu.memory_space<hbm>>
      tpu.wait_dma2 semaphore(%run_scoped3A : memref<!tpu.dma_semaphore, #tpu.memory_space<semaphore_mem>>) src(%dma_wait3A_21 : memref<624x128xf32, #tpu.memory_space<hbm>>) dst(%dma_wait3A_19 : memref<624x128xf32, #tpu.memory_space<vmem_shared>>)
      tpu.yield
    }) : () -> ()
    %eq3A = arith.constant 15 : i32
    %eq3A_3 = arith.cmpi eq, %arg1, %eq3A : i32
    %convert_element_type3A = arith.extui %eq3A_3 : i1 to i32
    %cond3A = arith.constant 0 : i32
    %cond3A_4 = arith.cmpi ne, %convert_element_type3A, %cond3A : i32
    scf.if %cond3A_4 {
      "tpu.region"() ({
        %run_scoped3A = tpu.sem_alloc : memref<!tpu.dma_semaphore, #tpu.memory_space<semaphore_mem>>
        %dma_start3A = arith.constant 9984 : i32
        %dma_start3A_16 = arith.constant 0 : i32
        %dma_start3A_17 = tpu.memref_slice %arg15[%dma_start3A, %dma_start3A_16] : memref<10000x128xf32, #tpu.memory_space<vmem_shared>> -> memref<16x128xf32, #tpu.memory_space<vmem_shared>>
        %dma_start3A_18 = arith.constant 9984 : i32
        %dma_start3A_19 = arith.constant 0 : i32
        %dma_start3A_20 = tpu.memref_slice %arg7[%dma_start3A_18, %dma_start3A_19] : memref<10000x128xf32, #tpu.memory_space<hbm>> -> memref<16x128xf32, #tpu.memory_space<hbm>>
        tpu.enqueue_dma source(%dma_start3A_20 : memref<16x128xf32, #tpu.memory_space<hbm>>) target(%dma_start3A_17 : memref<16x128xf32, #tpu.memory_space<vmem_shared>>) target_semaphore(%run_scoped3A : memref<!tpu.dma_semaphore, #tpu.memory_space<semaphore_mem>>)
        %dma_wait3A = arith.constant 9984 : i32
        %dma_wait3A_21 = arith.constant 0 : i32
        %dma_wait3A_22 = tpu.memref_slice %arg15[%dma_wait3A, %dma_wait3A_21] : memref<10000x128xf32, #tpu.memory_space<vmem_shared>> -> memref<16x128xf32, #tpu.memory_space<vmem_shared>>
        %dma_wait3A_23 = arith.constant 9984 : i32
        %dma_wait3A_24 = arith.constant 0 : i32
        %dma_wait3A_25 = tpu.memref_slice %arg7[%dma_wait3A_23, %dma_wait3A_24] : memref<10000x128xf32, #tpu.memory_space<hbm>> -> memref<16x128xf32, #tpu.memory_space<hbm>>
        tpu.wait_dma2 semaphore(%run_scoped3A : memref<!tpu.dma_semaphore, #tpu.memory_space<semaphore_mem>>) src(%dma_wait3A_25 : memref<16x128xf32, #tpu.memory_space<hbm>>) dst(%dma_wait3A_22 : memref<16x128xf32, #tpu.memory_space<vmem_shared>>)
        tpu.yield
      }) : () -> ()
    } else {
    }
    %barrier3A = arith.constant 0 : index
    tpu.barrier barrier_id(%barrier3A)
    %scan3A = arith.constant 0 : i32
    %scan3A_5 = arith.constant 0 : i32
    %scan3A_6 = arith.constant 125 : i32
    %scan3A_7 = arith.addi %scan3A_5, %scan3A_6 : i32
    %scan3A_8 = arith.constant 1 : i32
    scf.for %scan3A_16 = %scan3A_5 to %scan3A_7 step %scan3A_8  : i32 {
      %mul3A_17 = arith.constant 10000 : i32
      %mul3A_18 = arith.muli %add3A, %mul3A_17 : i32
      %mul3A_19 = arith.constant 80 : i32
      %mul3A_20 = arith.muli %scan3A_16, %mul3A_19 : i32
      %add3A_21 = arith.addi %mul3A_18, %mul3A_20 : i32
      "tpu.region"() ({
        %run_scoped3A = tpu.sem_alloc : memref<!tpu.dma_semaphore, #tpu.memory_space<semaphore_mem>>
        %dma_start3A_38 = tpu.memref_slice %arg5[%add3A_21] : memref<320000xi32, #tpu.memory_space<hbm>> -> memref<80xi32, #tpu.memory_space<hbm>>
        %dma_start3A_39 = tpu.memref_slice %arg5[%add3A_21] : memref<320000xi32, #tpu.memory_space<hbm>> -> memref<80xi32, #tpu.memory_space<hbm>>
        tpu.enqueue_dma source(%dma_start3A_39 : memref<80xi32, #tpu.memory_space<hbm>>) target(%arg10 : memref<80xi32, #tpu.memory_space<vmem>>) target_semaphore(%run_scoped3A : memref<!tpu.dma_semaphore, #tpu.memory_space<semaphore_mem>>)
        %dma_wait3A_40 = tpu.memref_slice %arg5[%add3A_21] : memref<320000xi32, #tpu.memory_space<hbm>> -> memref<80xi32, #tpu.memory_space<hbm>>
        %dma_wait3A_41 = tpu.memref_slice %arg5[%add3A_21] : memref<320000xi32, #tpu.memory_space<hbm>> -> memref<80xi32, #tpu.memory_space<hbm>>
        tpu.wait_dma2 semaphore(%run_scoped3A : memref<!tpu.dma_semaphore, #tpu.memory_space<semaphore_mem>>) src(%dma_wait3A_41 : memref<80xi32, #tpu.memory_space<hbm>>) dst(%arg10 : memref<80xi32, #tpu.memory_space<vmem>>)
        tpu.yield
      }) : () -> ()
      "tpu.region"() ({
        %run_scoped3A = tpu.sem_alloc : memref<!tpu.dma_semaphore, #tpu.memory_space<semaphore_mem>>
        %dma_start3A_38 = tpu.memref_slice %arg6[%add3A_21] : memref<320000xi32, #tpu.memory_space<hbm>> -> memref<80xi32, #tpu.memory_space<hbm>>
        %dma_start3A_39 = tpu.memref_slice %arg6[%add3A_21] : memref<320000xi32, #tpu.memory_space<hbm>> -> memref<80xi32, #tpu.memory_space<hbm>>
        tpu.enqueue_dma source(%dma_start3A_39 : memref<80xi32, #tpu.memory_space<hbm>>) target(%arg11 : memref<80xi32, #tpu.memory_space<vmem>>) target_semaphore(%run_scoped3A : memref<!tpu.dma_semaphore, #tpu.memory_space<semaphore_mem>>)
        %dma_wait3A_40 = tpu.memref_slice %arg6[%add3A_21] : memref<320000xi32, #tpu.memory_space<hbm>> -> memref<80xi32, #tpu.memory_space<hbm>>
        %dma_wait3A_41 = tpu.memref_slice %arg6[%add3A_21] : memref<320000xi32, #tpu.memory_space<hbm>> -> memref<80xi32, #tpu.memory_space<hbm>>
        tpu.wait_dma2 semaphore(%run_scoped3A : memref<!tpu.dma_semaphore, #tpu.memory_space<semaphore_mem>>) src(%dma_wait3A_41 : memref<80xi32, #tpu.memory_space<hbm>>) dst(%arg11 : memref<80xi32, #tpu.memory_space<vmem>>)
        tpu.yield
      }) : () -> ()
      "tpu.region"() ({
        %run_scoped3A = tpu.sem_alloc : memref<!tpu.dma_semaphore, #tpu.memory_space<semaphore_mem>>
        %dma_start3A_38 = arith.constant 0 : i32
        %dma_start3A_39 = tpu.memref_slice %arg4[%add3A_21, %dma_start3A_38] : memref<320000x128xf32, #tpu.memory_space<hbm>> -> memref<80x128xf32, #tpu.memory_space<hbm>>
        %dma_start3A_40 = arith.constant 0 : i32
        %dma_start3A_41 = tpu.memref_slice %arg4[%add3A_21, %dma_start3A_40] : memref<320000x128xf32, #tpu.memory_space<hbm>> -> memref<80x128xf32, #tpu.memory_space<hbm>>
        tpu.enqueue_dma source(%dma_start3A_41 : memref<80x128xf32, #tpu.memory_space<hbm>>) target(%arg14 : memref<80x128xf32, #tpu.memory_space<vmem>>) target_semaphore(%run_scoped3A : memref<!tpu.dma_semaphore, #tpu.memory_space<semaphore_mem>>)
        %dma_wait3A_42 = arith.constant 0 : i32
        %dma_wait3A_43 = tpu.memref_slice %arg4[%add3A_21, %dma_wait3A_42] : memref<320000x128xf32, #tpu.memory_space<hbm>> -> memref<80x128xf32, #tpu.memory_space<hbm>>
        %dma_wait3A_44 = arith.constant 0 : i32
        %dma_wait3A_45 = tpu.memref_slice %arg4[%add3A_21, %dma_wait3A_44] : memref<320000x128xf32, #tpu.memory_space<hbm>> -> memref<80x128xf32, #tpu.memory_space<hbm>>
        tpu.wait_dma2 semaphore(%run_scoped3A : memref<!tpu.dma_semaphore, #tpu.memory_space<semaphore_mem>>) src(%dma_wait3A_45 : memref<80x128xf32, #tpu.memory_space<hbm>>) dst(%arg14 : memref<80x128xf32, #tpu.memory_space<vmem>>)
        tpu.yield
      }) : () -> ()
      %dma_start3A = arith.constant 0 : i32
      %dma_start3A_22 = arith.constant 0 : i32
      %dma_start3A_23 = tpu.memref_slice %arg2[%dma_start3A, %dma_start3A_22] : memref<10000x128xf32, #tpu.memory_space<hbm>> -> memref<10000x128xf32, #tpu.memory_space<hbm>>
      tpu.enqueue_indirect_dma source(%dma_start3A_23 : memref<10000x128xf32, #tpu.memory_space<hbm>>) target(%arg12 : memref<80x128xf32, #tpu.memory_space<vmem>>) offsets(%arg10 : memref<80xi32, #tpu.memory_space<vmem>>) semaphore(%arg16 : memref<!tpu.dma_semaphore, #tpu.memory_space<semaphore_mem>>)
      %dma_start3A_24 = arith.constant 0 : i32
      %dma_start3A_25 = arith.constant 0 : i32
      %dma_start3A_26 = tpu.memref_slice %arg3[%dma_start3A_24, %dma_start3A_25] : memref<10000x128xf32, #tpu.memory_space<hbm>> -> memref<10000x128xf32, #tpu.memory_space<hbm>>
      tpu.enqueue_indirect_dma source(%dma_start3A_26 : memref<10000x128xf32, #tpu.memory_space<hbm>>) target(%arg13 : memref<80x128xf32, #tpu.memory_space<vmem>>) offsets(%arg11 : memref<80xi32, #tpu.memory_space<vmem>>) semaphore(%arg16 : memref<!tpu.dma_semaphore, #tpu.memory_space<semaphore_mem>>)
      %dma_wait3A = arith.constant 0 : i32
      %dma_wait3A_27 = arith.constant 0 : i32
      %dma_wait3A_28 = tpu.memref_slice %arg2[%dma_wait3A, %dma_wait3A_27] : memref<10000x128xf32, #tpu.memory_space<hbm>> -> memref<10000x128xf32, #tpu.memory_space<hbm>>
      tpu.wait_indirect_dma semaphore(%arg16 : memref<!tpu.dma_semaphore, #tpu.memory_space<semaphore_mem>>) src(%dma_wait3A_28 : memref<10000x128xf32, #tpu.memory_space<hbm>>) dst(%arg12 : memref<80x128xf32, #tpu.memory_space<vmem>>)
      %dma_wait3A_29 = arith.constant 0 : i32
      %dma_wait3A_30 = arith.constant 0 : i32
      %dma_wait3A_31 = tpu.memref_slice %arg3[%dma_wait3A_29, %dma_wait3A_30] : memref<10000x128xf32, #tpu.memory_space<hbm>> -> memref<10000x128xf32, #tpu.memory_space<hbm>>
      tpu.wait_indirect_dma semaphore(%arg16 : memref<!tpu.dma_semaphore, #tpu.memory_space<semaphore_mem>>) src(%dma_wait3A_31 : memref<10000x128xf32, #tpu.memory_space<hbm>>) dst(%arg13 : memref<80x128xf32, #tpu.memory_space<vmem>>)
      %scan3A_32 = arith.constant 0 : i32
      %scan3A_33 = arith.constant 0 : i32
      %scan3A_34 = arith.constant 80 : i32
      %scan3A_35 = arith.addi %scan3A_33, %scan3A_34 : i32
      %scan3A_36 = arith.constant 1 : i32
      scf.for %scan3A_38 = %scan3A_33 to %scan3A_35 step %scan3A_36  : i32 {
        %get3A = arith.index_cast %scan3A_38 : i32 to index
        %get3A_39 = arith.constant 0 : index
        %get3A_40 = tpu.vector_load %arg12[%get3A, %get3A_39] {strides = array<i32>} : memref<80x128xf32, #tpu.memory_space<vmem>>, vector<1x16xf32>,
        %get3A_41 = vector.shape_cast %get3A_40 : vector<1x16xf32> to vector<16xf32>
        %get3A_42 = arith.index_cast %scan3A_38 : i32 to index
        %get3A_43 = arith.constant 0 : index
        %get3A_44 = tpu.vector_load %arg13[%get3A_42, %get3A_43] {strides = array<i32>} : memref<80x128xf32, #tpu.memory_space<vmem>>, vector<1x16xf32>,
        %get3A_45 = vector.shape_cast %get3A_44 : vector<1x16xf32> to vector<16xf32>
        %mul3A_46 = arith.mulf %get3A_41, %get3A_45 : vector<16xf32>
        %swap3A = arith.index_cast %scan3A_38 : i32 to index
        %swap3A_47 = arith.constant 0 : index
        %swap3A_48 = tpu.vector_load %arg13[%swap3A, %swap3A_47] {strides = array<i32>} : memref<80x128xf32, #tpu.memory_space<vmem>>, vector<1x16xf32>,
        %swap3A_49 = vector.shape_cast %swap3A_48 : vector<1x16xf32> to vector<16xf32>
        %swap3A_50 = vector.shape_cast %mul3A_46 : vector<16xf32> to vector<1x16xf32>
        tpu.vector_store %arg13[%swap3A, %swap3A_47], %swap3A_50 {strides = array<i32>} : memref<80x128xf32, #tpu.memory_space<vmem>>, vector<1x16xf32>,
        %get3A_51 = arith.index_cast %scan3A_38 : i32 to index
        %get3A_52 = arith.constant 0 : index
        %get3A_53 = tpu.vector_load %arg14[%get3A_51, %get3A_52] {strides = array<i32>} : memref<80x128xf32, #tpu.memory_space<vmem>>, vector<1x16xf32>,
        %get3A_54 = vector.shape_cast %get3A_53 : vector<1x16xf32> to vector<16xf32>
        %mul3A_55 = arith.mulf %get3A_41, %get3A_54 : vector<16xf32>
        %swap3A_56 = arith.index_cast %scan3A_38 : i32 to index
        %swap3A_57 = arith.constant 0 : index
        %swap3A_58 = tpu.vector_load %arg14[%swap3A_56, %swap3A_57] {strides = array<i32>} : memref<80x128xf32, #tpu.memory_space<vmem>>, vector<1x16xf32>,
        %swap3A_59 = vector.shape_cast %swap3A_58 : vector<1x16xf32> to vector<16xf32>
        %swap3A_60 = vector.shape_cast %mul3A_55 : vector<16xf32> to vector<1x16xf32>
        tpu.vector_store %arg14[%swap3A_56, %swap3A_57], %swap3A_60 {strides = array<i32>} : memref<80x128xf32, #tpu.memory_space<vmem>>, vector<1x16xf32>,
        %get3A_61 = arith.index_cast %scan3A_38 : i32 to index
        %get3A_62 = arith.constant 16 : index
        %get3A_63 = tpu.vector_load %arg12[%get3A_61, %get3A_62] {strides = array<i32>} : memref<80x128xf32, #tpu.memory_space<vmem>>, vector<1x16xf32>,
        %get3A_64 = vector.shape_cast %get3A_63 : vector<1x16xf32> to vector<16xf32>
        %get3A_65 = arith.index_cast %scan3A_38 : i32 to index
        %get3A_66 = arith.constant 16 : index
        %get3A_67 = tpu.vector_load %arg13[%get3A_65, %get3A_66] {strides = array<i32>} : memref<80x128xf32, #tpu.memory_space<vmem>>, vector<1x16xf32>,
        %get3A_68 = vector.shape_cast %get3A_67 : vector<1x16xf32> to vector<16xf32>
        %mul3A_69 = arith.mulf %get3A_64, %get3A_68 : vector<16xf32>
        %swap3A_70 = arith.index_cast %scan3A_38 : i32 to index
        %swap3A_71 = arith.constant 16 : index
        %swap3A_72 = tpu.vector_load %arg13[%swap3A_70, %swap3A_71] {strides = array<i32>} : memref<80x128xf32, #tpu.memory_space<vmem>>, vector<1x16xf32>,
        %swap3A_73 = vector.shape_cast %swap3A_72 : vector<1x16xf32> to vector<16xf32>
        %swap3A_74 = vector.shape_cast %mul3A_69 : vector<16xf32> to vector<1x16xf32>
        tpu.vector_store %arg13[%swap3A_70, %swap3A_71], %swap3A_74 {strides = array<i32>} : memref<80x128xf32, #tpu.memory_space<vmem>>, vector<1x16xf32>,
        %get3A_75 = arith.index_cast %scan3A_38 : i32 to index
        %get3A_76 = arith.constant 16 : index
        %get3A_77 = tpu.vector_load %arg14[%get3A_75, %get3A_76] {strides = array<i32>} : memref<80x128xf32, #tpu.memory_space<vmem>>, vector<1x16xf32>,
        %get3A_78 = vector.shape_cast %get3A_77 : vector<1x16xf32> to vector<16xf32>
        %mul3A_79 = arith.mulf %get3A_64, %get3A_78 : vector<16xf32>
        %swap3A_80 = arith.index_cast %scan3A_38 : i32 to index
        %swap3A_81 = arith.constant 16 : index
        %swap3A_82 = tpu.vector_load %arg14[%swap3A_80, %swap3A_81] {strides = array<i32>} : memref<80x128xf32, #tpu.memory_space<vmem>>, vector<1x16xf32>,
        %swap3A_83 = vector.shape_cast %swap3A_82 : vector<1x16xf32> to vector<16xf32>
        %swap3A_84 = vector.shape_cast %mul3A_79 : vector<16xf32> to vector<1x16xf32>
        tpu.vector_store %arg14[%swap3A_80, %swap3A_81], %swap3A_84 {strides = array<i32>} : memref<80x128xf32, #tpu.memory_space<vmem>>, vector<1x16xf32>,
        %get3A_85 = arith.index_cast %scan3A_38 : i32 to index
        %get3A_86 = arith.constant 32 : index
        %get3A_87 = tpu.vector_load %arg12[%get3A_85, %get3A_86] {strides = array<i32>} : memref<80x128xf32, #tpu.memory_space<vmem>>, vector<1x16xf32>,
        %get3A_88 = vector.shape_cast %get3A_87 : vector<1x16xf32> to vector<16xf32>
        %get3A_89 = arith.index_cast %scan3A_38 : i32 to index
        %get3A_90 = arith.constant 32 : index
        %get3A_91 = tpu.vector_load %arg13[%get3A_89, %get3A_90] {strides = array<i32>} : memref<80x128xf32, #tpu.memory_space<vmem>>, vector<1x16xf32>,
        %get3A_92 = vector.shape_cast %get3A_91 : vector<1x16xf32> to vector<16xf32>
        %mul3A_93 = arith.mulf %get3A_88, %get3A_92 : vector<16xf32>
        %swap3A_94 = arith.index_cast %scan3A_38 : i32 to index
        %swap3A_95 = arith.constant 32 : index
        %swap3A_96 = tpu.vector_load %arg13[%swap3A_94, %swap3A_95] {strides = array<i32>} : memref<80x128xf32, #tpu.memory_space<vmem>>, vector<1x16xf32>,
        %swap3A_97 = vector.shape_cast %swap3A_96 : vector<1x16xf32> to vector<16xf32>
        %swap3A_98 = vector.shape_cast %mul3A_93 : vector<16xf32> to vector<1x16xf32>
        tpu.vector_store %arg13[%swap3A_94, %swap3A_95], %swap3A_98 {strides = array<i32>} : memref<80x128xf32, #tpu.memory_space<vmem>>, vector<1x16xf32>,
        %get3A_99 = arith.index_cast %scan3A_38 : i32 to index
        %get3A_100 = arith.constant 32 : index
        %get3A_101 = tpu.vector_load %arg14[%get3A_99, %get3A_100] {strides = array<i32>} : memref<80x128xf32, #tpu.memory_space<vmem>>, vector<1x16xf32>,
        %get3A_102 = vector.shape_cast %get3A_101 : vector<1x16xf32> to vector<16xf32>
        %mul3A_103 = arith.mulf %get3A_88, %get3A_102 : vector<16xf32>
        %swap3A_104 = arith.index_cast %scan3A_38 : i32 to index
        %swap3A_105 = arith.constant 32 : index
        %swap3A_106 = tpu.vector_load %arg14[%swap3A_104, %swap3A_105] {strides = array<i32>} : memref<80x128xf32, #tpu.memory_space<vmem>>, vector<1x16xf32>,
        %swap3A_107 = vector.shape_cast %swap3A_106 : vector<1x16xf32> to vector<16xf32>
        %swap3A_108 = vector.shape_cast %mul3A_103 : vector<16xf32> to vector<1x16xf32>
        tpu.vector_store %arg14[%swap3A_104, %swap3A_105], %swap3A_108 {strides = array<i32>} : memref<80x128xf32, #tpu.memory_space<vmem>>, vector<1x16xf32>,
        %get3A_109 = arith.index_cast %scan3A_38 : i32 to index
        %get3A_110 = arith.constant 48 : index
        %get3A_111 = tpu.vector_load %arg12[%get3A_109, %get3A_110] {strides = array<i32>} : memref<80x128xf32, #tpu.memory_space<vmem>>, vector<1x16xf32>,
        %get3A_112 = vector.shape_cast %get3A_111 : vector<1x16xf32> to vector<16xf32>
        %get3A_113 = arith.index_cast %scan3A_38 : i32 to index
        %get3A_114 = arith.constant 48 : index
        %get3A_115 = tpu.vector_load %arg13[%get3A_113, %get3A_114] {strides = array<i32>} : memref<80x128xf32, #tpu.memory_space<vmem>>, vector<1x16xf32>,
        %get3A_116 = vector.shape_cast %get3A_115 : vector<1x16xf32> to vector<16xf32>
        %mul3A_117 = arith.mulf %get3A_112, %get3A_116 : vector<16xf32>
        %swap3A_118 = arith.index_cast %scan3A_38 : i32 to index
        %swap3A_119 = arith.constant 48 : index
        %swap3A_120 = tpu.vector_load %arg13[%swap3A_118, %swap3A_119] {strides = array<i32>} : memref<80x128xf32, #tpu.memory_space<vmem>>, vector<1x16xf32>,
        %swap3A_121 = vector.shape_cast %swap3A_120 : vector<1x16xf32> to vector<16xf32>
        %swap3A_122 = vector.shape_cast %mul3A_117 : vector<16xf32> to vector<1x16xf32>
        tpu.vector_store %arg13[%swap3A_118, %swap3A_119], %swap3A_122 {strides = array<i32>} : memref<80x128xf32, #tpu.memory_space<vmem>>, vector<1x16xf32>,
        %get3A_123 = arith.index_cast %scan3A_38 : i32 to index
        %get3A_124 = arith.constant 48 : index
        %get3A_125 = tpu.vector_load %arg14[%get3A_123, %get3A_124] {strides = array<i32>} : memref<80x128xf32, #tpu.memory_space<vmem>>, vector<1x16xf32>,
        %get3A_126 = vector.shape_cast %get3A_125 : vector<1x16xf32> to vector<16xf32>
        %mul3A_127 = arith.mulf %get3A_112, %get3A_126 : vector<16xf32>
        %swap3A_128 = arith.index_cast %scan3A_38 : i32 to index
        %swap3A_129 = arith.constant 48 : index
        %swap3A_130 = tpu.vector_load %arg14[%swap3A_128, %swap3A_129] {strides = array<i32>} : memref<80x128xf32, #tpu.memory_space<vmem>>, vector<1x16xf32>,
        %swap3A_131 = vector.shape_cast %swap3A_130 : vector<1x16xf32> to vector<16xf32>
        %swap3A_132 = vector.shape_cast %mul3A_127 : vector<16xf32> to vector<1x16xf32>
        tpu.vector_store %arg14[%swap3A_128, %swap3A_129], %swap3A_132 {strides = array<i32>} : memref<80x128xf32, #tpu.memory_space<vmem>>, vector<1x16xf32>,
      }
      %scan3A_37 = arith.constant 80 : i32
      "tpu.region"() ({
        %run_scoped3A = tpu.sem_alloc : memref<!tpu.dma_semaphore, #tpu.memory_space<semaphore_mem>>
        %dma_start3A_38 = arith.constant 0 : i32
        %dma_start3A_39 = tpu.memref_slice %arg8[%add3A_21, %dma_start3A_38] : memref<320000x128xf32, #tpu.memory_space<hbm>> -> memref<80x128xf32, #tpu.memory_space<hbm>>
        %dma_start3A_40 = arith.constant 0 : i32
        %dma_start3A_41 = tpu.memref_slice %arg8[%add3A_21, %dma_start3A_40] : memref<320000x128xf32, #tpu.memory_space<hbm>> -> memref<80x128xf32, #tpu.memory_space<hbm>>
        tpu.enqueue_dma source(%arg13 : memref<80x128xf32, #tpu.memory_space<vmem>>) target(%dma_start3A_41 : memref<80x128xf32, #tpu.memory_space<hbm>>) target_semaphore(%run_scoped3A : memref<!tpu.dma_semaphore, #tpu.memory_space<semaphore_mem>>)
        %dma_wait3A_42 = arith.constant 0 : i32
        %dma_wait3A_43 = tpu.memref_slice %arg8[%add3A_21, %dma_wait3A_42] : memref<320000x128xf32, #tpu.memory_space<hbm>> -> memref<80x128xf32, #tpu.memory_space<hbm>>
        %dma_wait3A_44 = arith.constant 0 : i32
        %dma_wait3A_45 = tpu.memref_slice %arg8[%add3A_21, %dma_wait3A_44] : memref<320000x128xf32, #tpu.memory_space<hbm>> -> memref<80x128xf32, #tpu.memory_space<hbm>>
        tpu.wait_dma2 semaphore(%run_scoped3A : memref<!tpu.dma_semaphore, #tpu.memory_space<semaphore_mem>>) src(%arg13 : memref<80x128xf32, #tpu.memory_space<vmem>>) dst(%dma_wait3A_45 : memref<80x128xf32, #tpu.memory_space<hbm>>)
        tpu.yield
      }) : () -> ()
      "tpu.region"() ({
        %run_scoped3A = tpu.sem_alloc : memref<!tpu.dma_semaphore, #tpu.memory_space<semaphore_mem>>
        %dma_start3A_38 = arith.constant 0 : i32
        %dma_start3A_39 = arith.constant 0 : i32
        %dma_start3A_40 = tpu.memref_slice %arg15[%dma_start3A_38, %dma_start3A_39] : memref<10000x128xf32, #tpu.memory_space<vmem_shared>> -> memref<10000x128xf32, #tpu.memory_space<vmem_shared>>
        tpu.enqueue_indirect_dma source(%arg14 : memref<80x128xf32, #tpu.memory_space<vmem>>) target(%dma_start3A_40 : memref<10000x128xf32, #tpu.memory_space<vmem_shared>>) offsets(%arg11 : memref<80xi32, #tpu.memory_space<vmem>>) semaphore(%run_scoped3A : memref<!tpu.dma_semaphore, #tpu.memory_space<semaphore_mem>>) {add = true}
        %dma_wait3A_41 = arith.constant 0 : i32
        %dma_wait3A_42 = arith.constant 0 : i32
        %dma_wait3A_43 = tpu.memref_slice %arg15[%dma_wait3A_41, %dma_wait3A_42] : memref<10000x128xf32, #tpu.memory_space<vmem_shared>> -> memref<10000x128xf32, #tpu.memory_space<vmem_shared>>
        tpu.wait_indirect_dma semaphore(%run_scoped3A : memref<!tpu.dma_semaphore, #tpu.memory_space<semaphore_mem>>) src(%arg14 : memref<80x128xf32, #tpu.memory_space<vmem>>) dst(%dma_wait3A_43 : memref<10000x128xf32, #tpu.memory_space<vmem_shared>>)
        tpu.yield
      }) : () -> ()
    }
    %scan3A_9 = arith.constant 125 : i32
    %barrier3A_10 = arith.constant 0 : index
    tpu.barrier barrier_id(%barrier3A_10)
    "tpu.region"() ({
      %run_scoped3A = tpu.sem_alloc : memref<!tpu.dma_semaphore, #tpu.memory_space<semaphore_mem>>
      %dma_start3A = arith.constant 0 : i32
      %dma_start3A_16 = tpu.memref_slice %arg9[%arg0, %mul3A_2, %dma_start3A] : memref<2x10000x128xf32, #tpu.memory_space<hbm>> -> memref<1x624x128xf32, #tpu.memory_space<hbm>>
      %dma_start3A_17 = tpu.memref_squeeze %dma_start3A_16 : memref<1x624x128xf32, #tpu.memory_space<hbm>> -> memref<624x128xf32, #tpu.memory_space<hbm>>
      %dma_start3A_18 = arith.constant 0 : i32
      %dma_start3A_19 = tpu.memref_slice %arg15[%mul3A_2, %dma_start3A_18] : memref<10000x128xf32, #tpu.memory_space<vmem_shared>> -> memref<624x128xf32, #tpu.memory_space<vmem_shared>>
      tpu.enqueue_dma source(%dma_start3A_19 : memref<624x128xf32, #tpu.memory_space<vmem_shared>>) target(%dma_start3A_17 : memref<624x128xf32, #tpu.memory_space<hbm>>) target_semaphore(%run_scoped3A : memref<!tpu.dma_semaphore, #tpu.memory_space<semaphore_mem>>)
      %dma_wait3A = arith.constant 0 : i32
      %dma_wait3A_20 = tpu.memref_slice %arg9[%arg0, %mul3A_2, %dma_wait3A] : memref<2x10000x128xf32, #tpu.memory_space<hbm>> -> memref<1x624x128xf32, #tpu.memory_space<hbm>>
      %dma_wait3A_21 = tpu.memref_squeeze %dma_wait3A_20 : memref<1x624x128xf32, #tpu.memory_space<hbm>> -> memref<624x128xf32, #tpu.memory_space<hbm>>
      %dma_wait3A_22 = arith.constant 0 : i32
      %dma_wait3A_23 = tpu.memref_slice %arg15[%mul3A_2, %dma_wait3A_22] : memref<10000x128xf32, #tpu.memory_space<vmem_shared>> -> memref<624x128xf32, #tpu.memory_space<vmem_shared>>
      tpu.wait_dma2 semaphore(%run_scoped3A : memref<!tpu.dma_semaphore, #tpu.memory_space<semaphore_mem>>) src(%dma_wait3A_23 : memref<624x128xf32, #tpu.memory_space<vmem_shared>>) dst(%dma_wait3A_21 : memref<624x128xf32, #tpu.memory_space<hbm>>)
      tpu.yield
    }) : () -> ()
    %eq3A_11 = arith.constant 15 : i32
    %eq3A_12 = arith.cmpi eq, %arg1, %eq3A_11 : i32
    %convert_element_type3A_13 = arith.extui %eq3A_12 : i1 to i32
    %cond3A_14 = arith.constant 0 : i32
    %cond3A_15 = arith.cmpi ne, %convert_element_type3A_13, %cond3A_14 : i32
    scf.if %cond3A_15 {
      "tpu.region"() ({
        %run_scoped3A = tpu.sem_alloc : memref<!tpu.dma_semaphore, #tpu.memory_space<semaphore_mem>>
        %dma_start3A = arith.constant 9984 : i32
        %dma_start3A_16 = arith.constant 0 : i32
        %dma_start3A_17 = tpu.memref_slice %arg9[%arg0, %dma_start3A, %dma_start3A_16] : memref<2x10000x128xf32, #tpu.memory_space<hbm>> -> memref<1x16x128xf32, #tpu.memory_space<hbm>>
        %dma_start3A_18 = tpu.memref_squeeze %dma_start3A_17 : memref<1x16x128xf32, #tpu.memory_space<hbm>> -> memref<16x128xf32, #tpu.memory_space<hbm>>
        %dma_start3A_19 = arith.constant 9984 : i32
        %dma_start3A_20 = arith.constant 0 : i32
        %dma_start3A_21 = tpu.memref_slice %arg15[%dma_start3A_19, %dma_start3A_20] : memref<10000x128xf32, #tpu.memory_space<vmem_shared>> -> memref<16x128xf32, #tpu.memory_space<vmem_shared>>
        tpu.enqueue_dma source(%dma_start3A_21 : memref<16x128xf32, #tpu.memory_space<vmem_shared>>) target(%dma_start3A_18 : memref<16x128xf32, #tpu.memory_space<hbm>>) target_semaphore(%run_scoped3A : memref<!tpu.dma_semaphore, #tpu.memory_space<semaphore_mem>>)
        %dma_wait3A = arith.constant 9984 : i32
        %dma_wait3A_22 = arith.constant 0 : i32
        %dma_wait3A_23 = tpu.memref_slice %arg9[%arg0, %dma_wait3A, %dma_wait3A_22] : memref<2x10000x128xf32, #tpu.memory_space<hbm>> -> memref<1x16x128xf32, #tpu.memory_space<hbm>>
        %dma_wait3A_24 = tpu.memref_squeeze %dma_wait3A_23 : memref<1x16x128xf32, #tpu.memory_space<hbm>> -> memref<16x128xf32, #tpu.memory_space<hbm>>
        %dma_wait3A_25 = arith.constant 9984 : i32
        %dma_wait3A_26 = arith.constant 0 : i32
        %dma_wait3A_27 = tpu.memref_slice %arg15[%dma_wait3A_25, %dma_wait3A_26] : memref<10000x128xf32, #tpu.memory_space<vmem_shared>> -> memref<16x128xf32, #tpu.memory_space<vmem_shared>>
        tpu.wait_dma2 semaphore(%run_scoped3A : memref<!tpu.dma_semaphore, #tpu.memory_space<semaphore_mem>>) src(%dma_wait3A_27 : memref<16x128xf32, #tpu.memory_space<vmem_shared>>) dst(%dma_wait3A_24 : memref<16x128xf32, #tpu.memory_space<hbm>>)
        tpu.yield
      }) : () -> ()
    } else {
    }
    return
  }
}

#map = affine_map<(d0, d1) -> (0, 0)>
#map1 = affine_map<(d0, d1) -> (0)>
#map2 = affine_map<(d0, d1) -> (0, 0, 0)>
module attributes {stable_mosaic.version = 14 : i64} {
  func.func @_sc_fwd(%arg0: i32, %arg1: i32, %arg2: memref<10000x128xf32, #tpu.memory_space<hbm>>, %arg3: memref<320000x128xf32, #tpu.memory_space<hbm>>, %arg4: memref<320000xi32, #tpu.memory_space<hbm>>, %arg5: memref<320000xi32, #tpu.memory_space<hbm>>, %arg6: memref<10000x128xf32, #tpu.memory_space<hbm>>, %arg7: memref<2x10000x128xf32, #tpu.memory_space<hbm>>, %arg8: memref<80xi32, #tpu.memory_space<vmem>>, %arg9: memref<80xi32, #tpu.memory_space<vmem>>, %arg10: memref<80x128xf32, #tpu.memory_space<vmem>>, %arg11: memref<80x128xf32, #tpu.memory_space<vmem>>, %arg12: memref<10000x128xf32, #tpu.memory_space<vmem_shared>>, %arg13: memref<!tpu.dma_semaphore, #tpu.memory_space<semaphore_mem>>) attributes {dimension_semantics = [#tpu.dimension_semantics<core_parallel>, #tpu.dimension_semantics<subcore_parallel>], iteration_bounds = array<i64: 2, 16>, scalar_prefetch = 0 : i64, scratch_operands = 6 : i64, tpu.core_type = #tpu.core_type<sc_vector_subcore>, window_params = [{transform_indices = #map}, {transform_indices = #map}, {transform_indices = #map1}, {transform_indices = #map1}, {transform_indices = #map}, {transform_indices = #map2}]} {
    %mul3A = arith.constant 2 : i32
    %mul3A_0 = arith.muli %arg1, %mul3A : i32
    %add3A = arith.addi %mul3A_0, %arg0 : i32
    %mul3A_1 = arith.constant 624 : i32
    %mul3A_2 = arith.muli %arg1, %mul3A_1 : i32
    "tpu.region"() ({
      %run_scoped3A = tpu.sem_alloc : memref<!tpu.dma_semaphore, #tpu.memory_space<semaphore_mem>>
      %dma_start3A = arith.constant 0 : i32
      %dma_start3A_16 = tpu.memref_slice %arg12[%mul3A_2, %dma_start3A] : memref<10000x128xf32, #tpu.memory_space<vmem_shared>> -> memref<624x128xf32, #tpu.memory_space<vmem_shared>>
      %dma_start3A_17 = arith.constant 0 : i32
      %dma_start3A_18 = tpu.memref_slice %arg6[%mul3A_2, %dma_start3A_17] : memref<10000x128xf32, #tpu.memory_space<hbm>> -> memref<624x128xf32, #tpu.memory_space<hbm>>
      tpu.enqueue_dma source(%dma_start3A_18 : memref<624x128xf32, #tpu.memory_space<hbm>>) target(%dma_start3A_16 : memref<624x128xf32, #tpu.memory_space<vmem_shared>>) target_semaphore(%run_scoped3A : memref<!tpu.dma_semaphore, #tpu.memory_space<semaphore_mem>>)
      %dma_wait3A = arith.constant 0 : i32
      %dma_wait3A_19 = tpu.memref_slice %arg12[%mul3A_2, %dma_wait3A] : memref<10000x128xf32, #tpu.memory_space<vmem_shared>> -> memref<624x128xf32, #tpu.memory_space<vmem_shared>>
      %dma_wait3A_20 = arith.constant 0 : i32
      %dma_wait3A_21 = tpu.memref_slice %arg6[%mul3A_2, %dma_wait3A_20] : memref<10000x128xf32, #tpu.memory_space<hbm>> -> memref<624x128xf32, #tpu.memory_space<hbm>>
      tpu.wait_dma2 semaphore(%run_scoped3A : memref<!tpu.dma_semaphore, #tpu.memory_space<semaphore_mem>>) src(%dma_wait3A_21 : memref<624x128xf32, #tpu.memory_space<hbm>>) dst(%dma_wait3A_19 : memref<624x128xf32, #tpu.memory_space<vmem_shared>>)
      tpu.yield
    }) : () -> ()
    %eq3A = arith.constant 15 : i32
    %eq3A_3 = arith.cmpi eq, %arg1, %eq3A : i32
    %convert_element_type3A = arith.extui %eq3A_3 : i1 to i32
    %cond3A = arith.constant 0 : i32
    %cond3A_4 = arith.cmpi ne, %convert_element_type3A, %cond3A : i32
    scf.if %cond3A_4 {
      "tpu.region"() ({
        %run_scoped3A = tpu.sem_alloc : memref<!tpu.dma_semaphore, #tpu.memory_space<semaphore_mem>>
        %dma_start3A = arith.constant 9984 : i32
        %dma_start3A_16 = arith.constant 0 : i32
        %dma_start3A_17 = tpu.memref_slice %arg12[%dma_start3A, %dma_start3A_16] : memref<10000x128xf32, #tpu.memory_space<vmem_shared>> -> memref<16x128xf32, #tpu.memory_space<vmem_shared>>
        %dma_start3A_18 = arith.constant 9984 : i32
        %dma_start3A_19 = arith.constant 0 : i32
        %dma_start3A_20 = tpu.memref_slice %arg6[%dma_start3A_18, %dma_start3A_19] : memref<10000x128xf32, #tpu.memory_space<hbm>> -> memref<16x128xf32, #tpu.memory_space<hbm>>
        tpu.enqueue_dma source(%dma_start3A_20 : memref<16x128xf32, #tpu.memory_space<hbm>>) target(%dma_start3A_17 : memref<16x128xf32, #tpu.memory_space<vmem_shared>>) target_semaphore(%run_scoped3A : memref<!tpu.dma_semaphore, #tpu.memory_space<semaphore_mem>>)
        %dma_wait3A = arith.constant 9984 : i32
        %dma_wait3A_21 = arith.constant 0 : i32
        %dma_wait3A_22 = tpu.memref_slice %arg12[%dma_wait3A, %dma_wait3A_21] : memref<10000x128xf32, #tpu.memory_space<vmem_shared>> -> memref<16x128xf32, #tpu.memory_space<vmem_shared>>
        %dma_wait3A_23 = arith.constant 9984 : i32
        %dma_wait3A_24 = arith.constant 0 : i32
        %dma_wait3A_25 = tpu.memref_slice %arg6[%dma_wait3A_23, %dma_wait3A_24] : memref<10000x128xf32, #tpu.memory_space<hbm>> -> memref<16x128xf32, #tpu.memory_space<hbm>>
        tpu.wait_dma2 semaphore(%run_scoped3A : memref<!tpu.dma_semaphore, #tpu.memory_space<semaphore_mem>>) src(%dma_wait3A_25 : memref<16x128xf32, #tpu.memory_space<hbm>>) dst(%dma_wait3A_22 : memref<16x128xf32, #tpu.memory_space<vmem_shared>>)
        tpu.yield
      }) : () -> ()
    } else {
    }
    %barrier3A = arith.constant 0 : index
    tpu.barrier barrier_id(%barrier3A)
    %scan3A = arith.constant 0 : i32
    %scan3A_5 = arith.constant 0 : i32
    %scan3A_6 = arith.constant 125 : i32
    %scan3A_7 = arith.addi %scan3A_5, %scan3A_6 : i32
    %scan3A_8 = arith.constant 1 : i32
    scf.for %scan3A_16 = %scan3A_5 to %scan3A_7 step %scan3A_8  : i32 {
      %mul3A_17 = arith.constant 10000 : i32
      %mul3A_18 = arith.muli %add3A, %mul3A_17 : i32
      %mul3A_19 = arith.constant 80 : i32
      %mul3A_20 = arith.muli %scan3A_16, %mul3A_19 : i32
      %add3A_21 = arith.addi %mul3A_18, %mul3A_20 : i32
      "tpu.region"() ({
        %run_scoped3A = tpu.sem_alloc : memref<!tpu.dma_semaphore, #tpu.memory_space<semaphore_mem>>
        %dma_start3A_32 = tpu.memref_slice %arg4[%add3A_21] : memref<320000xi32, #tpu.memory_space<hbm>> -> memref<80xi32, #tpu.memory_space<hbm>>
        %dma_start3A_33 = tpu.memref_slice %arg4[%add3A_21] : memref<320000xi32, #tpu.memory_space<hbm>> -> memref<80xi32, #tpu.memory_space<hbm>>
        tpu.enqueue_dma source(%dma_start3A_33 : memref<80xi32, #tpu.memory_space<hbm>>) target(%arg8 : memref<80xi32, #tpu.memory_space<vmem>>) target_semaphore(%run_scoped3A : memref<!tpu.dma_semaphore, #tpu.memory_space<semaphore_mem>>)
        %dma_wait3A_34 = tpu.memref_slice %arg4[%add3A_21] : memref<320000xi32, #tpu.memory_space<hbm>> -> memref<80xi32, #tpu.memory_space<hbm>>
        %dma_wait3A_35 = tpu.memref_slice %arg4[%add3A_21] : memref<320000xi32, #tpu.memory_space<hbm>> -> memref<80xi32, #tpu.memory_space<hbm>>
        tpu.wait_dma2 semaphore(%run_scoped3A : memref<!tpu.dma_semaphore, #tpu.memory_space<semaphore_mem>>) src(%dma_wait3A_35 : memref<80xi32, #tpu.memory_space<hbm>>) dst(%arg8 : memref<80xi32, #tpu.memory_space<vmem>>)
        tpu.yield
      }) : () -> ()
      "tpu.region"() ({
        %run_scoped3A = tpu.sem_alloc : memref<!tpu.dma_semaphore, #tpu.memory_space<semaphore_mem>>
        %dma_start3A_32 = tpu.memref_slice %arg5[%add3A_21] : memref<320000xi32, #tpu.memory_space<hbm>> -> memref<80xi32, #tpu.memory_space<hbm>>
        %dma_start3A_33 = tpu.memref_slice %arg5[%add3A_21] : memref<320000xi32, #tpu.memory_space<hbm>> -> memref<80xi32, #tpu.memory_space<hbm>>
        tpu.enqueue_dma source(%dma_start3A_33 : memref<80xi32, #tpu.memory_space<hbm>>) target(%arg9 : memref<80xi32, #tpu.memory_space<vmem>>) target_semaphore(%run_scoped3A : memref<!tpu.dma_semaphore, #tpu.memory_space<semaphore_mem>>)
        %dma_wait3A_34 = tpu.memref_slice %arg5[%add3A_21] : memref<320000xi32, #tpu.memory_space<hbm>> -> memref<80xi32, #tpu.memory_space<hbm>>
        %dma_wait3A_35 = tpu.memref_slice %arg5[%add3A_21] : memref<320000xi32, #tpu.memory_space<hbm>> -> memref<80xi32, #tpu.memory_space<hbm>>
        tpu.wait_dma2 semaphore(%run_scoped3A : memref<!tpu.dma_semaphore, #tpu.memory_space<semaphore_mem>>) src(%dma_wait3A_35 : memref<80xi32, #tpu.memory_space<hbm>>) dst(%arg9 : memref<80xi32, #tpu.memory_space<vmem>>)
        tpu.yield
      }) : () -> ()
      "tpu.region"() ({
        %run_scoped3A = tpu.sem_alloc : memref<!tpu.dma_semaphore, #tpu.memory_space<semaphore_mem>>
        %dma_start3A_32 = arith.constant 0 : i32
        %dma_start3A_33 = tpu.memref_slice %arg3[%add3A_21, %dma_start3A_32] : memref<320000x128xf32, #tpu.memory_space<hbm>> -> memref<80x128xf32, #tpu.memory_space<hbm>>
        %dma_start3A_34 = arith.constant 0 : i32
        %dma_start3A_35 = tpu.memref_slice %arg3[%add3A_21, %dma_start3A_34] : memref<320000x128xf32, #tpu.memory_space<hbm>> -> memref<80x128xf32, #tpu.memory_space<hbm>>
        tpu.enqueue_dma source(%dma_start3A_35 : memref<80x128xf32, #tpu.memory_space<hbm>>) target(%arg11 : memref<80x128xf32, #tpu.memory_space<vmem>>) target_semaphore(%run_scoped3A : memref<!tpu.dma_semaphore, #tpu.memory_space<semaphore_mem>>)
        %dma_wait3A_36 = arith.constant 0 : i32
        %dma_wait3A_37 = tpu.memref_slice %arg3[%add3A_21, %dma_wait3A_36] : memref<320000x128xf32, #tpu.memory_space<hbm>> -> memref<80x128xf32, #tpu.memory_space<hbm>>
        %dma_wait3A_38 = arith.constant 0 : i32
        %dma_wait3A_39 = tpu.memref_slice %arg3[%add3A_21, %dma_wait3A_38] : memref<320000x128xf32, #tpu.memory_space<hbm>> -> memref<80x128xf32, #tpu.memory_space<hbm>>
        tpu.wait_dma2 semaphore(%run_scoped3A : memref<!tpu.dma_semaphore, #tpu.memory_space<semaphore_mem>>) src(%dma_wait3A_39 : memref<80x128xf32, #tpu.memory_space<hbm>>) dst(%arg11 : memref<80x128xf32, #tpu.memory_space<vmem>>)
        tpu.yield
      }) : () -> ()
      %dma_start3A = arith.constant 0 : i32
      %dma_start3A_22 = arith.constant 0 : i32
      %dma_start3A_23 = tpu.memref_slice %arg2[%dma_start3A, %dma_start3A_22] : memref<10000x128xf32, #tpu.memory_space<hbm>> -> memref<10000x128xf32, #tpu.memory_space<hbm>>
      tpu.enqueue_indirect_dma source(%dma_start3A_23 : memref<10000x128xf32, #tpu.memory_space<hbm>>) target(%arg10 : memref<80x128xf32, #tpu.memory_space<vmem>>) offsets(%arg9 : memref<80xi32, #tpu.memory_space<vmem>>) semaphore(%arg13 : memref<!tpu.dma_semaphore, #tpu.memory_space<semaphore_mem>>)
      %dma_wait3A = arith.constant 0 : i32
      %dma_wait3A_24 = arith.constant 0 : i32
      %dma_wait3A_25 = tpu.memref_slice %arg2[%dma_wait3A, %dma_wait3A_24] : memref<10000x128xf32, #tpu.memory_space<hbm>> -> memref<10000x128xf32, #tpu.memory_space<hbm>>
      tpu.wait_indirect_dma semaphore(%arg13 : memref<!tpu.dma_semaphore, #tpu.memory_space<semaphore_mem>>) src(%dma_wait3A_25 : memref<10000x128xf32, #tpu.memory_space<hbm>>) dst(%arg10 : memref<80x128xf32, #tpu.memory_space<vmem>>)
      %scan3A_26 = arith.constant 0 : i32
      %scan3A_27 = arith.constant 0 : i32
      %scan3A_28 = arith.constant 80 : i32
      %scan3A_29 = arith.addi %scan3A_27, %scan3A_28 : i32
      %scan3A_30 = arith.constant 1 : i32
      scf.for %scan3A_32 = %scan3A_27 to %scan3A_29 step %scan3A_30  : i32 {
        %get3A = arith.index_cast %scan3A_32 : i32 to index
        %get3A_33 = arith.constant 0 : index
        %get3A_34 = tpu.vector_load %arg10[%get3A, %get3A_33] {strides = array<i32>} : memref<80x128xf32, #tpu.memory_space<vmem>>, vector<1x16xf32>,
        %get3A_35 = vector.shape_cast %get3A_34 : vector<1x16xf32> to vector<16xf32>
        %get3A_36 = arith.index_cast %scan3A_32 : i32 to index
        %get3A_37 = arith.constant 0 : index
        %get3A_38 = tpu.vector_load %arg11[%get3A_36, %get3A_37] {strides = array<i32>} : memref<80x128xf32, #tpu.memory_space<vmem>>, vector<1x16xf32>,
        %get3A_39 = vector.shape_cast %get3A_38 : vector<1x16xf32> to vector<16xf32>
        %mul3A_40 = arith.mulf %get3A_35, %get3A_39 : vector<16xf32>
        %swap3A = arith.index_cast %scan3A_32 : i32 to index
        %swap3A_41 = arith.constant 0 : index
        %swap3A_42 = tpu.vector_load %arg11[%swap3A, %swap3A_41] {strides = array<i32>} : memref<80x128xf32, #tpu.memory_space<vmem>>, vector<1x16xf32>,
        %swap3A_43 = vector.shape_cast %swap3A_42 : vector<1x16xf32> to vector<16xf32>
        %swap3A_44 = vector.shape_cast %mul3A_40 : vector<16xf32> to vector<1x16xf32>
        tpu.vector_store %arg11[%swap3A, %swap3A_41], %swap3A_44 {strides = array<i32>} : memref<80x128xf32, #tpu.memory_space<vmem>>, vector<1x16xf32>,
        %get3A_45 = arith.index_cast %scan3A_32 : i32 to index
        %get3A_46 = arith.constant 16 : index
        %get3A_47 = tpu.vector_load %arg10[%get3A_45, %get3A_46] {strides = array<i32>} : memref<80x128xf32, #tpu.memory_space<vmem>>, vector<1x16xf32>,
        %get3A_48 = vector.shape_cast %get3A_47 : vector<1x16xf32> to vector<16xf32>
        %get3A_49 = arith.index_cast %scan3A_32 : i32 to index
        %get3A_50 = arith.constant 16 : index
        %get3A_51 = tpu.vector_load %arg11[%get3A_49, %get3A_50] {strides = array<i32>} : memref<80x128xf32, #tpu.memory_space<vmem>>, vector<1x16xf32>,
        %get3A_52 = vector.shape_cast %get3A_51 : vector<1x16xf32> to vector<16xf32>
        %mul3A_53 = arith.mulf %get3A_48, %get3A_52 : vector<16xf32>
        %swap3A_54 = arith.index_cast %scan3A_32 : i32 to index
        %swap3A_55 = arith.constant 16 : index
        %swap3A_56 = tpu.vector_load %arg11[%swap3A_54, %swap3A_55] {strides = array<i32>} : memref<80x128xf32, #tpu.memory_space<vmem>>, vector<1x16xf32>,
        %swap3A_57 = vector.shape_cast %swap3A_56 : vector<1x16xf32> to vector<16xf32>
        %swap3A_58 = vector.shape_cast %mul3A_53 : vector<16xf32> to vector<1x16xf32>
        tpu.vector_store %arg11[%swap3A_54, %swap3A_55], %swap3A_58 {strides = array<i32>} : memref<80x128xf32, #tpu.memory_space<vmem>>, vector<1x16xf32>,
        %get3A_59 = arith.index_cast %scan3A_32 : i32 to index
        %get3A_60 = arith.constant 32 : index
        %get3A_61 = tpu.vector_load %arg10[%get3A_59, %get3A_60] {strides = array<i32>} : memref<80x128xf32, #tpu.memory_space<vmem>>, vector<1x16xf32>,
        %get3A_62 = vector.shape_cast %get3A_61 : vector<1x16xf32> to vector<16xf32>
        %get3A_63 = arith.index_cast %scan3A_32 : i32 to index
        %get3A_64 = arith.constant 32 : index
        %get3A_65 = tpu.vector_load %arg11[%get3A_63, %get3A_64] {strides = array<i32>} : memref<80x128xf32, #tpu.memory_space<vmem>>, vector<1x16xf32>,
        %get3A_66 = vector.shape_cast %get3A_65 : vector<1x16xf32> to vector<16xf32>
        %mul3A_67 = arith.mulf %get3A_62, %get3A_66 : vector<16xf32>
        %swap3A_68 = arith.index_cast %scan3A_32 : i32 to index
        %swap3A_69 = arith.constant 32 : index
        %swap3A_70 = tpu.vector_load %arg11[%swap3A_68, %swap3A_69] {strides = array<i32>} : memref<80x128xf32, #tpu.memory_space<vmem>>, vector<1x16xf32>,
        %swap3A_71 = vector.shape_cast %swap3A_70 : vector<1x16xf32> to vector<16xf32>
        %swap3A_72 = vector.shape_cast %mul3A_67 : vector<16xf32> to vector<1x16xf32>
        tpu.vector_store %arg11[%swap3A_68, %swap3A_69], %swap3A_72 {strides = array<i32>} : memref<80x128xf32, #tpu.memory_space<vmem>>, vector<1x16xf32>,
        %get3A_73 = arith.index_cast %scan3A_32 : i32 to index
        %get3A_74 = arith.constant 48 : index
        %get3A_75 = tpu.vector_load %arg10[%get3A_73, %get3A_74] {strides = array<i32>} : memref<80x128xf32, #tpu.memory_space<vmem>>, vector<1x16xf32>,
        %get3A_76 = vector.shape_cast %get3A_75 : vector<1x16xf32> to vector<16xf32>
        %get3A_77 = arith.index_cast %scan3A_32 : i32 to index
        %get3A_78 = arith.constant 48 : index
        %get3A_79 = tpu.vector_load %arg11[%get3A_77, %get3A_78] {strides = array<i32>} : memref<80x128xf32, #tpu.memory_space<vmem>>, vector<1x16xf32>,
        %get3A_80 = vector.shape_cast %get3A_79 : vector<1x16xf32> to vector<16xf32>
        %mul3A_81 = arith.mulf %get3A_76, %get3A_80 : vector<16xf32>
        %swap3A_82 = arith.index_cast %scan3A_32 : i32 to index
        %swap3A_83 = arith.constant 48 : index
        %swap3A_84 = tpu.vector_load %arg11[%swap3A_82, %swap3A_83] {strides = array<i32>} : memref<80x128xf32, #tpu.memory_space<vmem>>, vector<1x16xf32>,
        %swap3A_85 = vector.shape_cast %swap3A_84 : vector<1x16xf32> to vector<16xf32>
        %swap3A_86 = vector.shape_cast %mul3A_81 : vector<16xf32> to vector<1x16xf32>
        tpu.vector_store %arg11[%swap3A_82, %swap3A_83], %swap3A_86 {strides = array<i32>} : memref<80x128xf32, #tpu.memory_space<vmem>>, vector<1x16xf32>,
      }
      %scan3A_31 = arith.constant 80 : i32
      "tpu.region"() ({
        %run_scoped3A = tpu.sem_alloc : memref<!tpu.dma_semaphore, #tpu.memory_space<semaphore_mem>>
        %dma_start3A_32 = arith.constant 0 : i32
        %dma_start3A_33 = arith.constant 0 : i32
        %dma_start3A_34 = tpu.memref_slice %arg12[%dma_start3A_32, %dma_start3A_33] : memref<10000x128xf32, #tpu.memory_space<vmem_shared>> -> memref<10000x128xf32, #tpu.memory_space<vmem_shared>>
        tpu.enqueue_indirect_dma source(%arg11 : memref<80x128xf32, #tpu.memory_space<vmem>>) target(%dma_start3A_34 : memref<10000x128xf32, #tpu.memory_space<vmem_shared>>) offsets(%arg8 : memref<80xi32, #tpu.memory_space<vmem>>) semaphore(%run_scoped3A : memref<!tpu.dma_semaphore, #tpu.memory_space<semaphore_mem>>) {add = true}
        %dma_wait3A_35 = arith.constant 0 : i32
        %dma_wait3A_36 = arith.constant 0 : i32
        %dma_wait3A_37 = tpu.memref_slice %arg12[%dma_wait3A_35, %dma_wait3A_36] : memref<10000x128xf32, #tpu.memory_space<vmem_shared>> -> memref<10000x128xf32, #tpu.memory_space<vmem_shared>>
        tpu.wait_indirect_dma semaphore(%run_scoped3A : memref<!tpu.dma_semaphore, #tpu.memory_space<semaphore_mem>>) src(%arg11 : memref<80x128xf32, #tpu.memory_space<vmem>>) dst(%dma_wait3A_37 : memref<10000x128xf32, #tpu.memory_space<vmem_shared>>)
        tpu.yield
      }) : () -> ()
    }
    %scan3A_9 = arith.constant 125 : i32
    %barrier3A_10 = arith.constant 0 : index
    tpu.barrier barrier_id(%barrier3A_10)
    "tpu.region"() ({
      %run_scoped3A = tpu.sem_alloc : memref<!tpu.dma_semaphore, #tpu.memory_space<semaphore_mem>>
      %dma_start3A = arith.constant 0 : i32
      %dma_start3A_16 = tpu.memref_slice %arg7[%arg0, %mul3A_2, %dma_start3A] : memref<2x10000x128xf32, #tpu.memory_space<hbm>> -> memref<1x624x128xf32, #tpu.memory_space<hbm>>
      %dma_start3A_17 = tpu.memref_squeeze %dma_start3A_16 : memref<1x624x128xf32, #tpu.memory_space<hbm>> -> memref<624x128xf32, #tpu.memory_space<hbm>>
      %dma_start3A_18 = arith.constant 0 : i32
      %dma_start3A_19 = tpu.memref_slice %arg12[%mul3A_2, %dma_start3A_18] : memref<10000x128xf32, #tpu.memory_space<vmem_shared>> -> memref<624x128xf32, #tpu.memory_space<vmem_shared>>
      tpu.enqueue_dma source(%dma_start3A_19 : memref<624x128xf32, #tpu.memory_space<vmem_shared>>) target(%dma_start3A_17 : memref<624x128xf32, #tpu.memory_space<hbm>>) target_semaphore(%run_scoped3A : memref<!tpu.dma_semaphore, #tpu.memory_space<semaphore_mem>>)
      %dma_wait3A = arith.constant 0 : i32
      %dma_wait3A_20 = tpu.memref_slice %arg7[%arg0, %mul3A_2, %dma_wait3A] : memref<2x10000x128xf32, #tpu.memory_space<hbm>> -> memref<1x624x128xf32, #tpu.memory_space<hbm>>
      %dma_wait3A_21 = tpu.memref_squeeze %dma_wait3A_20 : memref<1x624x128xf32, #tpu.memory_space<hbm>> -> memref<624x128xf32, #tpu.memory_space<hbm>>
      %dma_wait3A_22 = arith.constant 0 : i32
      %dma_wait3A_23 = tpu.memref_slice %arg12[%mul3A_2, %dma_wait3A_22] : memref<10000x128xf32, #tpu.memory_space<vmem_shared>> -> memref<624x128xf32, #tpu.memory_space<vmem_shared>>
      tpu.wait_dma2 semaphore(%run_scoped3A : memref<!tpu.dma_semaphore, #tpu.memory_space<semaphore_mem>>) src(%dma_wait3A_23 : memref<624x128xf32, #tpu.memory_space<vmem_shared>>) dst(%dma_wait3A_21 : memref<624x128xf32, #tpu.memory_space<hbm>>)
      tpu.yield
    }) : () -> ()
    %eq3A_11 = arith.constant 15 : i32
    %eq3A_12 = arith.cmpi eq, %arg1, %eq3A_11 : i32
    %convert_element_type3A_13 = arith.extui %eq3A_12 : i1 to i32
    %cond3A_14 = arith.constant 0 : i32
    %cond3A_15 = arith.cmpi ne, %convert_element_type3A_13, %cond3A_14 : i32
    scf.if %cond3A_15 {
      "tpu.region"() ({
        %run_scoped3A = tpu.sem_alloc : memref<!tpu.dma_semaphore, #tpu.memory_space<semaphore_mem>>
        %dma_start3A = arith.constant 9984 : i32
        %dma_start3A_16 = arith.constant 0 : i32
        %dma_start3A_17 = tpu.memref_slice %arg7[%arg0, %dma_start3A, %dma_start3A_16] : memref<2x10000x128xf32, #tpu.memory_space<hbm>> -> memref<1x16x128xf32, #tpu.memory_space<hbm>>
        %dma_start3A_18 = tpu.memref_squeeze %dma_start3A_17 : memref<1x16x128xf32, #tpu.memory_space<hbm>> -> memref<16x128xf32, #tpu.memory_space<hbm>>
        %dma_start3A_19 = arith.constant 9984 : i32
        %dma_start3A_20 = arith.constant 0 : i32
        %dma_start3A_21 = tpu.memref_slice %arg12[%dma_start3A_19, %dma_start3A_20] : memref<10000x128xf32, #tpu.memory_space<vmem_shared>> -> memref<16x128xf32, #tpu.memory_space<vmem_shared>>
        tpu.enqueue_dma source(%dma_start3A_21 : memref<16x128xf32, #tpu.memory_space<vmem_shared>>) target(%dma_start3A_18 : memref<16x128xf32, #tpu.memory_space<hbm>>) target_semaphore(%run_scoped3A : memref<!tpu.dma_semaphore, #tpu.memory_space<semaphore_mem>>)
        %dma_wait3A = arith.constant 9984 : i32
        %dma_wait3A_22 = arith.constant 0 : i32
        %dma_wait3A_23 = tpu.memref_slice %arg7[%arg0, %dma_wait3A, %dma_wait3A_22] : memref<2x10000x128xf32, #tpu.memory_space<hbm>> -> memref<1x16x128xf32, #tpu.memory_space<hbm>>
        %dma_wait3A_24 = tpu.memref_squeeze %dma_wait3A_23 : memref<1x16x128xf32, #tpu.memory_space<hbm>> -> memref<16x128xf32, #tpu.memory_space<hbm>>
        %dma_wait3A_25 = arith.constant 9984 : i32
        %dma_wait3A_26 = arith.constant 0 : i32
        %dma_wait3A_27 = tpu.memref_slice %arg12[%dma_wait3A_25, %dma_wait3A_26] : memref<10000x128xf32, #tpu.memory_space<vmem_shared>> -> memref<16x128xf32, #tpu.memory_space<vmem_shared>>
        tpu.wait_dma2 semaphore(%run_scoped3A : memref<!tpu.dma_semaphore, #tpu.memory_space<semaphore_mem>>) src(%dma_wait3A_27 : memref<16x128xf32, #tpu.memory_space<vmem_shared>>) dst(%dma_wait3A_24 : memref<16x128xf32, #tpu.memory_space<hbm>>)
        tpu.yield
      }) : () -> ()
    } else {
    }
    return
  }
}

#map = affine_map<(d0, d1) -> (0, 0)>
#map1 = affine_map<(d0, d1) -> (0)>
#map2 = affine_map<(d0, d1) -> (0, 0, 0)>
module attributes {stable_mosaic.version = 14 : i64} {
  func.func @_sc_force(%arg0: i32, %arg1: i32, %arg2: memref<320000x128xf32, #tpu.memory_space<hbm>>, %arg3: memref<320000xi32, #tpu.memory_space<hbm>>, %arg4: memref<320000xi32, #tpu.memory_space<hbm>>, %arg5: memref<10000x128xf32, #tpu.memory_space<hbm>>, %arg6: memref<2x10000x128xf32, #tpu.memory_space<hbm>>, %arg7: memref<80xi32, #tpu.memory_space<vmem>>, %arg8: memref<80xi32, #tpu.memory_space<vmem>>, %arg9: memref<80x128xf32, #tpu.memory_space<vmem>>, %arg10: memref<80x128xf32, #tpu.memory_space<vmem>>, %arg11: memref<10000x128xf32, #tpu.memory_space<vmem_shared>>, %arg12: memref<!tpu.dma_semaphore, #tpu.memory_space<semaphore_mem>>) attributes {dimension_semantics = [#tpu.dimension_semantics<core_parallel>, #tpu.dimension_semantics<subcore_parallel>], iteration_bounds = array<i64: 2, 16>, scalar_prefetch = 0 : i64, scratch_operands = 6 : i64, tpu.core_type = #tpu.core_type<sc_vector_subcore>, window_params = [{transform_indices = #map}, {transform_indices = #map1}, {transform_indices = #map1}, {transform_indices = #map}, {transform_indices = #map2}]} {
    %mul3A = arith.constant 2 : i32
    %mul3A_0 = arith.muli %arg1, %mul3A : i32
    %add3A = arith.addi %mul3A_0, %arg0 : i32
    %mul3A_1 = arith.constant 624 : i32
    %mul3A_2 = arith.muli %arg1, %mul3A_1 : i32
    "tpu.region"() ({
      %run_scoped3A = tpu.sem_alloc : memref<!tpu.dma_semaphore, #tpu.memory_space<semaphore_mem>>
      %dma_start3A = arith.constant 0 : i32
      %dma_start3A_22 = tpu.memref_slice %arg11[%mul3A_2, %dma_start3A] : memref<10000x128xf32, #tpu.memory_space<vmem_shared>> -> memref<624x128xf32, #tpu.memory_space<vmem_shared>>
      %dma_start3A_23 = arith.constant 0 : i32
      %dma_start3A_24 = tpu.memref_slice %arg5[%mul3A_2, %dma_start3A_23] : memref<10000x128xf32, #tpu.memory_space<hbm>> -> memref<624x128xf32, #tpu.memory_space<hbm>>
      tpu.enqueue_dma source(%dma_start3A_24 : memref<624x128xf32, #tpu.memory_space<hbm>>) target(%dma_start3A_22 : memref<624x128xf32, #tpu.memory_space<vmem_shared>>) target_semaphore(%run_scoped3A : memref<!tpu.dma_semaphore, #tpu.memory_space<semaphore_mem>>)
      %dma_wait3A = arith.constant 0 : i32
      %dma_wait3A_25 = tpu.memref_slice %arg11[%mul3A_2, %dma_wait3A] : memref<10000x128xf32, #tpu.memory_space<vmem_shared>> -> memref<624x128xf32, #tpu.memory_space<vmem_shared>>
      %dma_wait3A_26 = arith.constant 0 : i32
      %dma_wait3A_27 = tpu.memref_slice %arg5[%mul3A_2, %dma_wait3A_26] : memref<10000x128xf32, #tpu.memory_space<hbm>> -> memref<624x128xf32, #tpu.memory_space<hbm>>
      tpu.wait_dma2 semaphore(%run_scoped3A : memref<!tpu.dma_semaphore, #tpu.memory_space<semaphore_mem>>) src(%dma_wait3A_27 : memref<624x128xf32, #tpu.memory_space<hbm>>) dst(%dma_wait3A_25 : memref<624x128xf32, #tpu.memory_space<vmem_shared>>)
      tpu.yield
    }) : () -> ()
    %eq3A = arith.constant 15 : i32
    %eq3A_3 = arith.cmpi eq, %arg1, %eq3A : i32
    %convert_element_type3A = arith.extui %eq3A_3 : i1 to i32
    %cond3A = arith.constant 0 : i32
    %cond3A_4 = arith.cmpi ne, %convert_element_type3A, %cond3A : i32
    scf.if %cond3A_4 {
      "tpu.region"() ({
        %run_scoped3A = tpu.sem_alloc : memref<!tpu.dma_semaphore, #tpu.memory_space<semaphore_mem>>
        %dma_start3A = arith.constant 9984 : i32
        %dma_start3A_22 = arith.constant 0 : i32
        %dma_start3A_23 = tpu.memref_slice %arg11[%dma_start3A, %dma_start3A_22] : memref<10000x128xf32, #tpu.memory_space<vmem_shared>> -> memref<16x128xf32, #tpu.memory_space<vmem_shared>>
        %dma_start3A_24 = arith.constant 9984 : i32
        %dma_start3A_25 = arith.constant 0 : i32
        %dma_start3A_26 = tpu.memref_slice %arg5[%dma_start3A_24, %dma_start3A_25] : memref<10000x128xf32, #tpu.memory_space<hbm>> -> memref<16x128xf32, #tpu.memory_space<hbm>>
        tpu.enqueue_dma source(%dma_start3A_26 : memref<16x128xf32, #tpu.memory_space<hbm>>) target(%dma_start3A_23 : memref<16x128xf32, #tpu.memory_space<vmem_shared>>) target_semaphore(%run_scoped3A : memref<!tpu.dma_semaphore, #tpu.memory_space<semaphore_mem>>)
        %dma_wait3A = arith.constant 9984 : i32
        %dma_wait3A_27 = arith.constant 0 : i32
        %dma_wait3A_28 = tpu.memref_slice %arg11[%dma_wait3A, %dma_wait3A_27] : memref<10000x128xf32, #tpu.memory_space<vmem_shared>> -> memref<16x128xf32, #tpu.memory_space<vmem_shared>>
        %dma_wait3A_29 = arith.constant 9984 : i32
        %dma_wait3A_30 = arith.constant 0 : i32
        %dma_wait3A_31 = tpu.memref_slice %arg5[%dma_wait3A_29, %dma_wait3A_30] : memref<10000x128xf32, #tpu.memory_space<hbm>> -> memref<16x128xf32, #tpu.memory_space<hbm>>
        tpu.wait_dma2 semaphore(%run_scoped3A : memref<!tpu.dma_semaphore, #tpu.memory_space<semaphore_mem>>) src(%dma_wait3A_31 : memref<16x128xf32, #tpu.memory_space<hbm>>) dst(%dma_wait3A_28 : memref<16x128xf32, #tpu.memory_space<vmem_shared>>)
        tpu.yield
      }) : () -> ()
    } else {
    }
    %scan3A = arith.constant 0 : i32
    %scan3A_5 = arith.constant 0 : i32
    %scan3A_6 = arith.constant 80 : i32
    %scan3A_7 = arith.addi %scan3A_5, %scan3A_6 : i32
    %scan3A_8 = arith.constant 1 : i32
    scf.for %scan3A_22 = %scan3A_5 to %scan3A_7 step %scan3A_8  : i32 {
      %broadcast_in_dim3A = arith.constant 0.000000e+00 : f32
      %broadcast_in_dim3A_23 = vector.broadcast %broadcast_in_dim3A : f32 to vector<16xf32>
      %swap3A = arith.index_cast %scan3A_22 : i32 to index
      %swap3A_24 = arith.constant 0 : index
      %swap3A_25 = tpu.vector_load %arg10[%swap3A, %swap3A_24] {strides = array<i32>} : memref<80x128xf32, #tpu.memory_space<vmem>>, vector<1x16xf32>,
      %swap3A_26 = vector.shape_cast %swap3A_25 : vector<1x16xf32> to vector<16xf32>
      %swap3A_27 = vector.shape_cast %broadcast_in_dim3A_23 : vector<16xf32> to vector<1x16xf32>
      tpu.vector_store %arg10[%swap3A, %swap3A_24], %swap3A_27 {strides = array<i32>} : memref<80x128xf32, #tpu.memory_space<vmem>>, vector<1x16xf32>,
      %broadcast_in_dim3A_28 = arith.constant 0.000000e+00 : f32
      %broadcast_in_dim3A_29 = vector.broadcast %broadcast_in_dim3A_28 : f32 to vector<16xf32>
      %swap3A_30 = arith.index_cast %scan3A_22 : i32 to index
      %swap3A_31 = arith.constant 16 : index
      %swap3A_32 = tpu.vector_load %arg10[%swap3A_30, %swap3A_31] {strides = array<i32>} : memref<80x128xf32, #tpu.memory_space<vmem>>, vector<1x16xf32>,
      %swap3A_33 = vector.shape_cast %swap3A_32 : vector<1x16xf32> to vector<16xf32>
      %swap3A_34 = vector.shape_cast %broadcast_in_dim3A_29 : vector<16xf32> to vector<1x16xf32>
      tpu.vector_store %arg10[%swap3A_30, %swap3A_31], %swap3A_34 {strides = array<i32>} : memref<80x128xf32, #tpu.memory_space<vmem>>, vector<1x16xf32>,
      %broadcast_in_dim3A_35 = arith.constant 0.000000e+00 : f32
      %broadcast_in_dim3A_36 = vector.broadcast %broadcast_in_dim3A_35 : f32 to vector<16xf32>
      %swap3A_37 = arith.index_cast %scan3A_22 : i32 to index
      %swap3A_38 = arith.constant 32 : index
      %swap3A_39 = tpu.vector_load %arg10[%swap3A_37, %swap3A_38] {strides = array<i32>} : memref<80x128xf32, #tpu.memory_space<vmem>>, vector<1x16xf32>,
      %swap3A_40 = vector.shape_cast %swap3A_39 : vector<1x16xf32> to vector<16xf32>
      %swap3A_41 = vector.shape_cast %broadcast_in_dim3A_36 : vector<16xf32> to vector<1x16xf32>
      tpu.vector_store %arg10[%swap3A_37, %swap3A_38], %swap3A_41 {strides = array<i32>} : memref<80x128xf32, #tpu.memory_space<vmem>>, vector<1x16xf32>,
      %broadcast_in_dim3A_42 = arith.constant 0.000000e+00 : f32
      %broadcast_in_dim3A_43 = vector.broadcast %broadcast_in_dim3A_42 : f32 to vector<16xf32>
      %swap3A_44 = arith.index_cast %scan3A_22 : i32 to index
      %swap3A_45 = arith.constant 48 : index
      %swap3A_46 = tpu.vector_load %arg10[%swap3A_44, %swap3A_45] {strides = array<i32>} : memref<80x128xf32, #tpu.memory_space<vmem>>, vector<1x16xf32>,
      %swap3A_47 = vector.shape_cast %swap3A_46 : vector<1x16xf32> to vector<16xf32>
      %swap3A_48 = vector.shape_cast %broadcast_in_dim3A_43 : vector<16xf32> to vector<1x16xf32>
      tpu.vector_store %arg10[%swap3A_44, %swap3A_45], %swap3A_48 {strides = array<i32>} : memref<80x128xf32, #tpu.memory_space<vmem>>, vector<1x16xf32>,
      %broadcast_in_dim3A_49 = arith.constant 0.000000e+00 : f32
      %broadcast_in_dim3A_50 = vector.broadcast %broadcast_in_dim3A_49 : f32 to vector<16xf32>
      %swap3A_51 = arith.index_cast %scan3A_22 : i32 to index
      %swap3A_52 = arith.constant 64 : index
      %swap3A_53 = tpu.vector_load %arg10[%swap3A_51, %swap3A_52] {strides = array<i32>} : memref<80x128xf32, #tpu.memory_space<vmem>>, vector<1x16xf32>,
      %swap3A_54 = vector.shape_cast %swap3A_53 : vector<1x16xf32> to vector<16xf32>
      %swap3A_55 = vector.shape_cast %broadcast_in_dim3A_50 : vector<16xf32> to vector<1x16xf32>
      tpu.vector_store %arg10[%swap3A_51, %swap3A_52], %swap3A_55 {strides = array<i32>} : memref<80x128xf32, #tpu.memory_space<vmem>>, vector<1x16xf32>,
      %broadcast_in_dim3A_56 = arith.constant 0.000000e+00 : f32
      %broadcast_in_dim3A_57 = vector.broadcast %broadcast_in_dim3A_56 : f32 to vector<16xf32>
      %swap3A_58 = arith.index_cast %scan3A_22 : i32 to index
      %swap3A_59 = arith.constant 80 : index
      %swap3A_60 = tpu.vector_load %arg10[%swap3A_58, %swap3A_59] {strides = array<i32>} : memref<80x128xf32, #tpu.memory_space<vmem>>, vector<1x16xf32>,
      %swap3A_61 = vector.shape_cast %swap3A_60 : vector<1x16xf32> to vector<16xf32>
      %swap3A_62 = vector.shape_cast %broadcast_in_dim3A_57 : vector<16xf32> to vector<1x16xf32>
      tpu.vector_store %arg10[%swap3A_58, %swap3A_59], %swap3A_62 {strides = array<i32>} : memref<80x128xf32, #tpu.memory_space<vmem>>, vector<1x16xf32>,
      %broadcast_in_dim3A_63 = arith.constant 0.000000e+00 : f32
      %broadcast_in_dim3A_64 = vector.broadcast %broadcast_in_dim3A_63 : f32 to vector<16xf32>
      %swap3A_65 = arith.index_cast %scan3A_22 : i32 to index
      %swap3A_66 = arith.constant 96 : index
      %swap3A_67 = tpu.vector_load %arg10[%swap3A_65, %swap3A_66] {strides = array<i32>} : memref<80x128xf32, #tpu.memory_space<vmem>>, vector<1x16xf32>,
      %swap3A_68 = vector.shape_cast %swap3A_67 : vector<1x16xf32> to vector<16xf32>
      %swap3A_69 = vector.shape_cast %broadcast_in_dim3A_64 : vector<16xf32> to vector<1x16xf32>
      tpu.vector_store %arg10[%swap3A_65, %swap3A_66], %swap3A_69 {strides = array<i32>} : memref<80x128xf32, #tpu.memory_space<vmem>>, vector<1x16xf32>,
      %broadcast_in_dim3A_70 = arith.constant 0.000000e+00 : f32
      %broadcast_in_dim3A_71 = vector.broadcast %broadcast_in_dim3A_70 : f32 to vector<16xf32>
      %swap3A_72 = arith.index_cast %scan3A_22 : i32 to index
      %swap3A_73 = arith.constant 112 : index
      %swap3A_74 = tpu.vector_load %arg10[%swap3A_72, %swap3A_73] {strides = array<i32>} : memref<80x128xf32, #tpu.memory_space<vmem>>, vector<1x16xf32>,
      %swap3A_75 = vector.shape_cast %swap3A_74 : vector<1x16xf32> to vector<16xf32>
      %swap3A_76 = vector.shape_cast %broadcast_in_dim3A_71 : vector<16xf32> to vector<1x16xf32>
      tpu.vector_store %arg10[%swap3A_72, %swap3A_73], %swap3A_76 {strides = array<i32>} : memref<80x128xf32, #tpu.memory_space<vmem>>, vector<1x16xf32>,
    }
    %scan3A_9 = arith.constant 80 : i32
    %barrier3A = arith.constant 0 : index
    tpu.barrier barrier_id(%barrier3A)
    %scan3A_10 = arith.constant 0 : i32
    %scan3A_11 = arith.constant 0 : i32
    %scan3A_12 = arith.constant 125 : i32
    %scan3A_13 = arith.addi %scan3A_11, %scan3A_12 : i32
    %scan3A_14 = arith.constant 1 : i32
    scf.for %scan3A_22 = %scan3A_11 to %scan3A_13 step %scan3A_14  : i32 {
      %mul3A_23 = arith.constant 10000 : i32
      %mul3A_24 = arith.muli %add3A, %mul3A_23 : i32
      %mul3A_25 = arith.constant 80 : i32
      %mul3A_26 = arith.muli %scan3A_22, %mul3A_25 : i32
      %add3A_27 = arith.addi %mul3A_24, %mul3A_26 : i32
      "tpu.region"() ({
        %run_scoped3A = tpu.sem_alloc : memref<!tpu.dma_semaphore, #tpu.memory_space<semaphore_mem>>
        %dma_start3A = tpu.memref_slice %arg3[%add3A_27] : memref<320000xi32, #tpu.memory_space<hbm>> -> memref<80xi32, #tpu.memory_space<hbm>>
        %dma_start3A_34 = tpu.memref_slice %arg3[%add3A_27] : memref<320000xi32, #tpu.memory_space<hbm>> -> memref<80xi32, #tpu.memory_space<hbm>>
        tpu.enqueue_dma source(%dma_start3A_34 : memref<80xi32, #tpu.memory_space<hbm>>) target(%arg7 : memref<80xi32, #tpu.memory_space<vmem>>) target_semaphore(%run_scoped3A : memref<!tpu.dma_semaphore, #tpu.memory_space<semaphore_mem>>)
        %dma_wait3A = tpu.memref_slice %arg3[%add3A_27] : memref<320000xi32, #tpu.memory_space<hbm>> -> memref<80xi32, #tpu.memory_space<hbm>>
        %dma_wait3A_35 = tpu.memref_slice %arg3[%add3A_27] : memref<320000xi32, #tpu.memory_space<hbm>> -> memref<80xi32, #tpu.memory_space<hbm>>
        tpu.wait_dma2 semaphore(%run_scoped3A : memref<!tpu.dma_semaphore, #tpu.memory_space<semaphore_mem>>) src(%dma_wait3A_35 : memref<80xi32, #tpu.memory_space<hbm>>) dst(%arg7 : memref<80xi32, #tpu.memory_space<vmem>>)
        tpu.yield
      }) : () -> ()
      "tpu.region"() ({
        %run_scoped3A = tpu.sem_alloc : memref<!tpu.dma_semaphore, #tpu.memory_space<semaphore_mem>>
        %dma_start3A = tpu.memref_slice %arg4[%add3A_27] : memref<320000xi32, #tpu.memory_space<hbm>> -> memref<80xi32, #tpu.memory_space<hbm>>
        %dma_start3A_34 = tpu.memref_slice %arg4[%add3A_27] : memref<320000xi32, #tpu.memory_space<hbm>> -> memref<80xi32, #tpu.memory_space<hbm>>
        tpu.enqueue_dma source(%dma_start3A_34 : memref<80xi32, #tpu.memory_space<hbm>>) target(%arg8 : memref<80xi32, #tpu.memory_space<vmem>>) target_semaphore(%run_scoped3A : memref<!tpu.dma_semaphore, #tpu.memory_space<semaphore_mem>>)
        %dma_wait3A = tpu.memref_slice %arg4[%add3A_27] : memref<320000xi32, #tpu.memory_space<hbm>> -> memref<80xi32, #tpu.memory_space<hbm>>
        %dma_wait3A_35 = tpu.memref_slice %arg4[%add3A_27] : memref<320000xi32, #tpu.memory_space<hbm>> -> memref<80xi32, #tpu.memory_space<hbm>>
        tpu.wait_dma2 semaphore(%run_scoped3A : memref<!tpu.dma_semaphore, #tpu.memory_space<semaphore_mem>>) src(%dma_wait3A_35 : memref<80xi32, #tpu.memory_space<hbm>>) dst(%arg8 : memref<80xi32, #tpu.memory_space<vmem>>)
        tpu.yield
      }) : () -> ()
      "tpu.region"() ({
        %run_scoped3A = tpu.sem_alloc : memref<!tpu.dma_semaphore, #tpu.memory_space<semaphore_mem>>
        %dma_start3A = arith.constant 0 : i32
        %dma_start3A_34 = tpu.memref_slice %arg2[%add3A_27, %dma_start3A] : memref<320000x128xf32, #tpu.memory_space<hbm>> -> memref<80x128xf32, #tpu.memory_space<hbm>>
        %dma_start3A_35 = arith.constant 0 : i32
        %dma_start3A_36 = tpu.memref_slice %arg2[%add3A_27, %dma_start3A_35] : memref<320000x128xf32, #tpu.memory_space<hbm>> -> memref<80x128xf32, #tpu.memory_space<hbm>>
        tpu.enqueue_dma source(%dma_start3A_36 : memref<80x128xf32, #tpu.memory_space<hbm>>) target(%arg9 : memref<80x128xf32, #tpu.memory_space<vmem>>) target_semaphore(%run_scoped3A : memref<!tpu.dma_semaphore, #tpu.memory_space<semaphore_mem>>)
        %dma_wait3A = arith.constant 0 : i32
        %dma_wait3A_37 = tpu.memref_slice %arg2[%add3A_27, %dma_wait3A] : memref<320000x128xf32, #tpu.memory_space<hbm>> -> memref<80x128xf32, #tpu.memory_space<hbm>>
        %dma_wait3A_38 = arith.constant 0 : i32
        %dma_wait3A_39 = tpu.memref_slice %arg2[%add3A_27, %dma_wait3A_38] : memref<320000x128xf32, #tpu.memory_space<hbm>> -> memref<80x128xf32, #tpu.memory_space<hbm>>
        tpu.wait_dma2 semaphore(%run_scoped3A : memref<!tpu.dma_semaphore, #tpu.memory_space<semaphore_mem>>) src(%dma_wait3A_39 : memref<80x128xf32, #tpu.memory_space<hbm>>) dst(%arg9 : memref<80x128xf32, #tpu.memory_space<vmem>>)
        tpu.yield
      }) : () -> ()
      %scan3A_28 = arith.constant 0 : i32
      %scan3A_29 = arith.constant 0 : i32
      %scan3A_30 = arith.constant 80 : i32
      %scan3A_31 = arith.addi %scan3A_29, %scan3A_30 : i32
      %scan3A_32 = arith.constant 1 : i32
      scf.for %scan3A_34 = %scan3A_29 to %scan3A_31 step %scan3A_32  : i32 {
        %get3A = arith.index_cast %scan3A_34 : i32 to index
        %get3A_35 = arith.constant 0 : index
        %get3A_36 = tpu.vector_load %arg9[%get3A, %get3A_35] {strides = array<i32>} : memref<80x128xf32, #tpu.memory_space<vmem>>, vector<1x16xf32>,
        %get3A_37 = vector.shape_cast %get3A_36 : vector<1x16xf32> to vector<16xf32>
        %neg3A = arith.constant 0.000000e+00 : f32
        %neg3A_38 = vector.broadcast %neg3A : f32 to vector<16xf32>
        %neg3A_39 = arith.subf %neg3A_38, %get3A_37 : vector<16xf32>
        %swap3A = arith.index_cast %scan3A_34 : i32 to index
        %swap3A_40 = arith.constant 0 : index
        %swap3A_41 = tpu.vector_load %arg10[%swap3A, %swap3A_40] {strides = array<i32>} : memref<80x128xf32, #tpu.memory_space<vmem>>, vector<1x16xf32>,
        %swap3A_42 = vector.shape_cast %swap3A_41 : vector<1x16xf32> to vector<16xf32>
        %swap3A_43 = vector.shape_cast %neg3A_39 : vector<16xf32> to vector<1x16xf32>
        tpu.vector_store %arg10[%swap3A, %swap3A_40], %swap3A_43 {strides = array<i32>} : memref<80x128xf32, #tpu.memory_space<vmem>>, vector<1x16xf32>,
      }
      %scan3A_33 = arith.constant 80 : i32
      "tpu.region"() ({
        %run_scoped3A = tpu.sem_alloc : memref<!tpu.dma_semaphore, #tpu.memory_space<semaphore_mem>>
        %dma_start3A = arith.constant 0 : i32
        %dma_start3A_34 = arith.constant 0 : i32
        %dma_start3A_35 = tpu.memref_slice %arg11[%dma_start3A, %dma_start3A_34] : memref<10000x128xf32, #tpu.memory_space<vmem_shared>> -> memref<10000x128xf32, #tpu.memory_space<vmem_shared>>
        tpu.enqueue_indirect_dma source(%arg9 : memref<80x128xf32, #tpu.memory_space<vmem>>) target(%dma_start3A_35 : memref<10000x128xf32, #tpu.memory_space<vmem_shared>>) offsets(%arg7 : memref<80xi32, #tpu.memory_space<vmem>>) semaphore(%run_scoped3A : memref<!tpu.dma_semaphore, #tpu.memory_space<semaphore_mem>>) {add = true}
        %dma_wait3A = arith.constant 0 : i32
        %dma_wait3A_36 = arith.constant 0 : i32
        %dma_wait3A_37 = tpu.memref_slice %arg11[%dma_wait3A, %dma_wait3A_36] : memref<10000x128xf32, #tpu.memory_space<vmem_shared>> -> memref<10000x128xf32, #tpu.memory_space<vmem_shared>>
        tpu.wait_indirect_dma semaphore(%run_scoped3A : memref<!tpu.dma_semaphore, #tpu.memory_space<semaphore_mem>>) src(%arg9 : memref<80x128xf32, #tpu.memory_space<vmem>>) dst(%dma_wait3A_37 : memref<10000x128xf32, #tpu.memory_space<vmem_shared>>)
        tpu.yield
      }) : () -> ()
      "tpu.region"() ({
        %run_scoped3A = tpu.sem_alloc : memref<!tpu.dma_semaphore, #tpu.memory_space<semaphore_mem>>
        %dma_start3A = arith.constant 0 : i32
        %dma_start3A_34 = arith.constant 0 : i32
        %dma_start3A_35 = tpu.memref_slice %arg11[%dma_start3A, %dma_start3A_34] : memref<10000x128xf32, #tpu.memory_space<vmem_shared>> -> memref<10000x128xf32, #tpu.memory_space<vmem_shared>>
        tpu.enqueue_indirect_dma source(%arg10 : memref<80x128xf32, #tpu.memory_space<vmem>>) target(%dma_start3A_35 : memref<10000x128xf32, #tpu.memory_space<vmem_shared>>) offsets(%arg8 : memref<80xi32, #tpu.memory_space<vmem>>) semaphore(%run_scoped3A : memref<!tpu.dma_semaphore, #tpu.memory_space<semaphore_mem>>) {add = true}
        %dma_wait3A = arith.constant 0 : i32
        %dma_wait3A_36 = arith.constant 0 : i32
        %dma_wait3A_37 = tpu.memref_slice %arg11[%dma_wait3A, %dma_wait3A_36] : memref<10000x128xf32, #tpu.memory_space<vmem_shared>> -> memref<10000x128xf32, #tpu.memory_space<vmem_shared>>
        tpu.wait_indirect_dma semaphore(%run_scoped3A : memref<!tpu.dma_semaphore, #tpu.memory_space<semaphore_mem>>) src(%arg10 : memref<80x128xf32, #tpu.memory_space<vmem>>) dst(%dma_wait3A_37 : memref<10000x128xf32, #tpu.memory_space<vmem_shared>>)
        tpu.yield
      }) : () -> ()
    }
    %scan3A_15 = arith.constant 125 : i32
    %barrier3A_16 = arith.constant 0 : index
    tpu.barrier barrier_id(%barrier3A_16)
    "tpu.region"() ({
      %run_scoped3A = tpu.sem_alloc : memref<!tpu.dma_semaphore, #tpu.memory_space<semaphore_mem>>
      %dma_start3A = arith.constant 0 : i32
      %dma_start3A_22 = tpu.memref_slice %arg6[%arg0, %mul3A_2, %dma_start3A] : memref<2x10000x128xf32, #tpu.memory_space<hbm>> -> memref<1x624x128xf32, #tpu.memory_space<hbm>>
      %dma_start3A_23 = tpu.memref_squeeze %dma_start3A_22 : memref<1x624x128xf32, #tpu.memory_space<hbm>> -> memref<624x128xf32, #tpu.memory_space<hbm>>
      %dma_start3A_24 = arith.constant 0 : i32
      %dma_start3A_25 = tpu.memref_slice %arg11[%mul3A_2, %dma_start3A_24] : memref<10000x128xf32, #tpu.memory_space<vmem_shared>> -> memref<624x128xf32, #tpu.memory_space<vmem_shared>>
      tpu.enqueue_dma source(%dma_start3A_25 : memref<624x128xf32, #tpu.memory_space<vmem_shared>>) target(%dma_start3A_23 : memref<624x128xf32, #tpu.memory_space<hbm>>) target_semaphore(%run_scoped3A : memref<!tpu.dma_semaphore, #tpu.memory_space<semaphore_mem>>)
      %dma_wait3A = arith.constant 0 : i32
      %dma_wait3A_26 = tpu.memref_slice %arg6[%arg0, %mul3A_2, %dma_wait3A] : memref<2x10000x128xf32, #tpu.memory_space<hbm>> -> memref<1x624x128xf32, #tpu.memory_space<hbm>>
      %dma_wait3A_27 = tpu.memref_squeeze %dma_wait3A_26 : memref<1x624x128xf32, #tpu.memory_space<hbm>> -> memref<624x128xf32, #tpu.memory_space<hbm>>
      %dma_wait3A_28 = arith.constant 0 : i32
      %dma_wait3A_29 = tpu.memref_slice %arg11[%mul3A_2, %dma_wait3A_28] : memref<10000x128xf32, #tpu.memory_space<vmem_shared>> -> memref<624x128xf32, #tpu.memory_space<vmem_shared>>
      tpu.wait_dma2 semaphore(%run_scoped3A : memref<!tpu.dma_semaphore, #tpu.memory_space<semaphore_mem>>) src(%dma_wait3A_29 : memref<624x128xf32, #tpu.memory_space<vmem_shared>>) dst(%dma_wait3A_27 : memref<624x128xf32, #tpu.memory_space<hbm>>)
      tpu.yield
    }) : () -> ()
    %eq3A_17 = arith.constant 15 : i32
    %eq3A_18 = arith.cmpi eq, %arg1, %eq3A_17 : i32
    %convert_element_type3A_19 = arith.extui %eq3A_18 : i1 to i32
    %cond3A_20 = arith.constant 0 : i32
    %cond3A_21 = arith.cmpi ne, %convert_element_type3A_19, %cond3A_20 : i32
    scf.if %cond3A_21 {
      "tpu.region"() ({
        %run_scoped3A = tpu.sem_alloc : memref<!tpu.dma_semaphore, #tpu.memory_space<semaphore_mem>>
        %dma_start3A = arith.constant 9984 : i32
        %dma_start3A_22 = arith.constant 0 : i32
        %dma_start3A_23 = tpu.memref_slice %arg6[%arg0, %dma_start3A, %dma_start3A_22] : memref<2x10000x128xf32, #tpu.memory_space<hbm>> -> memref<1x16x128xf32, #tpu.memory_space<hbm>>
        %dma_start3A_24 = tpu.memref_squeeze %dma_start3A_23 : memref<1x16x128xf32, #tpu.memory_space<hbm>> -> memref<16x128xf32, #tpu.memory_space<hbm>>
        %dma_start3A_25 = arith.constant 9984 : i32
        %dma_start3A_26 = arith.constant 0 : i32
        %dma_start3A_27 = tpu.memref_slice %arg11[%dma_start3A_25, %dma_start3A_26] : memref<10000x128xf32, #tpu.memory_space<vmem_shared>> -> memref<16x128xf32, #tpu.memory_space<vmem_shared>>
        tpu.enqueue_dma source(%dma_start3A_27 : memref<16x128xf32, #tpu.memory_space<vmem_shared>>) target(%dma_start3A_24 : memref<16x128xf32, #tpu.memory_space<hbm>>) target_semaphore(%run_scoped3A : memref<!tpu.dma_semaphore, #tpu.memory_space<semaphore_mem>>)
        %dma_wait3A = arith.constant 9984 : i32
        %dma_wait3A_28 = arith.constant 0 : i32
        %dma_wait3A_29 = tpu.memref_slice %arg6[%arg0, %dma_wait3A, %dma_wait3A_28] : memref<2x10000x128xf32, #tpu.memory_space<hbm>> -> memref<1x16x128xf32, #tpu.memory_space<hbm>>
        %dma_wait3A_30 = tpu.memref_squeeze %dma_wait3A_29 : memref<1x16x128xf32, #tpu.memory_space<hbm>> -> memref<16x128xf32, #tpu.memory_space<hbm>>
        %dma_wait3A_31 = arith.constant 9984 : i32
        %dma_wait3A_32 = arith.constant 0 : i32
        %dma_wait3A_33 = tpu.memref_slice %arg11[%dma_wait3A_31, %dma_wait3A_32] : memref<10000x128xf32, #tpu.memory_space<vmem_shared>> -> memref<16x128xf32, #tpu.memory_space<vmem_shared>>
        tpu.wait_dma2 semaphore(%run_scoped3A : memref<!tpu.dma_semaphore, #tpu.memory_space<semaphore_mem>>) src(%dma_wait3A_33 : memref<16x128xf32, #tpu.memory_space<vmem_shared>>) dst(%dma_wait3A_30 : memref<16x128xf32, #tpu.memory_space<hbm>>)
        tpu.yield
      }) : () -> ()
    } else {
    }
    return
  }
}

module attributes {stable_mosaic.version = 14 : i64} {
  func.func @_emb_body(%arg0: i32, %arg1: memref<2000x1xi32, #tpu.memory_space<vmem>>, %arg2: memref<128x128xf32, #tpu.memory_space<vmem>>, %arg3: memref<128x128xf32, #tpu.memory_space<vmem>>, %arg4: memref<2000x128xf32, #tpu.memory_space<vmem>>, %arg5: memref<2000x128xf32, #tpu.memory_space<vmem>>) attributes {dimension_semantics = [#tpu.dimension_semantics<arbitrary>], iteration_bounds = array<i64: 5>, scalar_prefetch = 0 : i64, scratch_operands = 0 : i64, tpu.core_type = #tpu.core_type<tc>, window_params = [{transform_indices = @transform_0, window_bounds = array<i64: 2000, 1>}, {pipeline_mode = #tpu.pipeline_mode<synchronous>, transform_indices = @transform_1, window_bounds = array<i64: 128, 128>}, {pipeline_mode = #tpu.pipeline_mode<synchronous>, transform_indices = @transform_2, window_bounds = array<i64: 128, 128>}, {transform_indices = @transform_3, window_bounds = array<i64: 2000, 128>}, {transform_indices = @transform_4, window_bounds = array<i64: 2000, 128>}]} {
    %get3A = arith.constant 0 : index
    %get3A_0 = arith.constant 0 : index
    %get3A_1 = vector.load %arg1[%get3A, %get3A_0] : memref<2000x1xi32, #tpu.memory_space<vmem>>, vector<2000x1xi32>
    %iota3A = tpu.iota {dimensions = array<i32: 1>} : vector<2000x128xi32>
    %eq3A = vector.broadcast %get3A_1 : vector<2000x1xi32> to vector<2000x128xi32>
    %eq3A_2 = arith.cmpi eq, %eq3A, %iota3A : vector<2000x128xi32>
    %convert_element_type3A = arith.extui %eq3A_2 : vector<2000x128xi1> to vector<2000x128xi32>
    %convert_element_type3A_3 = arith.sitofp %convert_element_type3A : vector<2000x128xi32> to vector<2000x128xf32>
    %get3A_4 = arith.constant 0 : index
    %get3A_5 = arith.constant 0 : index
    %get3A_6 = vector.load %arg2[%get3A_4, %get3A_5] : memref<128x128xf32, #tpu.memory_space<vmem>>, vector<128x128xf32>
    %dot_general3A = arith.constant dense<0.000000e+00> : vector<2000x128xf32>
    %dot_general3A_7 = tpu.matmul %convert_element_type3A_3, %get3A_6, %dot_general3A {dimension_numbers = #tpu.dot_dimension_numbers<[1], [0], [0], [1], [0, 0, 1, 1], [], []>, precision = #tpu.contract_precision<fp32>, transpose_lhs_hint = false} : vector<2000x128xf32>, vector<128x128xf32>, vector<2000x128xf32> -> vector<2000x128xf32>
    %swap3A = arith.constant 0 : index
    %swap3A_8 = arith.constant 0 : index
    %swap3A_9 = vector.load %arg4[%swap3A, %swap3A_8] : memref<2000x128xf32, #tpu.memory_space<vmem>>, vector<2000x128xf32>
    tpu.vector_store %arg4[%swap3A, %swap3A_8], %dot_general3A_7 {strides = array<i32>} : memref<2000x128xf32, #tpu.memory_space<vmem>>, vector<2000x128xf32>,
    %get3A_10 = arith.constant 0 : index
    %get3A_11 = arith.constant 0 : index
    %get3A_12 = vector.load %arg3[%get3A_10, %get3A_11] : memref<128x128xf32, #tpu.memory_space<vmem>>, vector<128x128xf32>
    %dot_general3A_13 = arith.constant dense<0.000000e+00> : vector<2000x128xf32>
    %dot_general3A_14 = tpu.matmul %dot_general3A_7, %get3A_12, %dot_general3A_13 {dimension_numbers = #tpu.dot_dimension_numbers<[1], [0], [0], [1], [0, 0, 1, 1], [], []>, precision = #tpu.contract_precision<fp32>, transpose_lhs_hint = false} : vector<2000x128xf32>, vector<128x128xf32>, vector<2000x128xf32> -> vector<2000x128xf32>
    %swap3A_15 = arith.constant 0 : index
    %swap3A_16 = arith.constant 0 : index
    %swap3A_17 = vector.load %arg5[%swap3A_15, %swap3A_16] : memref<2000x128xf32, #tpu.memory_space<vmem>>, vector<2000x128xf32>
    tpu.vector_store %arg5[%swap3A_15, %swap3A_16], %dot_general3A_14 {strides = array<i32>} : memref<2000x128xf32, #tpu.memory_space<vmem>>, vector<2000x128xf32>,
    return
  }
  func.func @transform_0(%arg0: i32) -> (i32, i32) {
    %c0_i32 = arith.constant 0 : i32
    %c0_i32_0 = arith.constant 0 : i32
    return %arg0, %c0_i32 : i32, i32
  }
  func.func @transform_1(%arg0: i32) -> (i32, i32) {
    %c0_i32 = arith.constant 0 : i32
    %c0_i32_0 = arith.constant 0 : i32
    %c0_i32_1 = arith.constant 0 : i32
    return %c0_i32, %c0_i32_0 : i32, i32
  }
  func.func @transform_2(%arg0: i32) -> (i32, i32) {
    %c0_i32 = arith.constant 0 : i32
    %c0_i32_0 = arith.constant 0 : i32
    %c0_i32_1 = arith.constant 0 : i32
    return %c0_i32, %c0_i32_0 : i32, i32
  }
  func.func @transform_3(%arg0: i32) -> (i32, i32) {
    %c0_i32 = arith.constant 0 : i32
    %c0_i32_0 = arith.constant 0 : i32
    return %arg0, %c0_i32 : i32, i32
  }
  func.func @transform_4(%arg0: i32) -> (i32, i32) {
    %c0_i32 = arith.constant 0 : i32
    %c0_i32_0 = arith.constant 0 : i32
    return %arg0, %c0_i32 : i32, i32
  }
}

module attributes {stable_mosaic.version = 14 : i64} {
  func.func @_filter_fwd_body(%arg0: i32, %arg1: memref<2000x3xf32, #tpu.memory_space<vmem>>, %arg2: memref<2x32x64xf32, #tpu.memory_space<vmem>>, %arg3: memref<2x64xf32, #tpu.memory_space<vmem>>, %arg4: memref<2x64x128xf32, #tpu.memory_space<vmem>>, %arg5: memref<2x128xf32, #tpu.memory_space<vmem>>, %arg6: memref<2000x128xf32, #tpu.memory_space<vmem>>, %arg7: memref<2000x128xf32, #tpu.memory_space<vmem>>) attributes {dimension_semantics = [#tpu.dimension_semantics<arbitrary>], iteration_bounds = array<i64: 160>, scalar_prefetch = 0 : i64, scratch_operands = 0 : i64, tpu.core_type = #tpu.core_type<tc>, window_params = [{transform_indices = @transform_0, window_bounds = array<i64: 2000, 3>}, {pipeline_mode = #tpu.pipeline_mode<synchronous>, transform_indices = @transform_1, window_bounds = array<i64: 2, 32, 64>}, {pipeline_mode = #tpu.pipeline_mode<synchronous>, transform_indices = @transform_2, window_bounds = array<i64: 2, 64>}, {pipeline_mode = #tpu.pipeline_mode<synchronous>, transform_indices = @transform_3, window_bounds = array<i64: 2, 64, 128>}, {pipeline_mode = #tpu.pipeline_mode<synchronous>, transform_indices = @transform_4, window_bounds = array<i64: 2, 128>}, {transform_indices = @transform_5, window_bounds = array<i64: 2000, 128>}, {transform_indices = @transform_6, window_bounds = array<i64: 2000, 128>}]} {
    %get3A = arith.constant 0 : index
    %get3A_0 = arith.constant 0 : index
    %get3A_1 = vector.load %arg1[%get3A, %get3A_0] : memref<2000x3xf32, #tpu.memory_space<vmem>>, vector<2000x3xf32>
    %mul3A = arith.mulf %get3A_1, %get3A_1 : vector<2000x3xf32>
    %reduce_sum3A = arith.constant dense<0.000000e+00> : vector<2000xf32>
    %reduce_sum3A_2 = vector.multi_reduction <add>, %mul3A, %reduce_sum3A [1] : vector<2000x3xf32> to vector<2000xf32>
    %broadcast_in_dim3A = vector.shape_cast %reduce_sum3A_2 : vector<2000xf32> to vector<2000x1xf32>
    %sqrt3A = math.sqrt %broadcast_in_dim3A : vector<2000x1xf32>
    %iota3A = tpu.iota {dimensions = array<i32: 1>} : vector<1x32xi32>
    %convert_element_type3A = arith.sitofp %iota3A : vector<1x32xi32> to vector<1x32xf32>
    %mul3A_3 = arith.constant 0.161290318 : f32
    %mul3A_4 = vector.broadcast %mul3A_3 : f32 to vector<1x32xf32>
    %mul3A_5 = arith.mulf %convert_element_type3A, %mul3A_4 : vector<1x32xf32>
    %sub3A = vector.broadcast %sqrt3A : vector<2000x1xf32> to vector<2000x32xf32>
    %sub3A_6 = vector.broadcast %mul3A_5 : vector<1x32xf32> to vector<2000x32xf32>
    %sub3A_7 = arith.subf %sub3A, %sub3A_6 : vector<2000x32xf32>
    %integer_pow3A = arith.mulf %sub3A_7, %sub3A_7 : vector<2000x32xf32>
    %mul3A_8 = arith.constant -1.922000e+01 : f32
    %mul3A_9 = vector.broadcast %mul3A_8 : f32 to vector<2000x32xf32>
    %mul3A_10 = arith.mulf %mul3A_9, %integer_pow3A : vector<2000x32xf32>
    %exp3A = math.exp %mul3A_10 : vector<2000x32xf32>
    %div3A = arith.constant 5.000000e+00 : f32
    %div3A_11 = vector.broadcast %div3A : f32 to vector<2000x1xf32>
    %div3A_12 = arith.divf %sqrt3A, %div3A_11 : vector<2000x1xf32>
    %jit3A = arith.constant 0.000000e+00 : f32
    %jit3A_13 = arith.constant 1.000000e+00 : f32
    %max3A = vector.broadcast %jit3A : f32 to vector<2000x1xf32>
    %max3A_14 = arith.maximumf %max3A, %div3A_12 : vector<2000x1xf32>
    %min3A = vector.broadcast %jit3A_13 : f32 to vector<2000x1xf32>
    %min3A_15 = arith.minimumf %min3A, %max3A_14 : vector<2000x1xf32>
    %mul3A_16 = arith.mulf %min3A_15, %min3A_15 : vector<2000x1xf32>
    %mul3A_17 = arith.mulf %mul3A_16, %min3A_15 : vector<2000x1xf32>
    %mul3A_18 = arith.constant 6.000000e+00 : f32
    %mul3A_19 = vector.broadcast %mul3A_18 : f32 to vector<2000x1xf32>
    %mul3A_20 = arith.mulf %mul3A_19, %mul3A_17 : vector<2000x1xf32>
    %mul3A_21 = arith.mulf %mul3A_20, %mul3A_16 : vector<2000x1xf32>
    %mul3A_22 = arith.constant 1.500000e+01 : f32
    %mul3A_23 = vector.broadcast %mul3A_22 : f32 to vector<2000x1xf32>
    %mul3A_24 = arith.mulf %mul3A_23, %mul3A_16 : vector<2000x1xf32>
    %mul3A_25 = arith.mulf %mul3A_24, %mul3A_16 : vector<2000x1xf32>
    %sub3A_26 = arith.subf %mul3A_21, %mul3A_25 : vector<2000x1xf32>
    %mul3A_27 = arith.constant 1.000000e+01 : f32
    %mul3A_28 = vector.broadcast %mul3A_27 : f32 to vector<2000x1xf32>
    %mul3A_29 = arith.mulf %mul3A_28, %mul3A_17 : vector<2000x1xf32>
    %add3A = arith.addf %sub3A_26, %mul3A_29 : vector<2000x1xf32>
    %sub3A_30 = arith.constant 1.000000e+00 : f32
    %sub3A_31 = vector.broadcast %sub3A_30 : f32 to vector<2000x1xf32>
    %sub3A_32 = arith.subf %sub3A_31, %add3A : vector<2000x1xf32>
    %get3A_33 = arith.constant 0 : index
    %get3A_34 = arith.constant 0 : index
    %get3A_35 = arith.constant 0 : index
    %get3A_36 = vector.load %arg2[%get3A_33, %get3A_34, %get3A_35] : memref<2x32x64xf32, #tpu.memory_space<vmem>>, vector<1x32x64xf32>
    %get3A_37 = vector.shape_cast %get3A_36 : vector<1x32x64xf32> to vector<32x64xf32>
    %dot_general3A = arith.constant dense<0.000000e+00> : vector<2000x64xf32>
    %dot_general3A_38 = tpu.matmul %exp3A, %get3A_37, %dot_general3A {dimension_numbers = #tpu.dot_dimension_numbers<[1], [0], [0], [1], [0, 0, 1, 1], [], []>, transpose_lhs_hint = false} : vector<2000x32xf32>, vector<32x64xf32>, vector<2000x64xf32> -> vector<2000x64xf32>
    %get3A_39 = arith.constant 0 : index
    %get3A_40 = arith.constant 0 : index
    %get3A_41 = vector.load %arg3[%get3A_39, %get3A_40] : memref<2x64xf32, #tpu.memory_space<vmem>>, vector<1x64xf32>
    %add3A_42 = vector.broadcast %get3A_41 : vector<1x64xf32> to vector<2000x64xf32>
    %add3A_43 = arith.addf %dot_general3A_38, %add3A_42 : vector<2000x64xf32>
    %max3A_44 = arith.constant 0.000000e+00 : f32
    %max3A_45 = vector.broadcast %max3A_44 : f32 to vector<2000x64xf32>
    %max3A_46 = arith.maximumf %add3A_43, %max3A_45 : vector<2000x64xf32>
    %abs3A = math.absf %add3A_43 : vector<2000x64xf32>
    %neg3A = arith.constant 0.000000e+00 : f32
    %neg3A_47 = vector.broadcast %neg3A : f32 to vector<2000x64xf32>
    %neg3A_48 = arith.subf %neg3A_47, %abs3A : vector<2000x64xf32>
    %exp3A_49 = math.exp %neg3A_48 : vector<2000x64xf32>
    %log1p3A = math.log1p %exp3A_49 : vector<2000x64xf32>
    %add3A_50 = arith.addf %max3A_46, %log1p3A : vector<2000x64xf32>
    %sub3A_51 = arith.constant 0.693147182 : f32
    %sub3A_52 = vector.broadcast %sub3A_51 : f32 to vector<2000x64xf32>
    %sub3A_53 = arith.subf %add3A_50, %sub3A_52 : vector<2000x64xf32>
    %get3A_54 = arith.constant 0 : index
    %get3A_55 = arith.constant 0 : index
    %get3A_56 = arith.constant 0 : index
    %get3A_57 = vector.load %arg4[%get3A_54, %get3A_55, %get3A_56] : memref<2x64x128xf32, #tpu.memory_space<vmem>>, vector<1x64x128xf32>
    %get3A_58 = vector.shape_cast %get3A_57 : vector<1x64x128xf32> to vector<64x128xf32>
    %dot_general3A_59 = arith.constant dense<0.000000e+00> : vector<2000x128xf32>
    %dot_general3A_60 = tpu.matmul %sub3A_53, %get3A_58, %dot_general3A_59 {dimension_numbers = #tpu.dot_dimension_numbers<[1], [0], [0], [1], [0, 0, 1, 1], [], []>, transpose_lhs_hint = false} : vector<2000x64xf32>, vector<64x128xf32>, vector<2000x128xf32> -> vector<2000x128xf32>
    %get3A_61 = arith.constant 0 : index
    %get3A_62 = arith.constant 0 : index
    %get3A_63 = vector.load %arg5[%get3A_61, %get3A_62] : memref<2x128xf32, #tpu.memory_space<vmem>>, vector<1x128xf32>
    %add3A_64 = vector.broadcast %get3A_63 : vector<1x128xf32> to vector<2000x128xf32>
    %add3A_65 = arith.addf %dot_general3A_60, %add3A_64 : vector<2000x128xf32>
    %mul3A_66 = vector.broadcast %sub3A_32 : vector<2000x1xf32> to vector<2000x128xf32>
    %mul3A_67 = arith.mulf %add3A_65, %mul3A_66 : vector<2000x128xf32>
    %swap3A = arith.constant 0 : index
    %swap3A_68 = arith.constant 0 : index
    %swap3A_69 = vector.load %arg6[%swap3A, %swap3A_68] : memref<2000x128xf32, #tpu.memory_space<vmem>>, vector<2000x128xf32>
    tpu.vector_store %arg6[%swap3A, %swap3A_68], %mul3A_67 {strides = array<i32>} : memref<2000x128xf32, #tpu.memory_space<vmem>>, vector<2000x128xf32>,
    %get3A_70 = arith.constant 1 : index
    %get3A_71 = arith.constant 0 : index
    %get3A_72 = arith.constant 0 : index
    %get3A_73 = vector.load %arg2[%get3A_70, %get3A_71, %get3A_72] : memref<2x32x64xf32, #tpu.memory_space<vmem>>, vector<1x32x64xf32>
    %get3A_74 = vector.shape_cast %get3A_73 : vector<1x32x64xf32> to vector<32x64xf32>
    %dot_general3A_75 = arith.constant dense<0.000000e+00> : vector<2000x64xf32>
    %dot_general3A_76 = tpu.matmul %exp3A, %get3A_74, %dot_general3A_75 {dimension_numbers = #tpu.dot_dimension_numbers<[1], [0], [0], [1], [0, 0, 1, 1], [], []>, transpose_lhs_hint = false} : vector<2000x32xf32>, vector<32x64xf32>, vector<2000x64xf32> -> vector<2000x64xf32>
    %get3A_77 = arith.constant 1 : index
    %get3A_78 = arith.constant 0 : index
    %get3A_79 = vector.load %arg3[%get3A_77, %get3A_78] : memref<2x64xf32, #tpu.memory_space<vmem>>, vector<1x64xf32>
    %add3A_80 = vector.broadcast %get3A_79 : vector<1x64xf32> to vector<2000x64xf32>
    %add3A_81 = arith.addf %dot_general3A_76, %add3A_80 : vector<2000x64xf32>
    %max3A_82 = arith.constant 0.000000e+00 : f32
    %max3A_83 = vector.broadcast %max3A_82 : f32 to vector<2000x64xf32>
    %max3A_84 = arith.maximumf %add3A_81, %max3A_83 : vector<2000x64xf32>
    %abs3A_85 = math.absf %add3A_81 : vector<2000x64xf32>
    %neg3A_86 = arith.constant 0.000000e+00 : f32
    %neg3A_87 = vector.broadcast %neg3A_86 : f32 to vector<2000x64xf32>
    %neg3A_88 = arith.subf %neg3A_87, %abs3A_85 : vector<2000x64xf32>
    %exp3A_89 = math.exp %neg3A_88 : vector<2000x64xf32>
    %log1p3A_90 = math.log1p %exp3A_89 : vector<2000x64xf32>
    %add3A_91 = arith.addf %max3A_84, %log1p3A_90 : vector<2000x64xf32>
    %sub3A_92 = arith.constant 0.693147182 : f32
    %sub3A_93 = vector.broadcast %sub3A_92 : f32 to vector<2000x64xf32>
    %sub3A_94 = arith.subf %add3A_91, %sub3A_93 : vector<2000x64xf32>
    %get3A_95 = arith.constant 1 : index
    %get3A_96 = arith.constant 0 : index
    %get3A_97 = arith.constant 0 : index
    %get3A_98 = vector.load %arg4[%get3A_95, %get3A_96, %get3A_97] : memref<2x64x128xf32, #tpu.memory_space<vmem>>, vector<1x64x128xf32>
    %get3A_99 = vector.shape_cast %get3A_98 : vector<1x64x128xf32> to vector<64x128xf32>
    %dot_general3A_100 = arith.constant dense<0.000000e+00> : vector<2000x128xf32>
    %dot_general3A_101 = tpu.matmul %sub3A_94, %get3A_99, %dot_general3A_100 {dimension_numbers = #tpu.dot_dimension_numbers<[1], [0], [0], [1], [0, 0, 1, 1], [], []>, transpose_lhs_hint = false} : vector<2000x64xf32>, vector<64x128xf32>, vector<2000x128xf32> -> vector<2000x128xf32>
    %get3A_102 = arith.constant 1 : index
    %get3A_103 = arith.constant 0 : index
    %get3A_104 = vector.load %arg5[%get3A_102, %get3A_103] : memref<2x128xf32, #tpu.memory_space<vmem>>, vector<1x128xf32>
    %add3A_105 = vector.broadcast %get3A_104 : vector<1x128xf32> to vector<2000x128xf32>
    %add3A_106 = arith.addf %dot_general3A_101, %add3A_105 : vector<2000x128xf32>
    %mul3A_107 = vector.broadcast %sub3A_32 : vector<2000x1xf32> to vector<2000x128xf32>
    %mul3A_108 = arith.mulf %add3A_106, %mul3A_107 : vector<2000x128xf32>
    %swap3A_109 = arith.constant 0 : index
    %swap3A_110 = arith.constant 0 : index
    %swap3A_111 = vector.load %arg7[%swap3A_109, %swap3A_110] : memref<2000x128xf32, #tpu.memory_space<vmem>>, vector<2000x128xf32>
    tpu.vector_store %arg7[%swap3A_109, %swap3A_110], %mul3A_108 {strides = array<i32>} : memref<2000x128xf32, #tpu.memory_space<vmem>>, vector<2000x128xf32>,
    return
  }
  func.func @transform_0(%arg0: i32) -> (i32, i32) {
    %c0_i32 = arith.constant 0 : i32
    %c0_i32_0 = arith.constant 0 : i32
    return %arg0, %c0_i32 : i32, i32
  }
  func.func @transform_1(%arg0: i32) -> (i32, i32, i32) {
    %c0_i32 = arith.constant 0 : i32
    %c0_i32_0 = arith.constant 0 : i32
    %c0_i32_1 = arith.constant 0 : i32
    %c0_i32_2 = arith.constant 0 : i32
    return %c0_i32, %c0_i32_0, %c0_i32_1 : i32, i32, i32
  }
  func.func @transform_2(%arg0: i32) -> (i32, i32) {
    %c0_i32 = arith.constant 0 : i32
    %c0_i32_0 = arith.constant 0 : i32
    %c0_i32_1 = arith.constant 0 : i32
    return %c0_i32, %c0_i32_0 : i32, i32
  }
  func.func @transform_3(%arg0: i32) -> (i32, i32, i32) {
    %c0_i32 = arith.constant 0 : i32
    %c0_i32_0 = arith.constant 0 : i32
    %c0_i32_1 = arith.constant 0 : i32
    %c0_i32_2 = arith.constant 0 : i32
    return %c0_i32, %c0_i32_0, %c0_i32_1 : i32, i32, i32
  }
  func.func @transform_4(%arg0: i32) -> (i32, i32) {
    %c0_i32 = arith.constant 0 : i32
    %c0_i32_0 = arith.constant 0 : i32
    %c0_i32_1 = arith.constant 0 : i32
    return %c0_i32, %c0_i32_0 : i32, i32
  }
  func.func @transform_5(%arg0: i32) -> (i32, i32) {
    %c0_i32 = arith.constant 0 : i32
    %c0_i32_0 = arith.constant 0 : i32
    return %arg0, %c0_i32 : i32, i32
  }
  func.func @transform_6(%arg0: i32) -> (i32, i32) {
    %c0_i32 = arith.constant 0 : i32
    %c0_i32_0 = arith.constant 0 : i32
    return %arg0, %c0_i32 : i32, i32
  }
}

module attributes {stable_mosaic.version = 14 : i64} {
  func.func @_node1_body(%arg0: i32, %arg1: memref<2000x128xf32, #tpu.memory_space<vmem>>, %arg2: memref<2x2000x128xf32, #tpu.memory_space<vmem>>, %arg3: memref<128x128xf32, #tpu.memory_space<vmem>>, %arg4: memref<1x128xf32, #tpu.memory_space<vmem>>, %arg5: memref<128x128xf32, #tpu.memory_space<vmem>>, %arg6: memref<2000x128xf32, #tpu.memory_space<vmem>>, %arg7: memref<2000x128xf32, #tpu.memory_space<vmem>>, %arg8: memref<2000x128xf32, #tpu.memory_space<vmem>>) attributes {dimension_semantics = [#tpu.dimension_semantics<arbitrary>], iteration_bounds = array<i64: 5>, scalar_prefetch = 0 : i64, scratch_operands = 0 : i64, tpu.core_type = #tpu.core_type<tc>, window_params = [{transform_indices = @transform_0, window_bounds = array<i64: 2000, 128>}, {transform_indices = @transform_1, window_bounds = array<i64: 2, 2000, 128>}, {pipeline_mode = #tpu.pipeline_mode<synchronous>, transform_indices = @transform_2, window_bounds = array<i64: 128, 128>}, {pipeline_mode = #tpu.pipeline_mode<synchronous>, transform_indices = @transform_3, window_bounds = array<i64: 1, 128>}, {pipeline_mode = #tpu.pipeline_mode<synchronous>, transform_indices = @transform_4, window_bounds = array<i64: 128, 128>}, {transform_indices = @transform_5, window_bounds = array<i64: 2000, 128>}, {transform_indices = @transform_6, window_bounds = array<i64: 2000, 128>}, {transform_indices = @transform_7, window_bounds = array<i64: 2000, 128>}]} {
    %get3A = arith.constant 0 : index
    %get3A_0 = arith.constant 0 : index
    %get3A_1 = arith.constant 0 : index
    %get3A_2 = vector.load %arg2[%get3A, %get3A_0, %get3A_1] : memref<2x2000x128xf32, #tpu.memory_space<vmem>>, vector<1x2000x128xf32>
    %get3A_3 = vector.shape_cast %get3A_2 : vector<1x2000x128xf32> to vector<2000x128xf32>
    %get3A_4 = arith.constant 1 : index
    %get3A_5 = arith.constant 0 : index
    %get3A_6 = arith.constant 0 : index
    %get3A_7 = vector.load %arg2[%get3A_4, %get3A_5, %get3A_6] : memref<2x2000x128xf32, #tpu.memory_space<vmem>>, vector<1x2000x128xf32>
    %get3A_8 = vector.shape_cast %get3A_7 : vector<1x2000x128xf32> to vector<2000x128xf32>
    %add3A = arith.addf %get3A_3, %get3A_8 : vector<2000x128xf32>
    %get3A_9 = arith.constant 0 : index
    %get3A_10 = arith.constant 0 : index
    %get3A_11 = vector.load %arg3[%get3A_9, %get3A_10] : memref<128x128xf32, #tpu.memory_space<vmem>>, vector<128x128xf32>
    %dot_general3A = arith.constant dense<0.000000e+00> : vector<2000x128xf32>
    %dot_general3A_12 = tpu.matmul %add3A, %get3A_11, %dot_general3A {dimension_numbers = #tpu.dot_dimension_numbers<[1], [0], [0], [1], [0, 0, 1, 1], [], []>, precision = #tpu.contract_precision<fp32>, transpose_lhs_hint = false} : vector<2000x128xf32>, vector<128x128xf32>, vector<2000x128xf32> -> vector<2000x128xf32>
    %get3A_13 = arith.constant 0 : index
    %get3A_14 = arith.constant 0 : index
    %get3A_15 = vector.load %arg4[%get3A_13, %get3A_14] : memref<1x128xf32, #tpu.memory_space<vmem>>, vector<1x128xf32>
    %add3A_16 = vector.broadcast %get3A_15 : vector<1x128xf32> to vector<2000x128xf32>
    %add3A_17 = arith.addf %dot_general3A_12, %add3A_16 : vector<2000x128xf32>
    %get3A_18 = arith.constant 0 : index
    %get3A_19 = arith.constant 0 : index
    %get3A_20 = vector.load %arg1[%get3A_18, %get3A_19] : memref<2000x128xf32, #tpu.memory_space<vmem>>, vector<2000x128xf32>
    %max3A = arith.constant 0.000000e+00 : f32
    %max3A_21 = vector.broadcast %max3A : f32 to vector<2000x128xf32>
    %max3A_22 = arith.maximumf %add3A_17, %max3A_21 : vector<2000x128xf32>
    %abs3A = math.absf %add3A_17 : vector<2000x128xf32>
    %neg3A = arith.constant 0.000000e+00 : f32
    %neg3A_23 = vector.broadcast %neg3A : f32 to vector<2000x128xf32>
    %neg3A_24 = arith.subf %neg3A_23, %abs3A : vector<2000x128xf32>
    %exp3A = math.exp %neg3A_24 : vector<2000x128xf32>
    %log1p3A = math.log1p %exp3A : vector<2000x128xf32>
    %add3A_25 = arith.addf %max3A_22, %log1p3A : vector<2000x128xf32>
    %sub3A = arith.constant 0.693147182 : f32
    %sub3A_26 = vector.broadcast %sub3A : f32 to vector<2000x128xf32>
    %sub3A_27 = arith.subf %add3A_25, %sub3A_26 : vector<2000x128xf32>
    %add3A_28 = arith.addf %get3A_20, %sub3A_27 : vector<2000x128xf32>
    %swap3A = arith.constant 0 : index
    %swap3A_29 = arith.constant 0 : index
    %swap3A_30 = vector.load %arg6[%swap3A, %swap3A_29] : memref<2000x128xf32, #tpu.memory_space<vmem>>, vector<2000x128xf32>
    tpu.vector_store %arg6[%swap3A, %swap3A_29], %add3A_28 {strides = array<i32>} : memref<2000x128xf32, #tpu.memory_space<vmem>>, vector<2000x128xf32>,
    %get3A_31 = arith.constant 0 : index
    %get3A_32 = arith.constant 0 : index
    %get3A_33 = vector.load %arg5[%get3A_31, %get3A_32] : memref<128x128xf32, #tpu.memory_space<vmem>>, vector<128x128xf32>
    %dot_general3A_34 = arith.constant dense<0.000000e+00> : vector<2000x128xf32>
    %dot_general3A_35 = tpu.matmul %add3A_28, %get3A_33, %dot_general3A_34 {dimension_numbers = #tpu.dot_dimension_numbers<[1], [0], [0], [1], [0, 0, 1, 1], [], []>, precision = #tpu.contract_precision<fp32>, transpose_lhs_hint = false} : vector<2000x128xf32>, vector<128x128xf32>, vector<2000x128xf32> -> vector<2000x128xf32>
    %swap3A_36 = arith.constant 0 : index
    %swap3A_37 = arith.constant 0 : index
    %swap3A_38 = vector.load %arg7[%swap3A_36, %swap3A_37] : memref<2000x128xf32, #tpu.memory_space<vmem>>, vector<2000x128xf32>
    tpu.vector_store %arg7[%swap3A_36, %swap3A_37], %dot_general3A_35 {strides = array<i32>} : memref<2000x128xf32, #tpu.memory_space<vmem>>, vector<2000x128xf32>,
    %swap3A_39 = arith.constant 0 : index
    %swap3A_40 = arith.constant 0 : index
    %swap3A_41 = vector.load %arg8[%swap3A_39, %swap3A_40] : memref<2000x128xf32, #tpu.memory_space<vmem>>, vector<2000x128xf32>
    tpu.vector_store %arg8[%swap3A_39, %swap3A_40], %add3A {strides = array<i32>} : memref<2000x128xf32, #tpu.memory_space<vmem>>, vector<2000x128xf32>,
    return
  }
  func.func @transform_0(%arg0: i32) -> (i32, i32) {
    %c0_i32 = arith.constant 0 : i32
    %c0_i32_0 = arith.constant 0 : i32
    return %arg0, %c0_i32 : i32, i32
  }
  func.func @transform_1(%arg0: i32) -> (i32, i32, i32) {
    %c0_i32 = arith.constant 0 : i32
    %c0_i32_0 = arith.constant 0 : i32
    %c0_i32_1 = arith.constant 0 : i32
    return %c0_i32, %arg0, %c0_i32_0 : i32, i32, i32
  }
  func.func @transform_2(%arg0: i32) -> (i32, i32) {
    %c0_i32 = arith.constant 0 : i32
    %c0_i32_0 = arith.constant 0 : i32
    %c0_i32_1 = arith.constant 0 : i32
    return %c0_i32, %c0_i32_0 : i32, i32
  }
  func.func @transform_3(%arg0: i32) -> (i32, i32) {
    %c0_i32 = arith.constant 0 : i32
    %c0_i32_0 = arith.constant 0 : i32
    %c0_i32_1 = arith.constant 0 : i32
    return %c0_i32, %c0_i32_0 : i32, i32
  }
  func.func @transform_4(%arg0: i32) -> (i32, i32) {
    %c0_i32 = arith.constant 0 : i32
    %c0_i32_0 = arith.constant 0 : i32
    %c0_i32_1 = arith.constant 0 : i32
    return %c0_i32, %c0_i32_0 : i32, i32
  }
  func.func @transform_5(%arg0: i32) -> (i32, i32) {
    %c0_i32 = arith.constant 0 : i32
    %c0_i32_0 = arith.constant 0 : i32
    return %arg0, %c0_i32 : i32, i32
  }
  func.func @transform_6(%arg0: i32) -> (i32, i32) {
    %c0_i32 = arith.constant 0 : i32
    %c0_i32_0 = arith.constant 0 : i32
    return %arg0, %c0_i32 : i32, i32
  }
  func.func @transform_7(%arg0: i32) -> (i32, i32) {
    %c0_i32 = arith.constant 0 : i32
    %c0_i32_0 = arith.constant 0 : i32
    return %arg0, %c0_i32 : i32, i32
  }
}

module attributes {stable_mosaic.version = 14 : i64} {
  func.func @_node2_body(%arg0: i32, %arg1: memref<2000x128xf32, #tpu.memory_space<vmem>>, %arg2: memref<2x2000x128xf32, #tpu.memory_space<vmem>>, %arg3: memref<128x128xf32, #tpu.memory_space<vmem>>, %arg4: memref<1x128xf32, #tpu.memory_space<vmem>>, %arg5: memref<128x64xf32, #tpu.memory_space<vmem>>, %arg6: memref<1x64xf32, #tpu.memory_space<vmem>>, %arg7: memref<1x64xf32, #tpu.memory_space<vmem>>, %arg8: memref<64x128xf32, #tpu.memory_space<vmem>>, %arg9: memref<128x128xf32, #tpu.memory_space<vmem>>, %arg10: memref<2000x128xf32, #tpu.memory_space<vmem>>, %arg11: memref<2000x128xf32, #tpu.memory_space<vmem>>, %arg12: memref<8x128xf32, #tpu.memory_space<vmem>>) attributes {dimension_semantics = [#tpu.dimension_semantics<arbitrary>], iteration_bounds = array<i64: 5>, scalar_prefetch = 0 : i64, scratch_operands = 0 : i64, tpu.core_type = #tpu.core_type<tc>, window_params = [{transform_indices = @transform_0, window_bounds = array<i64: 2000, 128>}, {transform_indices = @transform_1, window_bounds = array<i64: 2, 2000, 128>}, {pipeline_mode = #tpu.pipeline_mode<synchronous>, transform_indices = @transform_2, window_bounds = array<i64: 128, 128>}, {pipeline_mode = #tpu.pipeline_mode<synchronous>, transform_indices = @transform_3, window_bounds = array<i64: 1, 128>}, {pipeline_mode = #tpu.pipeline_mode<synchronous>, transform_indices = @transform_4, window_bounds = array<i64: 128, 64>}, {pipeline_mode = #tpu.pipeline_mode<synchronous>, transform_indices = @transform_5, window_bounds = array<i64: 1, 64>}, {pipeline_mode = #tpu.pipeline_mode<synchronous>, transform_indices = @transform_6, window_bounds = array<i64: 1, 64>}, {pipeline_mode = #tpu.pipeline_mode<synchronous>, transform_indices = @transform_7, window_bounds = array<i64: 64, 128>}, {pipeline_mode = #tpu.pipeline_mode<synchronous>, transform_indices = @transform_8, window_bounds = array<i64: 128, 128>}, {transform_indices = @transform_9, window_bounds = array<i64: 2000, 128>}, {transform_indices = @transform_10, window_bounds = array<i64: 2000, 128>}, {pipeline_mode = #tpu.pipeline_mode<synchronous>, transform_indices = @transform_11, window_bounds = array<i64: 8, 128>}]} {
    %get3A = arith.constant 0 : index
    %get3A_0 = arith.constant 0 : index
    %get3A_1 = arith.constant 0 : index
    %get3A_2 = vector.load %arg2[%get3A, %get3A_0, %get3A_1] : memref<2x2000x128xf32, #tpu.memory_space<vmem>>, vector<1x2000x128xf32>
    %get3A_3 = vector.shape_cast %get3A_2 : vector<1x2000x128xf32> to vector<2000x128xf32>
    %get3A_4 = arith.constant 1 : index
    %get3A_5 = arith.constant 0 : index
    %get3A_6 = arith.constant 0 : index
    %get3A_7 = vector.load %arg2[%get3A_4, %get3A_5, %get3A_6] : memref<2x2000x128xf32, #tpu.memory_space<vmem>>, vector<1x2000x128xf32>
    %get3A_8 = vector.shape_cast %get3A_7 : vector<1x2000x128xf32> to vector<2000x128xf32>
    %add3A = arith.addf %get3A_3, %get3A_8 : vector<2000x128xf32>
    %get3A_9 = arith.constant 0 : index
    %get3A_10 = arith.constant 0 : index
    %get3A_11 = vector.load %arg3[%get3A_9, %get3A_10] : memref<128x128xf32, #tpu.memory_space<vmem>>, vector<128x128xf32>
    %dot_general3A = arith.constant dense<0.000000e+00> : vector<2000x128xf32>
    %dot_general3A_12 = tpu.matmul %add3A, %get3A_11, %dot_general3A {dimension_numbers = #tpu.dot_dimension_numbers<[1], [0], [0], [1], [0, 0, 1, 1], [], []>, precision = #tpu.contract_precision<fp32>, transpose_lhs_hint = false} : vector<2000x128xf32>, vector<128x128xf32>, vector<2000x128xf32> -> vector<2000x128xf32>
    %get3A_13 = arith.constant 0 : index
    %get3A_14 = arith.constant 0 : index
    %get3A_15 = vector.load %arg4[%get3A_13, %get3A_14] : memref<1x128xf32, #tpu.memory_space<vmem>>, vector<1x128xf32>
    %add3A_16 = vector.broadcast %get3A_15 : vector<1x128xf32> to vector<2000x128xf32>
    %add3A_17 = arith.addf %dot_general3A_12, %add3A_16 : vector<2000x128xf32>
    %get3A_18 = arith.constant 0 : index
    %get3A_19 = arith.constant 0 : index
    %get3A_20 = vector.load %arg1[%get3A_18, %get3A_19] : memref<2000x128xf32, #tpu.memory_space<vmem>>, vector<2000x128xf32>
    %max3A = arith.constant 0.000000e+00 : f32
    %max3A_21 = vector.broadcast %max3A : f32 to vector<2000x128xf32>
    %max3A_22 = arith.maximumf %add3A_17, %max3A_21 : vector<2000x128xf32>
    %abs3A = math.absf %add3A_17 : vector<2000x128xf32>
    %neg3A = arith.constant 0.000000e+00 : f32
    %neg3A_23 = vector.broadcast %neg3A : f32 to vector<2000x128xf32>
    %neg3A_24 = arith.subf %neg3A_23, %abs3A : vector<2000x128xf32>
    %exp3A = math.exp %neg3A_24 : vector<2000x128xf32>
    %log1p3A = math.log1p %exp3A : vector<2000x128xf32>
    %add3A_25 = arith.addf %max3A_22, %log1p3A : vector<2000x128xf32>
    %sub3A = arith.constant 0.693147182 : f32
    %sub3A_26 = vector.broadcast %sub3A : f32 to vector<2000x128xf32>
    %sub3A_27 = arith.subf %add3A_25, %sub3A_26 : vector<2000x128xf32>
    %add3A_28 = arith.addf %get3A_20, %sub3A_27 : vector<2000x128xf32>
    %get3A_29 = arith.constant 0 : index
    %get3A_30 = arith.constant 0 : index
    %get3A_31 = vector.load %arg5[%get3A_29, %get3A_30] : memref<128x64xf32, #tpu.memory_space<vmem>>, vector<128x64xf32>
    %dot_general3A_32 = arith.constant dense<0.000000e+00> : vector<2000x64xf32>
    %dot_general3A_33 = tpu.matmul %add3A_28, %get3A_31, %dot_general3A_32 {dimension_numbers = #tpu.dot_dimension_numbers<[1], [0], [0], [1], [0, 0, 1, 1], [], []>, precision = #tpu.contract_precision<fp32>, transpose_lhs_hint = false} : vector<2000x128xf32>, vector<128x64xf32>, vector<2000x64xf32> -> vector<2000x64xf32>
    %get3A_34 = arith.constant 0 : index
    %get3A_35 = arith.constant 0 : index
    %get3A_36 = vector.load %arg6[%get3A_34, %get3A_35] : memref<1x64xf32, #tpu.memory_space<vmem>>, vector<1x64xf32>
    %add3A_37 = vector.broadcast %get3A_36 : vector<1x64xf32> to vector<2000x64xf32>
    %add3A_38 = arith.addf %dot_general3A_33, %add3A_37 : vector<2000x64xf32>
    %get3A_39 = arith.constant 0 : index
    %get3A_40 = arith.constant 0 : index
    %get3A_41 = vector.load %arg7[%get3A_39, %get3A_40] : memref<1x64xf32, #tpu.memory_space<vmem>>, vector<1x64xf32>
    %max3A_42 = arith.constant 0.000000e+00 : f32
    %max3A_43 = vector.broadcast %max3A_42 : f32 to vector<2000x64xf32>
    %max3A_44 = arith.maximumf %add3A_38, %max3A_43 : vector<2000x64xf32>
    %abs3A_45 = math.absf %add3A_38 : vector<2000x64xf32>
    %neg3A_46 = arith.constant 0.000000e+00 : f32
    %neg3A_47 = vector.broadcast %neg3A_46 : f32 to vector<2000x64xf32>
    %neg3A_48 = arith.subf %neg3A_47, %abs3A_45 : vector<2000x64xf32>
    %exp3A_49 = math.exp %neg3A_48 : vector<2000x64xf32>
    %log1p3A_50 = math.log1p %exp3A_49 : vector<2000x64xf32>
    %add3A_51 = arith.addf %max3A_44, %log1p3A_50 : vector<2000x64xf32>
    %sub3A_52 = arith.constant 0.693147182 : f32
    %sub3A_53 = vector.broadcast %sub3A_52 : f32 to vector<2000x64xf32>
    %sub3A_54 = arith.subf %add3A_51, %sub3A_53 : vector<2000x64xf32>
    %mul3A = vector.broadcast %get3A_41 : vector<1x64xf32> to vector<2000x64xf32>
    %mul3A_55 = arith.mulf %sub3A_54, %mul3A : vector<2000x64xf32>
    %reduce_sum3A = arith.constant dense<0.000000e+00> : vector<2000xf32>
    %reduce_sum3A_56 = vector.multi_reduction <add>, %mul3A_55, %reduce_sum3A [1] : vector<2000x64xf32> to vector<2000xf32>
    %broadcast_in_dim3A = vector.shape_cast %reduce_sum3A_56 : vector<2000xf32> to vector<2000x1xf32>
    %reduce_sum3A_57 = vector.shape_cast %broadcast_in_dim3A : vector<2000x1xf32> to vector<1x2000x1xf32>
    %reduce_sum3A_58 = arith.constant dense<0.000000e+00> : vector<1xf32>
    %reduce_sum3A_59 = vector.multi_reduction <add>, %reduce_sum3A_57, %reduce_sum3A_58 [1, 2] : vector<1x2000x1xf32> to vector<1xf32>
    %reduce_sum3A_60 = vector.shape_cast %reduce_sum3A_59 : vector<1xf32> to vector<1x1x1xf32>
    %reduce_sum3A_61 = vector.extract %reduce_sum3A_60[0, 0, 0] : f32 from vector<1x1x1xf32>
    %iota3A = tpu.iota {dimensions = array<i32: 0>} : vector<8x128xi32>
    %eq3A = arith.constant 0 : i32
    %eq3A_62 = vector.broadcast %eq3A : i32 to vector<8x128xi32>
    %eq3A_63 = arith.cmpi eq, %iota3A, %eq3A_62 : vector<8x128xi32>
    %iota3A_64 = tpu.iota {dimensions = array<i32: 1>} : vector<8x128xi32>
    %eq3A_65 = arith.constant 0 : i32
    %eq3A_66 = vector.broadcast %eq3A_65 : i32 to vector<8x128xi32>
    %eq3A_67 = arith.cmpi eq, %iota3A_64, %eq3A_66 : vector<8x128xi32>
    %and3A = arith.andi %eq3A_63, %eq3A_67 : vector<8x128xi1>
    %jit3A = arith.constant 0.000000e+00 : f32
    %broadcast_in_dim3A_68 = vector.broadcast %reduce_sum3A_61 : f32 to vector<8x128xf32>
    %broadcast_in_dim3A_69 = vector.broadcast %jit3A : f32 to vector<8x128xf32>
    %select_n3A = arith.select %and3A, %broadcast_in_dim3A_68, %broadcast_in_dim3A_69 : vector<8x128xi1>, vector<8x128xf32>
    %eq3A_70 = arith.constant 0 : i32
    %eq3A_71 = arith.cmpi eq, %arg0, %eq3A_70 : i32
    %convert_element_type3A = arith.extui %eq3A_71 : i1 to i32
    %cond3A = arith.constant 0 : i32
    %cond3A_72 = arith.cmpi ne, %convert_element_type3A, %cond3A : i32
    scf.if %cond3A_72 {
      %swap3A_114 = arith.constant 0 : index
      %swap3A_115 = arith.constant 0 : index
      %swap3A_116 = vector.load %arg12[%swap3A_114, %swap3A_115] : memref<8x128xf32, #tpu.memory_space<vmem>>, vector<8x128xf32>
      tpu.vector_store %arg12[%swap3A_114, %swap3A_115], %select_n3A {strides = array<i32>} : memref<8x128xf32, #tpu.memory_space<vmem>>, vector<8x128xf32>,
    } else {
    }
    %gt3A = arith.constant 0 : i32
    %gt3A_73 = arith.cmpi sgt, %arg0, %gt3A : i32
    %convert_element_type3A_74 = arith.extui %gt3A_73 : i1 to i32
    %cond3A_75 = arith.constant 0 : i32
    %cond3A_76 = arith.cmpi ne, %convert_element_type3A_74, %cond3A_75 : i32
    scf.if %cond3A_76 {
      %get3A_114 = arith.constant 0 : index
      %get3A_115 = arith.constant 0 : index
      %get3A_116 = vector.load %arg12[%get3A_114, %get3A_115] : memref<8x128xf32, #tpu.memory_space<vmem>>, vector<8x128xf32>
      %add3A_117 = arith.addf %get3A_116, %select_n3A : vector<8x128xf32>
      %swap3A_118 = arith.constant 0 : index
      %swap3A_119 = arith.constant 0 : index
      %swap3A_120 = vector.load %arg12[%swap3A_118, %swap3A_119] : memref<8x128xf32, #tpu.memory_space<vmem>>, vector<8x128xf32>
      tpu.vector_store %arg12[%swap3A_118, %swap3A_119], %add3A_117 {strides = array<i32>} : memref<8x128xf32, #tpu.memory_space<vmem>>, vector<8x128xf32>,
    } else {
    }
    %neg3A_77 = arith.constant 0.000000e+00 : f32
    %neg3A_78 = vector.broadcast %neg3A_77 : f32 to vector<2000x64xf32>
    %neg3A_79 = arith.subf %neg3A_78, %add3A_38 : vector<2000x64xf32>
    %exp3A_80 = math.exp %neg3A_79 : vector<2000x64xf32>
    %add3A_81 = arith.constant 1.000000e+00 : f32
    %add3A_82 = vector.broadcast %add3A_81 : f32 to vector<2000x64xf32>
    %add3A_83 = arith.addf %add3A_82, %exp3A_80 : vector<2000x64xf32>
    %div3A = arith.constant 1.000000e+00 : f32
    %div3A_84 = vector.broadcast %div3A : f32 to vector<2000x64xf32>
    %div3A_85 = arith.divf %div3A_84, %add3A_83 : vector<2000x64xf32>
    %mul3A_86 = vector.broadcast %get3A_41 : vector<1x64xf32> to vector<2000x64xf32>
    %mul3A_87 = arith.mulf %div3A_85, %mul3A_86 : vector<2000x64xf32>
    %get3A_88 = arith.constant 0 : index
    %get3A_89 = arith.constant 0 : index
    %get3A_90 = vector.load %arg8[%get3A_88, %get3A_89] : memref<64x128xf32, #tpu.memory_space<vmem>>, vector<64x128xf32>
    %dot_general3A_91 = arith.constant dense<0.000000e+00> : vector<2000x128xf32>
    %dot_general3A_92 = tpu.matmul %mul3A_87, %get3A_90, %dot_general3A_91 {dimension_numbers = #tpu.dot_dimension_numbers<[1], [0], [0], [1], [0, 0, 1, 1], [], []>, precision = #tpu.contract_precision<fp32>, transpose_lhs_hint = false} : vector<2000x64xf32>, vector<64x128xf32>, vector<2000x128xf32> -> vector<2000x128xf32>
    %swap3A = arith.constant 0 : index
    %swap3A_93 = arith.constant 0 : index
    %swap3A_94 = vector.load %arg10[%swap3A, %swap3A_93] : memref<2000x128xf32, #tpu.memory_space<vmem>>, vector<2000x128xf32>
    tpu.vector_store %arg10[%swap3A, %swap3A_93], %dot_general3A_92 {strides = array<i32>} : memref<2000x128xf32, #tpu.memory_space<vmem>>, vector<2000x128xf32>,
    %neg3A_95 = arith.constant 0.000000e+00 : f32
    %neg3A_96 = vector.broadcast %neg3A_95 : f32 to vector<2000x128xf32>
    %neg3A_97 = arith.subf %neg3A_96, %add3A_17 : vector<2000x128xf32>
    %exp3A_98 = math.exp %neg3A_97 : vector<2000x128xf32>
    %add3A_99 = arith.constant 1.000000e+00 : f32
    %add3A_100 = vector.broadcast %add3A_99 : f32 to vector<2000x128xf32>
    %add3A_101 = arith.addf %add3A_100, %exp3A_98 : vector<2000x128xf32>
    %div3A_102 = arith.constant 1.000000e+00 : f32
    %div3A_103 = vector.broadcast %div3A_102 : f32 to vector<2000x128xf32>
    %div3A_104 = arith.divf %div3A_103, %add3A_101 : vector<2000x128xf32>
    %mul3A_105 = arith.mulf %dot_general3A_92, %div3A_104 : vector<2000x128xf32>
    %get3A_106 = arith.constant 0 : index
    %get3A_107 = arith.constant 0 : index
    %get3A_108 = vector.load %arg9[%get3A_106, %get3A_107] : memref<128x128xf32, #tpu.memory_space<vmem>>, vector<128x128xf32>
    %dot_general3A_109 = arith.constant dense<0.000000e+00> : vector<2000x128xf32>
    %dot_general3A_110 = tpu.matmul %mul3A_105, %get3A_108, %dot_general3A_109 {dimension_numbers = #tpu.dot_dimension_numbers<[1], [0], [0], [1], [0, 0, 1, 1], [], []>, precision = #tpu.contract_precision<fp32>, transpose_lhs_hint = false} : vector<2000x128xf32>, vector<128x128xf32>, vector<2000x128xf32> -> vector<2000x128xf32>
    %swap3A_111 = arith.constant 0 : index
    %swap3A_112 = arith.constant 0 : index
    %swap3A_113 = vector.load %arg11[%swap3A_111, %swap3A_112] : memref<2000x128xf32, #tpu.memory_space<vmem>>, vector<2000x128xf32>
    tpu.vector_store %arg11[%swap3A_111, %swap3A_112], %dot_general3A_110 {strides = array<i32>} : memref<2000x128xf32, #tpu.memory_space<vmem>>, vector<2000x128xf32>,
    return
  }
  func.func @transform_0(%arg0: i32) -> (i32, i32) {
    %c0_i32 = arith.constant 0 : i32
    %c0_i32_0 = arith.constant 0 : i32
    return %arg0, %c0_i32 : i32, i32
  }
  func.func @transform_1(%arg0: i32) -> (i32, i32, i32) {
    %c0_i32 = arith.constant 0 : i32
    %c0_i32_0 = arith.constant 0 : i32
    %c0_i32_1 = arith.constant 0 : i32
    return %c0_i32, %arg0, %c0_i32_0 : i32, i32, i32
  }
  func.func @transform_2(%arg0: i32) -> (i32, i32) {
    %c0_i32 = arith.constant 0 : i32
    %c0_i32_0 = arith.constant 0 : i32
    %c0_i32_1 = arith.constant 0 : i32
    return %c0_i32, %c0_i32_0 : i32, i32
  }
  func.func @transform_3(%arg0: i32) -> (i32, i32) {
    %c0_i32 = arith.constant 0 : i32
    %c0_i32_0 = arith.constant 0 : i32
    %c0_i32_1 = arith.constant 0 : i32
    return %c0_i32, %c0_i32_0 : i32, i32
  }
  func.func @transform_4(%arg0: i32) -> (i32, i32) {
    %c0_i32 = arith.constant 0 : i32
    %c0_i32_0 = arith.constant 0 : i32
    %c0_i32_1 = arith.constant 0 : i32
    return %c0_i32, %c0_i32_0 : i32, i32
  }
  func.func @transform_5(%arg0: i32) -> (i32, i32) {
    %c0_i32 = arith.constant 0 : i32
    %c0_i32_0 = arith.constant 0 : i32
    %c0_i32_1 = arith.constant 0 : i32
    return %c0_i32, %c0_i32_0 : i32, i32
  }
  func.func @transform_6(%arg0: i32) -> (i32, i32) {
    %c0_i32 = arith.constant 0 : i32
    %c0_i32_0 = arith.constant 0 : i32
    %c0_i32_1 = arith.constant 0 : i32
    return %c0_i32, %c0_i32_0 : i32, i32
  }
  func.func @transform_7(%arg0: i32) -> (i32, i32) {
    %c0_i32 = arith.constant 0 : i32
    %c0_i32_0 = arith.constant 0 : i32
    %c0_i32_1 = arith.constant 0 : i32
    return %c0_i32, %c0_i32_0 : i32, i32
  }
  func.func @transform_8(%arg0: i32) -> (i32, i32) {
    %c0_i32 = arith.constant 0 : i32
    %c0_i32_0 = arith.constant 0 : i32
    %c0_i32_1 = arith.constant 0 : i32
    return %c0_i32, %c0_i32_0 : i32, i32
  }
  func.func @transform_9(%arg0: i32) -> (i32, i32) {
    %c0_i32 = arith.constant 0 : i32
    %c0_i32_0 = arith.constant 0 : i32
    return %arg0, %c0_i32 : i32, i32
  }
  func.func @transform_10(%arg0: i32) -> (i32, i32) {
    %c0_i32 = arith.constant 0 : i32
    %c0_i32_0 = arith.constant 0 : i32
    return %arg0, %c0_i32 : i32, i32
  }
  func.func @transform_11(%arg0: i32) -> (i32, i32) {
    %c0_i32 = arith.constant 0 : i32
    %c0_i32_0 = arith.constant 0 : i32
    %c0_i32_1 = arith.constant 0 : i32
    return %c0_i32, %c0_i32_0 : i32, i32
  }
}

module attributes {stable_mosaic.version = 14 : i64} {
  func.func @_node3_body(%arg0: i32, %arg1: memref<2000x128xf32, #tpu.memory_space<vmem>>, %arg2: memref<2x2000x128xf32, #tpu.memory_space<vmem>>, %arg3: memref<128x128xf32, #tpu.memory_space<vmem>>, %arg4: memref<2000x128xf32, #tpu.memory_space<vmem>>, %arg5: memref<128x128xf32, #tpu.memory_space<vmem>>, %arg6: memref<1x128xf32, #tpu.memory_space<vmem>>, %arg7: memref<128x128xf32, #tpu.memory_space<vmem>>, %arg8: memref<2000x128xf32, #tpu.memory_space<vmem>>) attributes {dimension_semantics = [#tpu.dimension_semantics<arbitrary>], iteration_bounds = array<i64: 5>, scalar_prefetch = 0 : i64, scratch_operands = 0 : i64, tpu.core_type = #tpu.core_type<tc>, window_params = [{transform_indices = @transform_0, window_bounds = array<i64: 2000, 128>}, {transform_indices = @transform_1, window_bounds = array<i64: 2, 2000, 128>}, {pipeline_mode = #tpu.pipeline_mode<synchronous>, transform_indices = @transform_2, window_bounds = array<i64: 128, 128>}, {transform_indices = @transform_3, window_bounds = array<i64: 2000, 128>}, {pipeline_mode = #tpu.pipeline_mode<synchronous>, transform_indices = @transform_4, window_bounds = array<i64: 128, 128>}, {pipeline_mode = #tpu.pipeline_mode<synchronous>, transform_indices = @transform_5, window_bounds = array<i64: 1, 128>}, {pipeline_mode = #tpu.pipeline_mode<synchronous>, transform_indices = @transform_6, window_bounds = array<i64: 128, 128>}, {transform_indices = @transform_7, window_bounds = array<i64: 2000, 128>}]} {
    %get3A = arith.constant 0 : index
    %get3A_0 = arith.constant 0 : index
    %get3A_1 = arith.constant 0 : index
    %get3A_2 = vector.load %arg2[%get3A, %get3A_0, %get3A_1] : memref<2x2000x128xf32, #tpu.memory_space<vmem>>, vector<1x2000x128xf32>
    %get3A_3 = vector.shape_cast %get3A_2 : vector<1x2000x128xf32> to vector<2000x128xf32>
    %get3A_4 = arith.constant 1 : index
    %get3A_5 = arith.constant 0 : index
    %get3A_6 = arith.constant 0 : index
    %get3A_7 = vector.load %arg2[%get3A_4, %get3A_5, %get3A_6] : memref<2x2000x128xf32, #tpu.memory_space<vmem>>, vector<1x2000x128xf32>
    %get3A_8 = vector.shape_cast %get3A_7 : vector<1x2000x128xf32> to vector<2000x128xf32>
    %add3A = arith.addf %get3A_3, %get3A_8 : vector<2000x128xf32>
    %get3A_9 = arith.constant 0 : index
    %get3A_10 = arith.constant 0 : index
    %get3A_11 = vector.load %arg1[%get3A_9, %get3A_10] : memref<2000x128xf32, #tpu.memory_space<vmem>>, vector<2000x128xf32>
    %get3A_12 = arith.constant 0 : index
    %get3A_13 = arith.constant 0 : index
    %get3A_14 = vector.load %arg3[%get3A_12, %get3A_13] : memref<128x128xf32, #tpu.memory_space<vmem>>, vector<128x128xf32>
    %dot_general3A = arith.constant dense<0.000000e+00> : vector<2000x128xf32>
    %dot_general3A_15 = tpu.matmul %add3A, %get3A_14, %dot_general3A {dimension_numbers = #tpu.dot_dimension_numbers<[1], [0], [0], [1], [0, 0, 1, 1], [], []>, precision = #tpu.contract_precision<fp32>, transpose_lhs_hint = false} : vector<2000x128xf32>, vector<128x128xf32>, vector<2000x128xf32> -> vector<2000x128xf32>
    %add3A_16 = arith.addf %get3A_11, %dot_general3A_15 : vector<2000x128xf32>
    %get3A_17 = arith.constant 0 : index
    %get3A_18 = arith.constant 0 : index
    %get3A_19 = vector.load %arg4[%get3A_17, %get3A_18] : memref<2000x128xf32, #tpu.memory_space<vmem>>, vector<2000x128xf32>
    %get3A_20 = arith.constant 0 : index
    %get3A_21 = arith.constant 0 : index
    %get3A_22 = vector.load %arg5[%get3A_20, %get3A_21] : memref<128x128xf32, #tpu.memory_space<vmem>>, vector<128x128xf32>
    %dot_general3A_23 = arith.constant dense<0.000000e+00> : vector<2000x128xf32>
    %dot_general3A_24 = tpu.matmul %get3A_19, %get3A_22, %dot_general3A_23 {dimension_numbers = #tpu.dot_dimension_numbers<[1], [0], [0], [1], [0, 0, 1, 1], [], []>, precision = #tpu.contract_precision<fp32>, transpose_lhs_hint = false} : vector<2000x128xf32>, vector<128x128xf32>, vector<2000x128xf32> -> vector<2000x128xf32>
    %get3A_25 = arith.constant 0 : index
    %get3A_26 = arith.constant 0 : index
    %get3A_27 = vector.load %arg6[%get3A_25, %get3A_26] : memref<1x128xf32, #tpu.memory_space<vmem>>, vector<1x128xf32>
    %add3A_28 = vector.broadcast %get3A_27 : vector<1x128xf32> to vector<2000x128xf32>
    %add3A_29 = arith.addf %dot_general3A_24, %add3A_28 : vector<2000x128xf32>
    %neg3A = arith.constant 0.000000e+00 : f32
    %neg3A_30 = vector.broadcast %neg3A : f32 to vector<2000x128xf32>
    %neg3A_31 = arith.subf %neg3A_30, %add3A_29 : vector<2000x128xf32>
    %exp3A = math.exp %neg3A_31 : vector<2000x128xf32>
    %add3A_32 = arith.constant 1.000000e+00 : f32
    %add3A_33 = vector.broadcast %add3A_32 : f32 to vector<2000x128xf32>
    %add3A_34 = arith.addf %add3A_33, %exp3A : vector<2000x128xf32>
    %div3A = arith.constant 1.000000e+00 : f32
    %div3A_35 = vector.broadcast %div3A : f32 to vector<2000x128xf32>
    %div3A_36 = arith.divf %div3A_35, %add3A_34 : vector<2000x128xf32>
    %mul3A = arith.mulf %add3A_16, %div3A_36 : vector<2000x128xf32>
    %get3A_37 = arith.constant 0 : index
    %get3A_38 = arith.constant 0 : index
    %get3A_39 = vector.load %arg7[%get3A_37, %get3A_38] : memref<128x128xf32, #tpu.memory_space<vmem>>, vector<128x128xf32>
    %dot_general3A_40 = arith.constant dense<0.000000e+00> : vector<2000x128xf32>
    %dot_general3A_41 = tpu.matmul %mul3A, %get3A_39, %dot_general3A_40 {dimension_numbers = #tpu.dot_dimension_numbers<[1], [0], [0], [1], [0, 0, 1, 1], [], []>, precision = #tpu.contract_precision<fp32>, transpose_lhs_hint = false} : vector<2000x128xf32>, vector<128x128xf32>, vector<2000x128xf32> -> vector<2000x128xf32>
    %swap3A = arith.constant 0 : index
    %swap3A_42 = arith.constant 0 : index
    %swap3A_43 = vector.load %arg8[%swap3A, %swap3A_42] : memref<2000x128xf32, #tpu.memory_space<vmem>>, vector<2000x128xf32>
    tpu.vector_store %arg8[%swap3A, %swap3A_42], %dot_general3A_41 {strides = array<i32>} : memref<2000x128xf32, #tpu.memory_space<vmem>>, vector<2000x128xf32>,
    return
  }
  func.func @transform_0(%arg0: i32) -> (i32, i32) {
    %c0_i32 = arith.constant 0 : i32
    %c0_i32_0 = arith.constant 0 : i32
    return %arg0, %c0_i32 : i32, i32
  }
  func.func @transform_1(%arg0: i32) -> (i32, i32, i32) {
    %c0_i32 = arith.constant 0 : i32
    %c0_i32_0 = arith.constant 0 : i32
    %c0_i32_1 = arith.constant 0 : i32
    return %c0_i32, %arg0, %c0_i32_0 : i32, i32, i32
  }
  func.func @transform_2(%arg0: i32) -> (i32, i32) {
    %c0_i32 = arith.constant 0 : i32
    %c0_i32_0 = arith.constant 0 : i32
    %c0_i32_1 = arith.constant 0 : i32
    return %c0_i32, %c0_i32_0 : i32, i32
  }
  func.func @transform_3(%arg0: i32) -> (i32, i32) {
    %c0_i32 = arith.constant 0 : i32
    %c0_i32_0 = arith.constant 0 : i32
    return %arg0, %c0_i32 : i32, i32
  }
  func.func @transform_4(%arg0: i32) -> (i32, i32) {
    %c0_i32 = arith.constant 0 : i32
    %c0_i32_0 = arith.constant 0 : i32
    %c0_i32_1 = arith.constant 0 : i32
    return %c0_i32, %c0_i32_0 : i32, i32
  }
  func.func @transform_5(%arg0: i32) -> (i32, i32) {
    %c0_i32 = arith.constant 0 : i32
    %c0_i32_0 = arith.constant 0 : i32
    %c0_i32_1 = arith.constant 0 : i32
    return %c0_i32, %c0_i32_0 : i32, i32
  }
  func.func @transform_6(%arg0: i32) -> (i32, i32) {
    %c0_i32 = arith.constant 0 : i32
    %c0_i32_0 = arith.constant 0 : i32
    %c0_i32_1 = arith.constant 0 : i32
    return %c0_i32, %c0_i32_0 : i32, i32
  }
  func.func @transform_7(%arg0: i32) -> (i32, i32) {
    %c0_i32 = arith.constant 0 : i32
    %c0_i32_0 = arith.constant 0 : i32
    return %arg0, %c0_i32 : i32, i32
  }
}

module attributes {stable_mosaic.version = 14 : i64} {
  func.func @_filter_bwd_body(%arg0: i32, %arg1: memref<2000x3xf32, #tpu.memory_space<vmem>>, %arg2: memref<2000x128xf32, #tpu.memory_space<vmem>>, %arg3: memref<2000x128xf32, #tpu.memory_space<vmem>>, %arg4: memref<2x32x64xf32, #tpu.memory_space<vmem>>, %arg5: memref<2x64xf32, #tpu.memory_space<vmem>>, %arg6: memref<2x64x128xf32, #tpu.memory_space<vmem>>, %arg7: memref<2x128xf32, #tpu.memory_space<vmem>>, %arg8: memref<2x64x32xf32, #tpu.memory_space<vmem>>, %arg9: memref<2x128x64xf32, #tpu.memory_space<vmem>>, %arg10: memref<2000x128xf32, #tpu.memory_space<vmem>>, %arg11: memref<8x128xf32, #tpu.memory_space<vmem>>) attributes {dimension_semantics = [#tpu.dimension_semantics<arbitrary>], iteration_bounds = array<i64: 160>, scalar_prefetch = 0 : i64, scratch_operands = 0 : i64, tpu.core_type = #tpu.core_type<tc>, window_params = [{transform_indices = @transform_0, window_bounds = array<i64: 2000, 3>}, {transform_indices = @transform_1, window_bounds = array<i64: 2000, 128>}, {transform_indices = @transform_2, window_bounds = array<i64: 2000, 128>}, {pipeline_mode = #tpu.pipeline_mode<synchronous>, transform_indices = @transform_3, window_bounds = array<i64: 2, 32, 64>}, {pipeline_mode = #tpu.pipeline_mode<synchronous>, transform_indices = @transform_4, window_bounds = array<i64: 2, 64>}, {pipeline_mode = #tpu.pipeline_mode<synchronous>, transform_indices = @transform_5, window_bounds = array<i64: 2, 64, 128>}, {pipeline_mode = #tpu.pipeline_mode<synchronous>, transform_indices = @transform_6, window_bounds = array<i64: 2, 128>}, {pipeline_mode = #tpu.pipeline_mode<synchronous>, transform_indices = @transform_7, window_bounds = array<i64: 2, 64, 32>}, {pipeline_mode = #tpu.pipeline_mode<synchronous>, transform_indices = @transform_8, window_bounds = array<i64: 2, 128, 64>}, {transform_indices = @transform_9, window_bounds = array<i64: 2000, 128>}, {pipeline_mode = #tpu.pipeline_mode<synchronous>, transform_indices = @transform_10, window_bounds = array<i64: 8, 128>}]} {
    %get3A = arith.constant 0 : index
    %get3A_0 = arith.constant 0 : index
    %get3A_1 = vector.load %arg1[%get3A, %get3A_0] : memref<2000x3xf32, #tpu.memory_space<vmem>>, vector<2000x3xf32>
    %mul3A = arith.mulf %get3A_1, %get3A_1 : vector<2000x3xf32>
    %reduce_sum3A = arith.constant dense<0.000000e+00> : vector<2000xf32>
    %reduce_sum3A_2 = vector.multi_reduction <add>, %mul3A, %reduce_sum3A [1] : vector<2000x3xf32> to vector<2000xf32>
    %broadcast_in_dim3A = vector.shape_cast %reduce_sum3A_2 : vector<2000xf32> to vector<2000x1xf32>
    %sqrt3A = math.sqrt %broadcast_in_dim3A : vector<2000x1xf32>
    %iota3A = tpu.iota {dimensions = array<i32: 1>} : vector<1x32xi32>
    %convert_element_type3A = arith.sitofp %iota3A : vector<1x32xi32> to vector<1x32xf32>
    %mul3A_3 = arith.constant 0.161290318 : f32
    %mul3A_4 = vector.broadcast %mul3A_3 : f32 to vector<1x32xf32>
    %mul3A_5 = arith.mulf %convert_element_type3A, %mul3A_4 : vector<1x32xf32>
    %sub3A = vector.broadcast %sqrt3A : vector<2000x1xf32> to vector<2000x32xf32>
    %sub3A_6 = vector.broadcast %mul3A_5 : vector<1x32xf32> to vector<2000x32xf32>
    %sub3A_7 = arith.subf %sub3A, %sub3A_6 : vector<2000x32xf32>
    %integer_pow3A = arith.mulf %sub3A_7, %sub3A_7 : vector<2000x32xf32>
    %mul3A_8 = arith.constant -1.922000e+01 : f32
    %mul3A_9 = vector.broadcast %mul3A_8 : f32 to vector<2000x32xf32>
    %mul3A_10 = arith.mulf %mul3A_9, %integer_pow3A : vector<2000x32xf32>
    %exp3A = math.exp %mul3A_10 : vector<2000x32xf32>
    %div3A = arith.constant 5.000000e+00 : f32
    %div3A_11 = vector.broadcast %div3A : f32 to vector<2000x1xf32>
    %div3A_12 = arith.divf %sqrt3A, %div3A_11 : vector<2000x1xf32>
    %jit3A = arith.constant 0.000000e+00 : f32
    %jit3A_13 = arith.constant 1.000000e+00 : f32
    %max3A = vector.broadcast %jit3A : f32 to vector<2000x1xf32>
    %max3A_14 = arith.maximumf %max3A, %div3A_12 : vector<2000x1xf32>
    %min3A = vector.broadcast %jit3A_13 : f32 to vector<2000x1xf32>
    %min3A_15 = arith.minimumf %min3A, %max3A_14 : vector<2000x1xf32>
    %mul3A_16 = arith.mulf %min3A_15, %min3A_15 : vector<2000x1xf32>
    %mul3A_17 = arith.mulf %mul3A_16, %min3A_15 : vector<2000x1xf32>
    %mul3A_18 = arith.constant 6.000000e+00 : f32
    %mul3A_19 = vector.broadcast %mul3A_18 : f32 to vector<2000x1xf32>
    %mul3A_20 = arith.mulf %mul3A_19, %mul3A_17 : vector<2000x1xf32>
    %mul3A_21 = arith.mulf %mul3A_20, %mul3A_16 : vector<2000x1xf32>
    %mul3A_22 = arith.constant 1.500000e+01 : f32
    %mul3A_23 = vector.broadcast %mul3A_22 : f32 to vector<2000x1xf32>
    %mul3A_24 = arith.mulf %mul3A_23, %mul3A_16 : vector<2000x1xf32>
    %mul3A_25 = arith.mulf %mul3A_24, %mul3A_16 : vector<2000x1xf32>
    %sub3A_26 = arith.subf %mul3A_21, %mul3A_25 : vector<2000x1xf32>
    %mul3A_27 = arith.constant 1.000000e+01 : f32
    %mul3A_28 = vector.broadcast %mul3A_27 : f32 to vector<2000x1xf32>
    %mul3A_29 = arith.mulf %mul3A_28, %mul3A_17 : vector<2000x1xf32>
    %add3A = arith.addf %sub3A_26, %mul3A_29 : vector<2000x1xf32>
    %sub3A_30 = arith.constant 1.000000e+00 : f32
    %sub3A_31 = vector.broadcast %sub3A_30 : f32 to vector<2000x1xf32>
    %sub3A_32 = arith.subf %sub3A_31, %add3A : vector<2000x1xf32>
    %broadcast_in_dim3A_33 = arith.constant 0.000000e+00 : f32
    %broadcast_in_dim3A_34 = vector.broadcast %broadcast_in_dim3A_33 : f32 to vector<2000x32xf32>
    %broadcast_in_dim3A_35 = arith.constant 0.000000e+00 : f32
    %broadcast_in_dim3A_36 = vector.broadcast %broadcast_in_dim3A_35 : f32 to vector<2000x1xf32>
    %get3A_37 = arith.constant 0 : index
    %get3A_38 = arith.constant 0 : index
    %get3A_39 = arith.constant 0 : index
    %get3A_40 = vector.load %arg4[%get3A_37, %get3A_38, %get3A_39] : memref<2x32x64xf32, #tpu.memory_space<vmem>>, vector<1x32x64xf32>
    %get3A_41 = vector.shape_cast %get3A_40 : vector<1x32x64xf32> to vector<32x64xf32>
    %dot_general3A = arith.constant dense<0.000000e+00> : vector<2000x64xf32>
    %dot_general3A_42 = tpu.matmul %exp3A, %get3A_41, %dot_general3A {dimension_numbers = #tpu.dot_dimension_numbers<[1], [0], [0], [1], [0, 0, 1, 1], [], []>, transpose_lhs_hint = false} : vector<2000x32xf32>, vector<32x64xf32>, vector<2000x64xf32> -> vector<2000x64xf32>
    %get3A_43 = arith.constant 0 : index
    %get3A_44 = arith.constant 0 : index
    %get3A_45 = vector.load %arg5[%get3A_43, %get3A_44] : memref<2x64xf32, #tpu.memory_space<vmem>>, vector<1x64xf32>
    %add3A_46 = vector.broadcast %get3A_45 : vector<1x64xf32> to vector<2000x64xf32>
    %add3A_47 = arith.addf %dot_general3A_42, %add3A_46 : vector<2000x64xf32>
    %max3A_48 = arith.constant 0.000000e+00 : f32
    %max3A_49 = vector.broadcast %max3A_48 : f32 to vector<2000x64xf32>
    %max3A_50 = arith.maximumf %add3A_47, %max3A_49 : vector<2000x64xf32>
    %abs3A = math.absf %add3A_47 : vector<2000x64xf32>
    %neg3A = arith.constant 0.000000e+00 : f32
    %neg3A_51 = vector.broadcast %neg3A : f32 to vector<2000x64xf32>
    %neg3A_52 = arith.subf %neg3A_51, %abs3A : vector<2000x64xf32>
    %exp3A_53 = math.exp %neg3A_52 : vector<2000x64xf32>
    %log1p3A = math.log1p %exp3A_53 : vector<2000x64xf32>
    %add3A_54 = arith.addf %max3A_50, %log1p3A : vector<2000x64xf32>
    %sub3A_55 = arith.constant 0.693147182 : f32
    %sub3A_56 = vector.broadcast %sub3A_55 : f32 to vector<2000x64xf32>
    %sub3A_57 = arith.subf %add3A_54, %sub3A_56 : vector<2000x64xf32>
    %get3A_58 = arith.constant 0 : index
    %get3A_59 = arith.constant 0 : index
    %get3A_60 = arith.constant 0 : index
    %get3A_61 = vector.load %arg6[%get3A_58, %get3A_59, %get3A_60] : memref<2x64x128xf32, #tpu.memory_space<vmem>>, vector<1x64x128xf32>
    %get3A_62 = vector.shape_cast %get3A_61 : vector<1x64x128xf32> to vector<64x128xf32>
    %dot_general3A_63 = arith.constant dense<0.000000e+00> : vector<2000x128xf32>
    %dot_general3A_64 = tpu.matmul %sub3A_57, %get3A_62, %dot_general3A_63 {dimension_numbers = #tpu.dot_dimension_numbers<[1], [0], [0], [1], [0, 0, 1, 1], [], []>, transpose_lhs_hint = false} : vector<2000x64xf32>, vector<64x128xf32>, vector<2000x128xf32> -> vector<2000x128xf32>
    %get3A_65 = arith.constant 0 : index
    %get3A_66 = arith.constant 0 : index
    %get3A_67 = vector.load %arg7[%get3A_65, %get3A_66] : memref<2x128xf32, #tpu.memory_space<vmem>>, vector<1x128xf32>
    %add3A_68 = vector.broadcast %get3A_67 : vector<1x128xf32> to vector<2000x128xf32>
    %add3A_69 = arith.addf %dot_general3A_64, %add3A_68 : vector<2000x128xf32>
    %get3A_70 = arith.constant 0 : index
    %get3A_71 = arith.constant 0 : index
    %get3A_72 = vector.load %arg2[%get3A_70, %get3A_71] : memref<2000x128xf32, #tpu.memory_space<vmem>>, vector<2000x128xf32>
    %mul3A_73 = arith.mulf %get3A_72, %add3A_69 : vector<2000x128xf32>
    %reduce_sum3A_74 = arith.constant dense<0.000000e+00> : vector<2000xf32>
    %reduce_sum3A_75 = vector.multi_reduction <add>, %mul3A_73, %reduce_sum3A_74 [1] : vector<2000x128xf32> to vector<2000xf32>
    %broadcast_in_dim3A_76 = vector.shape_cast %reduce_sum3A_75 : vector<2000xf32> to vector<2000x1xf32>
    %add3A_77 = arith.addf %broadcast_in_dim3A_36, %broadcast_in_dim3A_76 : vector<2000x1xf32>
    %mul3A_78 = vector.broadcast %sub3A_32 : vector<2000x1xf32> to vector<2000x128xf32>
    %mul3A_79 = arith.mulf %get3A_72, %mul3A_78 : vector<2000x128xf32>
    %get3A_80 = arith.constant 0 : index
    %get3A_81 = arith.constant 0 : index
    %get3A_82 = arith.constant 0 : index
    %get3A_83 = vector.load %arg9[%get3A_80, %get3A_81, %get3A_82] : memref<2x128x64xf32, #tpu.memory_space<vmem>>, vector<1x128x64xf32>
    %get3A_84 = vector.shape_cast %get3A_83 : vector<1x128x64xf32> to vector<128x64xf32>
    %dot_general3A_85 = arith.constant dense<0.000000e+00> : vector<2000x64xf32>
    %dot_general3A_86 = tpu.matmul %mul3A_79, %get3A_84, %dot_general3A_85 {dimension_numbers = #tpu.dot_dimension_numbers<[1], [0], [0], [1], [0, 0, 1, 1], [], []>, transpose_lhs_hint = false} : vector<2000x128xf32>, vector<128x64xf32>, vector<2000x64xf32> -> vector<2000x64xf32>
    %neg3A_87 = arith.constant 0.000000e+00 : f32
    %neg3A_88 = vector.broadcast %neg3A_87 : f32 to vector<2000x64xf32>
    %neg3A_89 = arith.subf %neg3A_88, %add3A_47 : vector<2000x64xf32>
    %exp3A_90 = math.exp %neg3A_89 : vector<2000x64xf32>
    %add3A_91 = arith.constant 1.000000e+00 : f32
    %add3A_92 = vector.broadcast %add3A_91 : f32 to vector<2000x64xf32>
    %add3A_93 = arith.addf %add3A_92, %exp3A_90 : vector<2000x64xf32>
    %div3A_94 = arith.constant 1.000000e+00 : f32
    %div3A_95 = vector.broadcast %div3A_94 : f32 to vector<2000x64xf32>
    %div3A_96 = arith.divf %div3A_95, %add3A_93 : vector<2000x64xf32>
    %mul3A_97 = arith.mulf %dot_general3A_86, %div3A_96 : vector<2000x64xf32>
    %get3A_98 = arith.constant 0 : index
    %get3A_99 = arith.constant 0 : index
    %get3A_100 = arith.constant 0 : index
    %get3A_101 = vector.load %arg8[%get3A_98, %get3A_99, %get3A_100] : memref<2x64x32xf32, #tpu.memory_space<vmem>>, vector<1x64x32xf32>
    %get3A_102 = vector.shape_cast %get3A_101 : vector<1x64x32xf32> to vector<64x32xf32>
    %dot_general3A_103 = arith.constant dense<0.000000e+00> : vector<2000x32xf32>
    %dot_general3A_104 = tpu.matmul %mul3A_97, %get3A_102, %dot_general3A_103 {dimension_numbers = #tpu.dot_dimension_numbers<[1], [0], [0], [1], [0, 0, 1, 1], [], []>, transpose_lhs_hint = false} : vector<2000x64xf32>, vector<64x32xf32>, vector<2000x32xf32> -> vector<2000x32xf32>
    %add3A_105 = arith.addf %broadcast_in_dim3A_34, %dot_general3A_104 : vector<2000x32xf32>
    %get3A_106 = arith.constant 1 : index
    %get3A_107 = arith.constant 0 : index
    %get3A_108 = arith.constant 0 : index
    %get3A_109 = vector.load %arg4[%get3A_106, %get3A_107, %get3A_108] : memref<2x32x64xf32, #tpu.memory_space<vmem>>, vector<1x32x64xf32>
    %get3A_110 = vector.shape_cast %get3A_109 : vector<1x32x64xf32> to vector<32x64xf32>
    %dot_general3A_111 = arith.constant dense<0.000000e+00> : vector<2000x64xf32>
    %dot_general3A_112 = tpu.matmul %exp3A, %get3A_110, %dot_general3A_111 {dimension_numbers = #tpu.dot_dimension_numbers<[1], [0], [0], [1], [0, 0, 1, 1], [], []>, transpose_lhs_hint = false} : vector<2000x32xf32>, vector<32x64xf32>, vector<2000x64xf32> -> vector<2000x64xf32>
    %get3A_113 = arith.constant 1 : index
    %get3A_114 = arith.constant 0 : index
    %get3A_115 = vector.load %arg5[%get3A_113, %get3A_114] : memref<2x64xf32, #tpu.memory_space<vmem>>, vector<1x64xf32>
    %add3A_116 = vector.broadcast %get3A_115 : vector<1x64xf32> to vector<2000x64xf32>
    %add3A_117 = arith.addf %dot_general3A_112, %add3A_116 : vector<2000x64xf32>
    %max3A_118 = arith.constant 0.000000e+00 : f32
    %max3A_119 = vector.broadcast %max3A_118 : f32 to vector<2000x64xf32>
    %max3A_120 = arith.maximumf %add3A_117, %max3A_119 : vector<2000x64xf32>
    %abs3A_121 = math.absf %add3A_117 : vector<2000x64xf32>
    %neg3A_122 = arith.constant 0.000000e+00 : f32
    %neg3A_123 = vector.broadcast %neg3A_122 : f32 to vector<2000x64xf32>
    %neg3A_124 = arith.subf %neg3A_123, %abs3A_121 : vector<2000x64xf32>
    %exp3A_125 = math.exp %neg3A_124 : vector<2000x64xf32>
    %log1p3A_126 = math.log1p %exp3A_125 : vector<2000x64xf32>
    %add3A_127 = arith.addf %max3A_120, %log1p3A_126 : vector<2000x64xf32>
    %sub3A_128 = arith.constant 0.693147182 : f32
    %sub3A_129 = vector.broadcast %sub3A_128 : f32 to vector<2000x64xf32>
    %sub3A_130 = arith.subf %add3A_127, %sub3A_129 : vector<2000x64xf32>
    %get3A_131 = arith.constant 1 : index
    %get3A_132 = arith.constant 0 : index
    %get3A_133 = arith.constant 0 : index
    %get3A_134 = vector.load %arg6[%get3A_131, %get3A_132, %get3A_133] : memref<2x64x128xf32, #tpu.memory_space<vmem>>, vector<1x64x128xf32>
    %get3A_135 = vector.shape_cast %get3A_134 : vector<1x64x128xf32> to vector<64x128xf32>
    %dot_general3A_136 = arith.constant dense<0.000000e+00> : vector<2000x128xf32>
    %dot_general3A_137 = tpu.matmul %sub3A_130, %get3A_135, %dot_general3A_136 {dimension_numbers = #tpu.dot_dimension_numbers<[1], [0], [0], [1], [0, 0, 1, 1], [], []>, transpose_lhs_hint = false} : vector<2000x64xf32>, vector<64x128xf32>, vector<2000x128xf32> -> vector<2000x128xf32>
    %get3A_138 = arith.constant 1 : index
    %get3A_139 = arith.constant 0 : index
    %get3A_140 = vector.load %arg7[%get3A_138, %get3A_139] : memref<2x128xf32, #tpu.memory_space<vmem>>, vector<1x128xf32>
    %add3A_141 = vector.broadcast %get3A_140 : vector<1x128xf32> to vector<2000x128xf32>
    %add3A_142 = arith.addf %dot_general3A_137, %add3A_141 : vector<2000x128xf32>
    %get3A_143 = arith.constant 0 : index
    %get3A_144 = arith.constant 0 : index
    %get3A_145 = vector.load %arg3[%get3A_143, %get3A_144] : memref<2000x128xf32, #tpu.memory_space<vmem>>, vector<2000x128xf32>
    %mul3A_146 = arith.mulf %get3A_145, %add3A_142 : vector<2000x128xf32>
    %reduce_sum3A_147 = arith.constant dense<0.000000e+00> : vector<2000xf32>
    %reduce_sum3A_148 = vector.multi_reduction <add>, %mul3A_146, %reduce_sum3A_147 [1] : vector<2000x128xf32> to vector<2000xf32>
    %broadcast_in_dim3A_149 = vector.shape_cast %reduce_sum3A_148 : vector<2000xf32> to vector<2000x1xf32>
    %add3A_150 = arith.addf %add3A_77, %broadcast_in_dim3A_149 : vector<2000x1xf32>
    %mul3A_151 = vector.broadcast %sub3A_32 : vector<2000x1xf32> to vector<2000x128xf32>
    %mul3A_152 = arith.mulf %get3A_145, %mul3A_151 : vector<2000x128xf32>
    %get3A_153 = arith.constant 1 : index
    %get3A_154 = arith.constant 0 : index
    %get3A_155 = arith.constant 0 : index
    %get3A_156 = vector.load %arg9[%get3A_153, %get3A_154, %get3A_155] : memref<2x128x64xf32, #tpu.memory_space<vmem>>, vector<1x128x64xf32>
    %get3A_157 = vector.shape_cast %get3A_156 : vector<1x128x64xf32> to vector<128x64xf32>
    %dot_general3A_158 = arith.constant dense<0.000000e+00> : vector<2000x64xf32>
    %dot_general3A_159 = tpu.matmul %mul3A_152, %get3A_157, %dot_general3A_158 {dimension_numbers = #tpu.dot_dimension_numbers<[1], [0], [0], [1], [0, 0, 1, 1], [], []>, transpose_lhs_hint = false} : vector<2000x128xf32>, vector<128x64xf32>, vector<2000x64xf32> -> vector<2000x64xf32>
    %neg3A_160 = arith.constant 0.000000e+00 : f32
    %neg3A_161 = vector.broadcast %neg3A_160 : f32 to vector<2000x64xf32>
    %neg3A_162 = arith.subf %neg3A_161, %add3A_117 : vector<2000x64xf32>
    %exp3A_163 = math.exp %neg3A_162 : vector<2000x64xf32>
    %add3A_164 = arith.constant 1.000000e+00 : f32
    %add3A_165 = vector.broadcast %add3A_164 : f32 to vector<2000x64xf32>
    %add3A_166 = arith.addf %add3A_165, %exp3A_163 : vector<2000x64xf32>
    %div3A_167 = arith.constant 1.000000e+00 : f32
    %div3A_168 = vector.broadcast %div3A_167 : f32 to vector<2000x64xf32>
    %div3A_169 = arith.divf %div3A_168, %add3A_166 : vector<2000x64xf32>
    %mul3A_170 = arith.mulf %dot_general3A_159, %div3A_169 : vector<2000x64xf32>
    %get3A_171 = arith.constant 1 : index
    %get3A_172 = arith.constant 0 : index
    %get3A_173 = arith.constant 0 : index
    %get3A_174 = vector.load %arg8[%get3A_171, %get3A_172, %get3A_173] : memref<2x64x32xf32, #tpu.memory_space<vmem>>, vector<1x64x32xf32>
    %get3A_175 = vector.shape_cast %get3A_174 : vector<1x64x32xf32> to vector<64x32xf32>
    %dot_general3A_176 = arith.constant dense<0.000000e+00> : vector<2000x32xf32>
    %dot_general3A_177 = tpu.matmul %mul3A_170, %get3A_175, %dot_general3A_176 {dimension_numbers = #tpu.dot_dimension_numbers<[1], [0], [0], [1], [0, 0, 1, 1], [], []>, transpose_lhs_hint = false} : vector<2000x64xf32>, vector<64x32xf32>, vector<2000x32xf32> -> vector<2000x32xf32>
    %add3A_178 = arith.addf %add3A_105, %dot_general3A_177 : vector<2000x32xf32>
    %sub3A_179 = vector.broadcast %sqrt3A : vector<2000x1xf32> to vector<2000x32xf32>
    %sub3A_180 = vector.broadcast %mul3A_5 : vector<1x32xf32> to vector<2000x32xf32>
    %sub3A_181 = arith.subf %sub3A_179, %sub3A_180 : vector<2000x32xf32>
    %mul3A_182 = arith.constant -3.844000e+01 : f32
    %mul3A_183 = vector.broadcast %mul3A_182 : f32 to vector<2000x32xf32>
    %mul3A_184 = arith.mulf %mul3A_183, %sub3A_181 : vector<2000x32xf32>
    %mul3A_185 = arith.mulf %mul3A_184, %exp3A : vector<2000x32xf32>
    %mul3A_186 = arith.mulf %min3A_15, %min3A_15 : vector<2000x1xf32>
    %le3A = arith.constant 5.000000e+00 : f32
    %le3A_187 = vector.broadcast %le3A : f32 to vector<2000x1xf32>
    %le3A_188 = arith.cmpf ole, %sqrt3A, %le3A_187 : vector<2000x1xf32>
    %mul3A_189 = arith.constant 3.000000e+01 : f32
    %mul3A_190 = vector.broadcast %mul3A_189 : f32 to vector<2000x1xf32>
    %mul3A_191 = arith.mulf %mul3A_190, %mul3A_186 : vector<2000x1xf32>
    %mul3A_192 = arith.mulf %mul3A_191, %mul3A_186 : vector<2000x1xf32>
    %mul3A_193 = arith.constant 6.000000e+01 : f32
    %mul3A_194 = vector.broadcast %mul3A_193 : f32 to vector<2000x1xf32>
    %mul3A_195 = arith.mulf %mul3A_194, %mul3A_186 : vector<2000x1xf32>
    %mul3A_196 = arith.mulf %mul3A_195, %min3A_15 : vector<2000x1xf32>
    %sub3A_197 = arith.subf %mul3A_192, %mul3A_196 : vector<2000x1xf32>
    %mul3A_198 = arith.constant 3.000000e+01 : f32
    %mul3A_199 = vector.broadcast %mul3A_198 : f32 to vector<2000x1xf32>
    %mul3A_200 = arith.mulf %mul3A_199, %mul3A_186 : vector<2000x1xf32>
    %add3A_201 = arith.addf %sub3A_197, %mul3A_200 : vector<2000x1xf32>
    %neg3A_202 = arith.constant 0.000000e+00 : f32
    %neg3A_203 = vector.broadcast %neg3A_202 : f32 to vector<2000x1xf32>
    %neg3A_204 = arith.subf %neg3A_203, %add3A_201 : vector<2000x1xf32>
    %div3A_205 = arith.constant 5.000000e+00 : f32
    %div3A_206 = vector.broadcast %div3A_205 : f32 to vector<2000x1xf32>
    %div3A_207 = arith.divf %neg3A_204, %div3A_206 : vector<2000x1xf32>
    %jit3A_208 = arith.constant 0.000000e+00 : f32
    %broadcast_in_dim3A_209 = vector.broadcast %jit3A_208 : f32 to vector<2000x1xf32>
    %select_n3A = arith.select %le3A_188, %div3A_207, %broadcast_in_dim3A_209 : vector<2000x1xi1>, vector<2000x1xf32>
    %mul3A_210 = arith.mulf %add3A_178, %mul3A_185 : vector<2000x32xf32>
    %reduce_sum3A_211 = arith.constant dense<0.000000e+00> : vector<2000xf32>
    %reduce_sum3A_212 = vector.multi_reduction <add>, %mul3A_210, %reduce_sum3A_211 [1] : vector<2000x32xf32> to vector<2000xf32>
    %broadcast_in_dim3A_213 = vector.shape_cast %reduce_sum3A_212 : vector<2000xf32> to vector<2000x1xf32>
    %mul3A_214 = arith.mulf %add3A_150, %select_n3A : vector<2000x1xf32>
    %add3A_215 = arith.addf %broadcast_in_dim3A_213, %mul3A_214 : vector<2000x1xf32>
    %div3A_216 = arith.divf %add3A_215, %sqrt3A : vector<2000x1xf32>
    %mul3A_217 = vector.broadcast %div3A_216 : vector<2000x1xf32> to vector<2000x3xf32>
    %mul3A_218 = arith.mulf %mul3A_217, %get3A_1 : vector<2000x3xf32>
    %broadcast_in_dim3A_219 = arith.constant 0.000000e+00 : f32
    %broadcast_in_dim3A_220 = vector.broadcast %broadcast_in_dim3A_219 : f32 to vector<2000x125xf32>
    %concatenate3A = tpu.concatenate %mul3A_218, %broadcast_in_dim3A_220 in 1 : vector<2000x3xf32>, vector<2000x125xf32> -> vector<2000x128xf32>
    %swap3A = arith.constant 0 : index
    %swap3A_221 = arith.constant 0 : index
    %swap3A_222 = vector.load %arg10[%swap3A, %swap3A_221] : memref<2000x128xf32, #tpu.memory_space<vmem>>, vector<2000x128xf32>
    tpu.vector_store %arg10[%swap3A, %swap3A_221], %concatenate3A {strides = array<i32>} : memref<2000x128xf32, #tpu.memory_space<vmem>>, vector<2000x128xf32>,
    %iota3A_223 = tpu.iota {dimensions = array<i32: 0>} : vector<8x128xi32>
    %eq3A = arith.constant 0 : i32
    %eq3A_224 = vector.broadcast %eq3A : i32 to vector<8x128xi32>
    %eq3A_225 = arith.cmpi eq, %iota3A_223, %eq3A_224 : vector<8x128xi32>
    %iota3A_226 = tpu.iota {dimensions = array<i32: 1>} : vector<8x128xi32>
    %broadcast_in_dim3A_227 = arith.constant 0.000000e+00 : f32
    %broadcast_in_dim3A_228 = vector.broadcast %broadcast_in_dim3A_227 : f32 to vector<8x128xf32>
    %slice3A = vector.extract_strided_slice %get3A_1 {offsets = [0, 0], sizes = [2000, 1], strides = [1, 1]} : vector<2000x3xf32> to vector<2000x1xf32>
    %slice3A_229 = vector.extract_strided_slice %mul3A_218 {offsets = [0, 0], sizes = [2000, 1], strides = [1, 1]} : vector<2000x3xf32> to vector<2000x1xf32>
    %mul3A_230 = arith.mulf %slice3A, %slice3A_229 : vector<2000x1xf32>
    %reduce_sum3A_231 = vector.shape_cast %mul3A_230 : vector<2000x1xf32> to vector<1x2000x1xf32>
    %reduce_sum3A_232 = arith.constant dense<0.000000e+00> : vector<1xf32>
    %reduce_sum3A_233 = vector.multi_reduction <add>, %reduce_sum3A_231, %reduce_sum3A_232 [1, 2] : vector<1x2000x1xf32> to vector<1xf32>
    %reduce_sum3A_234 = vector.shape_cast %reduce_sum3A_233 : vector<1xf32> to vector<1x1x1xf32>
    %reduce_sum3A_235 = vector.extract %reduce_sum3A_234[0, 0, 0] : f32 from vector<1x1x1xf32>
    %eq3A_236 = arith.constant 0 : i32
    %eq3A_237 = vector.broadcast %eq3A_236 : i32 to vector<8x128xi32>
    %eq3A_238 = arith.cmpi eq, %iota3A_226, %eq3A_237 : vector<8x128xi32>
    %and3A = arith.andi %eq3A_225, %eq3A_238 : vector<8x128xi1>
    %jit3A_239 = arith.constant 0.000000e+00 : f32
    %broadcast_in_dim3A_240 = vector.broadcast %reduce_sum3A_235 : f32 to vector<8x128xf32>
    %broadcast_in_dim3A_241 = vector.broadcast %jit3A_239 : f32 to vector<8x128xf32>
    %select_n3A_242 = arith.select %and3A, %broadcast_in_dim3A_240, %broadcast_in_dim3A_241 : vector<8x128xi1>, vector<8x128xf32>
    %add3A_243 = arith.addf %broadcast_in_dim3A_228, %select_n3A_242 : vector<8x128xf32>
    %slice3A_244 = vector.extract_strided_slice %get3A_1 {offsets = [0, 0], sizes = [2000, 1], strides = [1, 1]} : vector<2000x3xf32> to vector<2000x1xf32>
    %slice3A_245 = vector.extract_strided_slice %mul3A_218 {offsets = [0, 1], sizes = [2000, 1], strides = [1, 1]} : vector<2000x3xf32> to vector<2000x1xf32>
    %mul3A_246 = arith.mulf %slice3A_244, %slice3A_245 : vector<2000x1xf32>
    %reduce_sum3A_247 = vector.shape_cast %mul3A_246 : vector<2000x1xf32> to vector<1x2000x1xf32>
    %reduce_sum3A_248 = arith.constant dense<0.000000e+00> : vector<1xf32>
    %reduce_sum3A_249 = vector.multi_reduction <add>, %reduce_sum3A_247, %reduce_sum3A_248 [1, 2] : vector<1x2000x1xf32> to vector<1xf32>
    %reduce_sum3A_250 = vector.shape_cast %reduce_sum3A_249 : vector<1xf32> to vector<1x1x1xf32>
    %reduce_sum3A_251 = vector.extract %reduce_sum3A_250[0, 0, 0] : f32 from vector<1x1x1xf32>
    %eq3A_252 = arith.constant 1 : i32
    %eq3A_253 = vector.broadcast %eq3A_252 : i32 to vector<8x128xi32>
    %eq3A_254 = arith.cmpi eq, %iota3A_226, %eq3A_253 : vector<8x128xi32>
    %and3A_255 = arith.andi %eq3A_225, %eq3A_254 : vector<8x128xi1>
    %jit3A_256 = arith.constant 0.000000e+00 : f32
    %broadcast_in_dim3A_257 = vector.broadcast %reduce_sum3A_251 : f32 to vector<8x128xf32>
    %broadcast_in_dim3A_258 = vector.broadcast %jit3A_256 : f32 to vector<8x128xf32>
    %select_n3A_259 = arith.select %and3A_255, %broadcast_in_dim3A_257, %broadcast_in_dim3A_258 : vector<8x128xi1>, vector<8x128xf32>
    %add3A_260 = arith.addf %add3A_243, %select_n3A_259 : vector<8x128xf32>
    %slice3A_261 = vector.extract_strided_slice %get3A_1 {offsets = [0, 0], sizes = [2000, 1], strides = [1, 1]} : vector<2000x3xf32> to vector<2000x1xf32>
    %slice3A_262 = vector.extract_strided_slice %mul3A_218 {offsets = [0, 2], sizes = [2000, 1], strides = [1, 1]} : vector<2000x3xf32> to vector<2000x1xf32>
    %mul3A_263 = arith.mulf %slice3A_261, %slice3A_262 : vector<2000x1xf32>
    %reduce_sum3A_264 = vector.shape_cast %mul3A_263 : vector<2000x1xf32> to vector<1x2000x1xf32>
    %reduce_sum3A_265 = arith.constant dense<0.000000e+00> : vector<1xf32>
    %reduce_sum3A_266 = vector.multi_reduction <add>, %reduce_sum3A_264, %reduce_sum3A_265 [1, 2] : vector<1x2000x1xf32> to vector<1xf32>
    %reduce_sum3A_267 = vector.shape_cast %reduce_sum3A_266 : vector<1xf32> to vector<1x1x1xf32>
    %reduce_sum3A_268 = vector.extract %reduce_sum3A_267[0, 0, 0] : f32 from vector<1x1x1xf32>
    %eq3A_269 = arith.constant 2 : i32
    %eq3A_270 = vector.broadcast %eq3A_269 : i32 to vector<8x128xi32>
    %eq3A_271 = arith.cmpi eq, %iota3A_226, %eq3A_270 : vector<8x128xi32>
    %and3A_272 = arith.andi %eq3A_225, %eq3A_271 : vector<8x128xi1>
    %jit3A_273 = arith.constant 0.000000e+00 : f32
    %broadcast_in_dim3A_274 = vector.broadcast %reduce_sum3A_268 : f32 to vector<8x128xf32>
    %broadcast_in_dim3A_275 = vector.broadcast %jit3A_273 : f32 to vector<8x128xf32>
    %select_n3A_276 = arith.select %and3A_272, %broadcast_in_dim3A_274, %broadcast_in_dim3A_275 : vector<8x128xi1>, vector<8x128xf32>
    %add3A_277 = arith.addf %add3A_260, %select_n3A_276 : vector<8x128xf32>
    %slice3A_278 = vector.extract_strided_slice %get3A_1 {offsets = [0, 1], sizes = [2000, 1], strides = [1, 1]} : vector<2000x3xf32> to vector<2000x1xf32>
    %slice3A_279 = vector.extract_strided_slice %mul3A_218 {offsets = [0, 0], sizes = [2000, 1], strides = [1, 1]} : vector<2000x3xf32> to vector<2000x1xf32>
    %mul3A_280 = arith.mulf %slice3A_278, %slice3A_279 : vector<2000x1xf32>
    %reduce_sum3A_281 = vector.shape_cast %mul3A_280 : vector<2000x1xf32> to vector<1x2000x1xf32>
    %reduce_sum3A_282 = arith.constant dense<0.000000e+00> : vector<1xf32>
    %reduce_sum3A_283 = vector.multi_reduction <add>, %reduce_sum3A_281, %reduce_sum3A_282 [1, 2] : vector<1x2000x1xf32> to vector<1xf32>
    %reduce_sum3A_284 = vector.shape_cast %reduce_sum3A_283 : vector<1xf32> to vector<1x1x1xf32>
    %reduce_sum3A_285 = vector.extract %reduce_sum3A_284[0, 0, 0] : f32 from vector<1x1x1xf32>
    %eq3A_286 = arith.constant 3 : i32
    %eq3A_287 = vector.broadcast %eq3A_286 : i32 to vector<8x128xi32>
    %eq3A_288 = arith.cmpi eq, %iota3A_226, %eq3A_287 : vector<8x128xi32>
    %and3A_289 = arith.andi %eq3A_225, %eq3A_288 : vector<8x128xi1>
    %jit3A_290 = arith.constant 0.000000e+00 : f32
    %broadcast_in_dim3A_291 = vector.broadcast %reduce_sum3A_285 : f32 to vector<8x128xf32>
    %broadcast_in_dim3A_292 = vector.broadcast %jit3A_290 : f32 to vector<8x128xf32>
    %select_n3A_293 = arith.select %and3A_289, %broadcast_in_dim3A_291, %broadcast_in_dim3A_292 : vector<8x128xi1>, vector<8x128xf32>
    %add3A_294 = arith.addf %add3A_277, %select_n3A_293 : vector<8x128xf32>
    %slice3A_295 = vector.extract_strided_slice %get3A_1 {offsets = [0, 1], sizes = [2000, 1], strides = [1, 1]} : vector<2000x3xf32> to vector<2000x1xf32>
    %slice3A_296 = vector.extract_strided_slice %mul3A_218 {offsets = [0, 1], sizes = [2000, 1], strides = [1, 1]} : vector<2000x3xf32> to vector<2000x1xf32>
    %mul3A_297 = arith.mulf %slice3A_295, %slice3A_296 : vector<2000x1xf32>
    %reduce_sum3A_298 = vector.shape_cast %mul3A_297 : vector<2000x1xf32> to vector<1x2000x1xf32>
    %reduce_sum3A_299 = arith.constant dense<0.000000e+00> : vector<1xf32>
    %reduce_sum3A_300 = vector.multi_reduction <add>, %reduce_sum3A_298, %reduce_sum3A_299 [1, 2] : vector<1x2000x1xf32> to vector<1xf32>
    %reduce_sum3A_301 = vector.shape_cast %reduce_sum3A_300 : vector<1xf32> to vector<1x1x1xf32>
    %reduce_sum3A_302 = vector.extract %reduce_sum3A_301[0, 0, 0] : f32 from vector<1x1x1xf32>
    %eq3A_303 = arith.constant 4 : i32
    %eq3A_304 = vector.broadcast %eq3A_303 : i32 to vector<8x128xi32>
    %eq3A_305 = arith.cmpi eq, %iota3A_226, %eq3A_304 : vector<8x128xi32>
    %and3A_306 = arith.andi %eq3A_225, %eq3A_305 : vector<8x128xi1>
    %jit3A_307 = arith.constant 0.000000e+00 : f32
    %broadcast_in_dim3A_308 = vector.broadcast %reduce_sum3A_302 : f32 to vector<8x128xf32>
    %broadcast_in_dim3A_309 = vector.broadcast %jit3A_307 : f32 to vector<8x128xf32>
    %select_n3A_310 = arith.select %and3A_306, %broadcast_in_dim3A_308, %broadcast_in_dim3A_309 : vector<8x128xi1>, vector<8x128xf32>
    %add3A_311 = arith.addf %add3A_294, %select_n3A_310 : vector<8x128xf32>
    %slice3A_312 = vector.extract_strided_slice %get3A_1 {offsets = [0, 1], sizes = [2000, 1], strides = [1, 1]} : vector<2000x3xf32> to vector<2000x1xf32>
    %slice3A_313 = vector.extract_strided_slice %mul3A_218 {offsets = [0, 2], sizes = [2000, 1], strides = [1, 1]} : vector<2000x3xf32> to vector<2000x1xf32>
    %mul3A_314 = arith.mulf %slice3A_312, %slice3A_313 : vector<2000x1xf32>
    %reduce_sum3A_315 = vector.shape_cast %mul3A_314 : vector<2000x1xf32> to vector<1x2000x1xf32>
    %reduce_sum3A_316 = arith.constant dense<0.000000e+00> : vector<1xf32>
    %reduce_sum3A_317 = vector.multi_reduction <add>, %reduce_sum3A_315, %reduce_sum3A_316 [1, 2] : vector<1x2000x1xf32> to vector<1xf32>
    %reduce_sum3A_318 = vector.shape_cast %reduce_sum3A_317 : vector<1xf32> to vector<1x1x1xf32>
    %reduce_sum3A_319 = vector.extract %reduce_sum3A_318[0, 0, 0] : f32 from vector<1x1x1xf32>
    %eq3A_320 = arith.constant 5 : i32
    %eq3A_321 = vector.broadcast %eq3A_320 : i32 to vector<8x128xi32>
    %eq3A_322 = arith.cmpi eq, %iota3A_226, %eq3A_321 : vector<8x128xi32>
    %and3A_323 = arith.andi %eq3A_225, %eq3A_322 : vector<8x128xi1>
    %jit3A_324 = arith.constant 0.000000e+00 : f32
    %broadcast_in_dim3A_325 = vector.broadcast %reduce_sum3A_319 : f32 to vector<8x128xf32>
    %broadcast_in_dim3A_326 = vector.broadcast %jit3A_324 : f32 to vector<8x128xf32>
    %select_n3A_327 = arith.select %and3A_323, %broadcast_in_dim3A_325, %broadcast_in_dim3A_326 : vector<8x128xi1>, vector<8x128xf32>
    %add3A_328 = arith.addf %add3A_311, %select_n3A_327 : vector<8x128xf32>
    %slice3A_329 = vector.extract_strided_slice %get3A_1 {offsets = [0, 2], sizes = [2000, 1], strides = [1, 1]} : vector<2000x3xf32> to vector<2000x1xf32>
    %slice3A_330 = vector.extract_strided_slice %mul3A_218 {offsets = [0, 0], sizes = [2000, 1], strides = [1, 1]} : vector<2000x3xf32> to vector<2000x1xf32>
    %mul3A_331 = arith.mulf %slice3A_329, %slice3A_330 : vector<2000x1xf32>
    %reduce_sum3A_332 = vector.shape_cast %mul3A_331 : vector<2000x1xf32> to vector<1x2000x1xf32>
    %reduce_sum3A_333 = arith.constant dense<0.000000e+00> : vector<1xf32>
    %reduce_sum3A_334 = vector.multi_reduction <add>, %reduce_sum3A_332, %reduce_sum3A_333 [1, 2] : vector<1x2000x1xf32> to vector<1xf32>
    %reduce_sum3A_335 = vector.shape_cast %reduce_sum3A_334 : vector<1xf32> to vector<1x1x1xf32>
    %reduce_sum3A_336 = vector.extract %reduce_sum3A_335[0, 0, 0] : f32 from vector<1x1x1xf32>
    %eq3A_337 = arith.constant 6 : i32
    %eq3A_338 = vector.broadcast %eq3A_337 : i32 to vector<8x128xi32>
    %eq3A_339 = arith.cmpi eq, %iota3A_226, %eq3A_338 : vector<8x128xi32>
    %and3A_340 = arith.andi %eq3A_225, %eq3A_339 : vector<8x128xi1>
    %jit3A_341 = arith.constant 0.000000e+00 : f32
    %broadcast_in_dim3A_342 = vector.broadcast %reduce_sum3A_336 : f32 to vector<8x128xf32>
    %broadcast_in_dim3A_343 = vector.broadcast %jit3A_341 : f32 to vector<8x128xf32>
    %select_n3A_344 = arith.select %and3A_340, %broadcast_in_dim3A_342, %broadcast_in_dim3A_343 : vector<8x128xi1>, vector<8x128xf32>
    %add3A_345 = arith.addf %add3A_328, %select_n3A_344 : vector<8x128xf32>
    %slice3A_346 = vector.extract_strided_slice %get3A_1 {offsets = [0, 2], sizes = [2000, 1], strides = [1, 1]} : vector<2000x3xf32> to vector<2000x1xf32>
    %slice3A_347 = vector.extract_strided_slice %mul3A_218 {offsets = [0, 1], sizes = [2000, 1], strides = [1, 1]} : vector<2000x3xf32> to vector<2000x1xf32>
    %mul3A_348 = arith.mulf %slice3A_346, %slice3A_347 : vector<2000x1xf32>
    %reduce_sum3A_349 = vector.shape_cast %mul3A_348 : vector<2000x1xf32> to vector<1x2000x1xf32>
    %reduce_sum3A_350 = arith.constant dense<0.000000e+00> : vector<1xf32>
    %reduce_sum3A_351 = vector.multi_reduction <add>, %reduce_sum3A_349, %reduce_sum3A_350 [1, 2] : vector<1x2000x1xf32> to vector<1xf32>
    %reduce_sum3A_352 = vector.shape_cast %reduce_sum3A_351 : vector<1xf32> to vector<1x1x1xf32>
    %reduce_sum3A_353 = vector.extract %reduce_sum3A_352[0, 0, 0] : f32 from vector<1x1x1xf32>
    %eq3A_354 = arith.constant 7 : i32
    %eq3A_355 = vector.broadcast %eq3A_354 : i32 to vector<8x128xi32>
    %eq3A_356 = arith.cmpi eq, %iota3A_226, %eq3A_355 : vector<8x128xi32>
    %and3A_357 = arith.andi %eq3A_225, %eq3A_356 : vector<8x128xi1>
    %jit3A_358 = arith.constant 0.000000e+00 : f32
    %broadcast_in_dim3A_359 = vector.broadcast %reduce_sum3A_353 : f32 to vector<8x128xf32>
    %broadcast_in_dim3A_360 = vector.broadcast %jit3A_358 : f32 to vector<8x128xf32>
    %select_n3A_361 = arith.select %and3A_357, %broadcast_in_dim3A_359, %broadcast_in_dim3A_360 : vector<8x128xi1>, vector<8x128xf32>
    %add3A_362 = arith.addf %add3A_345, %select_n3A_361 : vector<8x128xf32>
    %slice3A_363 = vector.extract_strided_slice %get3A_1 {offsets = [0, 2], sizes = [2000, 1], strides = [1, 1]} : vector<2000x3xf32> to vector<2000x1xf32>
    %slice3A_364 = vector.extract_strided_slice %mul3A_218 {offsets = [0, 2], sizes = [2000, 1], strides = [1, 1]} : vector<2000x3xf32> to vector<2000x1xf32>
    %mul3A_365 = arith.mulf %slice3A_363, %slice3A_364 : vector<2000x1xf32>
    %reduce_sum3A_366 = vector.shape_cast %mul3A_365 : vector<2000x1xf32> to vector<1x2000x1xf32>
    %reduce_sum3A_367 = arith.constant dense<0.000000e+00> : vector<1xf32>
    %reduce_sum3A_368 = vector.multi_reduction <add>, %reduce_sum3A_366, %reduce_sum3A_367 [1, 2] : vector<1x2000x1xf32> to vector<1xf32>
    %reduce_sum3A_369 = vector.shape_cast %reduce_sum3A_368 : vector<1xf32> to vector<1x1x1xf32>
    %reduce_sum3A_370 = vector.extract %reduce_sum3A_369[0, 0, 0] : f32 from vector<1x1x1xf32>
    %eq3A_371 = arith.constant 8 : i32
    %eq3A_372 = vector.broadcast %eq3A_371 : i32 to vector<8x128xi32>
    %eq3A_373 = arith.cmpi eq, %iota3A_226, %eq3A_372 : vector<8x128xi32>
    %and3A_374 = arith.andi %eq3A_225, %eq3A_373 : vector<8x128xi1>
    %jit3A_375 = arith.constant 0.000000e+00 : f32
    %broadcast_in_dim3A_376 = vector.broadcast %reduce_sum3A_370 : f32 to vector<8x128xf32>
    %broadcast_in_dim3A_377 = vector.broadcast %jit3A_375 : f32 to vector<8x128xf32>
    %select_n3A_378 = arith.select %and3A_374, %broadcast_in_dim3A_376, %broadcast_in_dim3A_377 : vector<8x128xi1>, vector<8x128xf32>
    %add3A_379 = arith.addf %add3A_362, %select_n3A_378 : vector<8x128xf32>
    %eq3A_380 = arith.constant 0 : i32
    %eq3A_381 = arith.cmpi eq, %arg0, %eq3A_380 : i32
    %convert_element_type3A_382 = arith.extui %eq3A_381 : i1 to i32
    %cond3A = arith.constant 0 : i32
    %cond3A_383 = arith.cmpi ne, %convert_element_type3A_382, %cond3A : i32
    scf.if %cond3A_383 {
      %swap3A_388 = arith.constant 0 : index
      %swap3A_389 = arith.constant 0 : index
      %swap3A_390 = vector.load %arg11[%swap3A_388, %swap3A_389] : memref<8x128xf32, #tpu.memory_space<vmem>>, vector<8x128xf32>
      tpu.vector_store %arg11[%swap3A_388, %swap3A_389], %add3A_379 {strides = array<i32>} : memref<8x128xf32, #tpu.memory_space<vmem>>, vector<8x128xf32>,
    } else {
    }
    %gt3A = arith.constant 0 : i32
    %gt3A_384 = arith.cmpi sgt, %arg0, %gt3A : i32
    %convert_element_type3A_385 = arith.extui %gt3A_384 : i1 to i32
    %cond3A_386 = arith.constant 0 : i32
    %cond3A_387 = arith.cmpi ne, %convert_element_type3A_385, %cond3A_386 : i32
    scf.if %cond3A_387 {
      %get3A_388 = arith.constant 0 : index
      %get3A_389 = arith.constant 0 : index
      %get3A_390 = vector.load %arg11[%get3A_388, %get3A_389] : memref<8x128xf32, #tpu.memory_space<vmem>>, vector<8x128xf32>
      %add3A_391 = arith.addf %get3A_390, %add3A_379 : vector<8x128xf32>
      %swap3A_392 = arith.constant 0 : index
      %swap3A_393 = arith.constant 0 : index
      %swap3A_394 = vector.load %arg11[%swap3A_392, %swap3A_393] : memref<8x128xf32, #tpu.memory_space<vmem>>, vector<8x128xf32>
      tpu.vector_store %arg11[%swap3A_392, %swap3A_393], %add3A_391 {strides = array<i32>} : memref<8x128xf32, #tpu.memory_space<vmem>>, vector<8x128xf32>,
    } else {
    }
    return
  }
  func.func @transform_0(%arg0: i32) -> (i32, i32) {
    %c0_i32 = arith.constant 0 : i32
    %c0_i32_0 = arith.constant 0 : i32
    return %arg0, %c0_i32 : i32, i32
  }
  func.func @transform_1(%arg0: i32) -> (i32, i32) {
    %c0_i32 = arith.constant 0 : i32
    %c0_i32_0 = arith.constant 0 : i32
    return %arg0, %c0_i32 : i32, i32
  }
  func.func @transform_2(%arg0: i32) -> (i32, i32) {
    %c0_i32 = arith.constant 0 : i32
    %c0_i32_0 = arith.constant 0 : i32
    return %arg0, %c0_i32 : i32, i32
  }
  func.func @transform_3(%arg0: i32) -> (i32, i32, i32) {
    %c0_i32 = arith.constant 0 : i32
    %c0_i32_0 = arith.constant 0 : i32
    %c0_i32_1 = arith.constant 0 : i32
    %c0_i32_2 = arith.constant 0 : i32
    return %c0_i32, %c0_i32_0, %c0_i32_1 : i32, i32, i32
  }
  func.func @transform_4(%arg0: i32) -> (i32, i32) {
    %c0_i32 = arith.constant 0 : i32
    %c0_i32_0 = arith.constant 0 : i32
    %c0_i32_1 = arith.constant 0 : i32
    return %c0_i32, %c0_i32_0 : i32, i32
  }
  func.func @transform_5(%arg0: i32) -> (i32, i32, i32) {
    %c0_i32 = arith.constant 0 : i32
    %c0_i32_0 = arith.constant 0 : i32
    %c0_i32_1 = arith.constant 0 : i32
    %c0_i32_2 = arith.constant 0 : i32
    return %c0_i32, %c0_i32_0, %c0_i32_1 : i32, i32, i32
  }
  func.func @transform_6(%arg0: i32) -> (i32, i32) {
    %c0_i32 = arith.constant 0 : i32
    %c0_i32_0 = arith.constant 0 : i32
    %c0_i32_1 = arith.constant 0 : i32
    return %c0_i32, %c0_i32_0 : i32, i32
  }
  func.func @transform_7(%arg0: i32) -> (i32, i32, i32) {
    %c0_i32 = arith.constant 0 : i32
    %c0_i32_0 = arith.constant 0 : i32
    %c0_i32_1 = arith.constant 0 : i32
    %c0_i32_2 = arith.constant 0 : i32
    return %c0_i32, %c0_i32_0, %c0_i32_1 : i32, i32, i32
  }
  func.func @transform_8(%arg0: i32) -> (i32, i32, i32) {
    %c0_i32 = arith.constant 0 : i32
    %c0_i32_0 = arith.constant 0 : i32
    %c0_i32_1 = arith.constant 0 : i32
    %c0_i32_2 = arith.constant 0 : i32
    return %c0_i32, %c0_i32_0, %c0_i32_1 : i32, i32, i32
  }
  func.func @transform_9(%arg0: i32) -> (i32, i32) {
    %c0_i32 = arith.constant 0 : i32
    %c0_i32_0 = arith.constant 0 : i32
    return %arg0, %c0_i32 : i32, i32
  }
  func.func @transform_10(%arg0: i32) -> (i32, i32) {
    %c0_i32 = arith.constant 0 : i32
    %c0_i32_0 = arith.constant 0 : i32
    %c0_i32_1 = arith.constant 0 : i32
    return %c0_i32, %c0_i32_0 : i32, i32
  }
}

</mosaic_0001>

<sc_bundles>
// kernel: kernel.13.cloned.1.call-start
scs
__scs_entry_jumppad:
0x0: {  	(pc) =	sbr.rel $0x88, $3  }
0x1: {  	(tag) =	ssettag $0x0;
	lr =	simm.s32 $0x1  }
0x2: {  	[smem:$0x3F92] =	sst lr;
	_ =	strace $0xD0000000  }
0x3: {  	_ = 	snop  }
0x4: {  	_ = 	snop  }
0x5: {  	_ = 	snop  }
0x6: {  	_ = 	snop  }
0x7: {  	_ = 	snop  }
__scs_overlays_trampoline_lowered:
0x8: {  	[smem:$0x3FA1] =	sst s0  }
0x9: {  	[smem:$0x3FA2] =	sst s1  }
0xa: {  	[smem:$0x3FA3] =	sst s2  }
0xb: {  	[smem:$0x3FA4] =	sst s3  }
0xc: {  	[smem:$0x3FA5] =	sst s4  }
0xd: {  	[smem:$0x3FA6] =	sst s5  }
0xe: {  	[smem:$0x3FA7] =	sst s6  }
0xf: {  	[smem:$0x3FA8] =	sst s7  }
0x10: {  	[smem:$0x3FA9] =	sst s8  }
0x11: {  	[smem:$0x3FAA] =	sst s9;
	s0 =	simm.s32 @!p0 $0x0  }
0x12: {  	s1 =	sld [smem:$0x3F90];
	s0 =	simm.s32 @p0 $0x1  }
0x13: {  	[smem:$0x3FAB] =	sst s0;
	s0 =	simm.s32 @!p1 $0x0  }
0x14: {  	s2 =	sld [smem:$0x3F8F];
	s0 =	simm.s32 @p1 $0x1  }
0x15: {  	[smem:$0x3FAC] =	sst s0;
	s0 =	simm.s32 @!p2 $0x0  }
0x16: {  	s3 =	sld [smem:$0x3FDB];
	s0 =	simm.s32 @p2 $0x1  }
0x17: {  	s4 =	simm.s32 $0x1BF5;
	[smem:$0x3FAE] =	sst s0  }
0x18: {  	s0 =	sld [smem:$0x3F91];
	_ =	swait.ge [sflag:s4], $0x0  }
0x19: {  	s7 =	sld [smem:$0x3F92]  }
0x1a: {  	s8 =	sadd.s32 $0xFFFFE003, lr  }
0x1b: {  	s9 =	sadd.s32 $0xFFFFFEF7, lr;
	s5 =	simm.s32 $0xFFFFFFFF;
	p2 =	slt.u32 s8, $0xFFFFF086  }
0x1c: {  	p1 =	slt.u32 s9, $0xF7A;
	s5 =	simm.s32 @!p2 $0x0  }
0x1d: {  	s5 =	simm.s32 @p1 $0x1;
	p0 =	seq.s32 s7, s2  }
0x1e: {  	s7 =	smul.u32 @!p0 $0xF7A, s2;
	p2 =	seq.s32 @!p0 s5, $0x0  }
0x1f: {  	s9 =	smul.u32 $0xF7A, s1;
	s8 =	simm.s32 @!p0 $0x1BF5;
	p2 =	por !p2, p0  }
0x20: {  	[sflag:s8] =	ssyncset.s32 @!p0 $0xFFFFF086;
	s6 =	sadd.s32 @!p0 s3, s7;
	s7 =	simm.s32 @!p0 $0x108  }
0x21: {  	s3 =	sadd.s32 s3, s9;
	s6 =	sadd.s32 @!p0 $0x88, s6;
	s7 =	simm.s32 @p2 $0x1082  }
0x22: {  	[simem:s7], [sflag:s8] =	dma.local @!p0 [hbm:s6], $0xF7A  }
0x23: {  	s9 =	sor.u32 $0xD0000000, s2;
	s6 =	simm.s32 $0x108;
	_ =	swait.ge @!p0 [sflag:s8], $0x0  }
0x24: {  	s3 =	sadd.s32 $0x88, s3;
	s6 =	simm.s32 @!p1 $0x1082;
	[sflag:s4] =	ssyncset.s32 $0xFFFFF086  }
0x25: {  	[simem:s6], [sflag:s4] =	dma.local [hbm:s3], $0xF7A  }
0x26: {  	[smem:$0x3F92] =	sst s1;
	(tag) =	ssettag s2;
	_ =	strace s9  }
0x27: {  	s1 =	sld [smem:$0x3FA2]  }
0x28: {  	s2 =	sld [smem:$0x3FA3]  }
0x29: {  	s4 =	sld [smem:$0x3FA5]  }
0x2a: {  	p0 =	seq.s32 s5, $0x0;
	s5 =	sld [smem:$0x3FA6]  }
0x2b: {  	s6 =	sld [smem:$0x3FA7]  }
0x2c: {  	s7 =	sld [smem:$0x3FA8]  }
0x2d: {  	s3 =	simm.s32 $0x108;
	s8 =	sld [smem:$0x3FA9]  }
0x2e: {  	s3 =	simm.s32 @!p0 $0x1082;
	s9 =	sld [smem:$0x3FAA]  }
0x2f: {  	lr =	sadd.s32 s0, s3;
	s0 =	sld [smem:$0x3FA1]  }
0x30: {  	s3 =	sld [smem:$0x3FA4]  }
0x31: {  	[smem:$0x3FAD] =	sst s10  }
0x32: {  	s10 =	sld [smem:$0x3FAB];
	_ =	sdelay $0x3  }
0x33: {  	p0 =	seq.s32 s10, $0x1;
	s10 =	sld [smem:$0x3FAD];
	_ =	sdelay $0x3  }
0x34: {  	[smem:$0x3FAD] =	sst s10  }
0x35: {  	s10 =	sld [smem:$0x3FAC];
	_ =	sdelay $0x3  }
0x36: {  	p1 =	seq.s32 s10, $0x1;
	s10 =	sld [smem:$0x3FAD];
	_ =	sdelay $0x3  }
0x37: {  	[smem:$0x3FAD] =	sst s10  }
0x38: {  	s10 =	sld [smem:$0x3FAE]  }
0x39: {  	_ = 	snop;
	(pc) =	sbr.ind lr, $3  }
0x3a: {  	_ = 	snop  }
0x3b: {  	_ = 	snop  }
0x3c: {  	p2 =	seq.s32 s10, $0x1;
	s10 =	sld [smem:$0x3FAD]  }
0x3d: {  	_ =	shalt  }
0x3e: {  	_ =	shalt  }
0x3f: {  	_ =	shalt  }
0x40: {  	_ =	shalt  }
0x41: {  	_ =	shalt  }
0x42: {  	_ =	shalt  }
0x43: {  	_ =	shalt  }
0x44: {  	_ =	shalt  }
0x45: {  	_ =	shalt  }
0x46: {  	_ =	shalt  }
0x47: {  	_ =	shalt  }
0x48: {  	_ =	shalt  }
0x49: {  	_ =	shalt  }
0x4a: {  	_ =	shalt  }
0x4b: {  	_ =	shalt  }
0x4c: {  	_ =	shalt  }
0x4d: {  	_ =	shalt  }
0x4e: {  	_ =	shalt  }
0x4f: {  	_ =	shalt  }
0x50: {  	_ =	shalt  }
0x51: {  	_ =	shalt  }
0x52: {  	_ =	shalt  }
0x53: {  	_ =	shalt  }
0x54: {  	_ =	shalt  }
0x55: {  	_ =	shalt  }
0x56: {  	_ =	shalt  }
0x57: {  	_ =	shalt  }
0x58: {  	_ =	shalt  }
0x59: {  	_ =	shalt  }
0x5a: {  	_ =	shalt  }
0x5b: {  	_ =	shalt  }
0x5c: {  	_ =	shalt  }
0x5d: {  	_ =	shalt  }
0x5e: {  	_ =	shalt  }
0x5f: {  	_ =	shalt  }
0x60: {  	_ =	shalt  }
0x61: {  	_ =	shalt  }
0x62: {  	_ =	shalt  }
0x63: {  	_ =	shalt  }
0x64: {  	_ =	shalt  }
0x65: {  	_ =	shalt  }
0x66: {  	_ =	shalt  }
0x67: {  	_ =	shalt  }
0x68: {  	_ =	shalt  }
0x69: {  	_ =	shalt  }
0x6a: {  	_ =	shalt  }
0x6b: {  	_ =	shalt  }
0x6c: {  	_ =	shalt  }
0x6d: {  	_ =	shalt  }
0x6e: {  	_ =	shalt  }
0x6f: {  	_ =	shalt  }
0x70: {  	_ =	shalt  }
0x71: {  	_ =	shalt  }
0x72: {  	_ =	shalt  }
0x73: {  	_ =	shalt  }
0x74: {  	_ =	shalt  }
0x75: {  	_ =	shalt  }
0x76: {  	_ =	shalt  }
0x77: {  	_ =	shalt  }
0x78: {  	_ =	shalt  }
0x79: {  	_ =	shalt  }
0x7a: {  	_ =	shalt  }
0x7b: {  	_ =	shalt  }
0x7c: {  	_ =	shalt  }
0x7d: {  	_ =	shalt  }
0x7e: {  	_ =	shalt  }
0x7f: {  	_ =	shalt  }
0x80: {  	_ =	shalt  }
0x81: {  	_ =	shalt  }
0x82: {  	_ =	shalt  }
0x83: {  	_ =	shalt  }
0x84: {  	_ =	shalt  }
0x85: {  	_ =	shalt  }
0x86: {  	_ =	shalt  }
0x87: {  	_ =	shalt  }
.Lfunc_end0:
.L_simem_size_0:
called_computation_lowered:
.L_overlay_start_0:
0x88: {  	s2 =	sld [smem:$0x3FD9]  }
0x89: {  	s3 =	sld [smem:$0x3FFE];
	_ =	sdelay $0x1  }
0x8a: {  	s1 =	srdreg.scid  }
0x8b: {  	s0 =	sand.u32 $0x1, s1  }
0x8c: {  	s16 =	sshll.u32 s0, $0xA;
	s2 =	sadd.s32 s3, s2  }
0x8d: {  	s2 =	sadd.s32 s2, s16  }
0x8e: {  	[smem:$0x3FB9] =	sst s2  }
0x8f: {  	_ = 	snop  }
0x90: {  	(tm) =	ssettm $0x1  }
0x91: {  	s17 =	sld [smem:$0x3FFB];
	_ =	sdelay $0x3  }
0x92: {  	_ =	strace s17  }
0x93: {  	s2 =	sld [smem:$0x3FFC];
	_ =	sdelay $0x3  }
0x94: {  	_ =	strace s2  }
0x95: {  	s2 =	sld [smem:$0x3FFD];
	_ =	sdelay $0x3  }
0x96: {  	_ =	strace s2  }
0x97: {  	_ =	strace $0x8FFFFFFF  }
0x98: {  	s18 =	sld [smem:$0x3FDB];
	_ =	sdelay $0x1  }
0x99: {  	s19 =	simm.s32 $_scs_section_size  }
0x9a: {  	s4 =	simm.s32 $_size__tile_overlayer_lowered;
	s5 =	simm.s32 $_tile_overlayer_lowered  }
0x9b: {  	s22 =	simm.s32 $0x1BFF;
	s21 =	sshll.u32 s5, $0x1;
	s2 =	sadd.s32 s19, s18  }
0x9c: {  	s6 =	simm.s32 $0x0;
	s20 =	sshll.u32 s4, $0x1;
	s4 =	sadd.s32 s21, s2  }
0x9d: {  	[timem:s6], [sflag:s22] =	dma.local [hbm:s4], s20  }
0x9e: {  	_ =	swait.ge [sflag:s22], s20  }
0x9f: {  	s3 =	ssub.s32 $0x0, s20;
	[sflag:s22] =	ssyncset.done $0x0  }
0xa0: {  	[sflag:s22] =	ssyncadd.s32 s3;
	_ =	sdelay $0x1  }
0xa1: {  	s23 =	simm.s32 $0x1B8B  }
0xa2: {  	_ =	swait.ge [sflag:s23], $0x1  }
0xa3: {  	[sflag:s23] =	ssyncset.done $0x0  }
0xa4: {  	s25 =	simm.s32 $0x1B8E;
	s24 =	sld [smem:$0x3FFE];
	[sflag:s23] =	ssyncadd.s32 $0xFFFFFFFF  }
0xa5: {  	s26 =	simm.s32 $execute0_lowered;
	[smem:$0x3FD2] =	sst s25  }
0xa6: {  	s4 =	sshll.u32 s26, $0x1;
	_ =	strace $0x80000046;
	[dreg:$0x1] =	wrdreg $0xFFFFFFFF  }
0xa7: {  	s28 =	simm.s32 $_size_execute0_lowered;
	s2 =	sadd.s32 s2, s4;
	[dreg:$0x0] =	wrdreg $0x0  }
0xa8: {  	s4 =	sshll.u32 s28, $0x1;
	[dreg:$0x2] =	wrdreg s2  }
0xa9: {  	[dreg:$0x3] =	wrdreg s4  }
0xaa: {  	[dreg:$0x4] =	wrdreg $0xC0  }
0xab: {  	_ =	task [dreg:s6], $0x5FFFF  }
0xac: {  	[dreg:$0x1] =	wrdreg $0xFFFFFFFF  }
0xad: {  	[dreg:$0x0] =	wrdreg $0x60  }
0xae: {  	[dreg:$0x2] =	wrdreg s24  }
0xaf: {  	[dreg:$0x3] =	wrdreg $0x51000  }
0xb0: {  	[dreg:$0x4] =	wrdreg $0x9  }
0xb1: {  	_ =	task.clear_ibuf [dreg:s6], $0x5FFFF;
	_ =	strace $0x90000046  }
0xb2: {  	s29 =	simm.s32 $0x9;
	_ =	strace $0x80000048  }
0xb3: {  	_ =	swait.ge [sflag:s29], $0x1  }
0xb4: {  	[sflag:s29] =	ssyncadd.s32 $0xFFFFFFFF  }
0xb5: {  	_ =	strace $0x90000048  }
0xb6: {  	_ =	sfence  }
0xb7: {  	s30 =	sld [smem:$0x0];
	_ =	sdelay $0x2  }
0xb8: {  	s31 =	sshll.u32 s1, $0xD;
	s1 =	sshrl.u32 s1, $0x2  }
0xb9: {  	s3 =	sand.u32 $0x4000, s31;
	s1 =	sadd.s32 s1, s30  }
0xba: {  	s0 =	sor.u32 s3, s0;
	s1 =	sshll.u32 s1, $0x11  }
0xbb: {  	s0 =	sor.u32 s1, s0  }
0xbc: {  	s0 =	sadd.s32 $0x8F2B, s0  }
0xbd: {  	[sflag:s0] =	ssyncadd.remote.s32 $0x1  }
0xbe: {  	_ =	sfence.sel $0xFFFF  }
0xbf: {  	[dreg:$0x0] =	wrdreg $0xFFFFFFFF;
	(pc) =	sbr.abs _section_cstart, $3  }
0xc0: {  	[dreg:$0x1] =	wrdreg $0xFFFFFFFF  }
0xc1: {  	_ =	task.clear_ibuf [dreg:s6], $0x2FFFF;
	_ =	strace $0x9FFFFFFF  }
0xc2: {  	(tm) =	ssettm $0x7FFFFFFF  }
0xc3: {  	_ =	shalt  }
tec
execute0_lowered:
.L_overlay_start_1:
0x0: {  	(tag) =	ssettag $0x1  }
0x1: {  	s10 =	rddreg [dreg:$0x0]  }
0x2: {  	s1 =	rddreg [dreg:$0x1]  }
0x3: {  	s0 =	rddreg [dreg:$0x2];
	s3 =	simm.s32 $0x0;
	s2 =	stileid.u32  }
0x4: {  	s7 =	srdreg.scid;
	s19 =	simm.s32 $0x2900;
	s20 =	simm.s32 $0x50  }
0x5: {  	s21 =	simm.s32 $0x100;
	s22 =	simm.s32 $0x1;
	s23 =	simm.s32 $0x0  }
0x6: {  	s29 =	simm.s32 $0x0;
	[smem:$0x7FF] =	sst s3;
	s4 =	sadd.s32 $0x4FD800, s10  }
0x7: {  	s11 =	smul.u32 $0x13800, s2;
	s5 =	sadd.s32 $0x54BC00, s10;
	s6 =	sadd.s32 $0x11A00, s10  }
0x8: {  	s8 =	sand.u32 $0x1, s7;
	s7 =	sadd.s32 $0x7C00, s10;
	s14 =	smul.u32 $0x4E000, s2  }
0x9: {  	s15 =	sadd.s32 $0xF36E00, s10;
	s24 =	sshll.u32 s2, $0x1;
	s28 =	sshll.u32 s2, $0x6  }
0xa: {  	s18 =	sadd.s32 $0x138000, s1;
	p0 =	sne.s32 s2, $0xF;
	_ =	strace $0x80000047  }
0xb: {  	s12 =	ssub.s32 $0x2, s8;
	s26 =	smul.u32 $0x138800, s8;
	s9 =	sshrl.u32 s11, $0x3  }
0xc: {  	s13 =	sshrl.u32 s12, $0x1;
	s25 =	sshrl.u32 s14, $0x2;
	s9 =	sadd.s32 s9, s10  }
0xd: {  	s16 =	ssub.s32 s12, s13;
	s12 =	sor.u32 s8, s24;
	s17 =	sadd.s32 s25, s1  }
0xe: {  	s11 =	sadd.s32 s11, s26;
	s10 =	sadd.s32 $0xF36C00, s10;
	s14 =	sshrl.u32 s26, $0x3  }
0xf: {  	s8 =	sadd.s32 $0xF0FC00, s9;
	s9 =	sor.u32 $0x1C02, s28;
	s30 =	sshrl.u32 s11, $0x3  }
0x10: {  	s11 =	smul.u32 $0x2710, s12;
	s31 =	sadd.s32 s15, s14;
	s14 =	smax.u32 s16, $0x1  }
0x11: {  	s16 =	simm.s32 $0x2;
	s12 =	sadd.s32 s15, s30;
	s13 =	sadd.s32 $0x27000, s31  }
0x12: {  	s15 =	sshrl.u32 s17, $0x3;
	s17 =	sshrl.u32 @!p0 s18, $0x3;
	s18 =	simm.s32 $0x80  }
.LBB2_1:
0x13: {  	[spmem:s15], [sflag:s9] =	dma.local [hbm:s8], $0x2700  }
0x14: {  	_ =	swait.ge [sflag:s16], $0x2700  }
0x15: {  	[sflag:s16] =	ssyncset.done $0x0  }
0x16: {  	s24 =	simm.s32 @!p0 $0x2;
	[sflag:s16] =	ssyncadd.s32 $0xFFFFD900  }
0x17: {  	[spmem:s17], [sflag:s9] =	dma.local @!p0 [hbm:s10], $0x100  }
0x18: {  	_ =	swait.ge @!p0 [sflag:s24], $0x100  }
0x19: {  	[sflag:s24] =	ssyncset.done @!p0 $0x0  }
0x1a: {  	[sflag:s24] =	ssyncadd.s32 @!p0 $0xFFFFFF00  }
0x1b: {  	s24 =	simm.s32 $0x0;
	[bflag:$0x0] =	sbarrier.arrive $0xFFFF  }
.LBB2_2:
0x1c: {  	s25 =	smul.u32 $0x50, s24;
	_ =	sdelay $0x1  }
0x1d: {  	s25 =	sadd.s32 s11, s25  }
0x1e: {  	s26 =	sshrl.u32 s25, $0x3  }
0x1f: {  	s28 =	sadd.s32 s6, s26  }
0x20: {  	[tilespmem:s29], [sflag:$0x2] =	stream.linear.gather [hbm4b:s28+s29], $0x50, $0x38;
	[tilespmem:$0x18980] =	vst v63  }
0x21: {  	_ =	swait.ge [sflag:s16], $0x50  }
0x22: {  	[sflag:s16] =	ssyncset.done $0x0  }
0x23: {  	s26 =	sadd.s32 s7, s26;
	[sflag:s16] =	ssyncadd.s32 $0xFFFFFFB0  }
0x24: {  	[tilespmem:s18], [sflag:$0x2] =	stream.linear.gather [hbm4b:s26+s29], $0x50, $0x38;
	[tilespmem:$0x18980] =	vst v63  }
0x25: {  	_ =	swait.ge [sflag:s16], $0x50  }
0x26: {  	s25 =	sshll.u32 s25, $0x4;
	[sflag:s16] =	ssyncset.done $0x0  }
0x27: {  	s25 =	sadd.s32 s5, s25;
	[sflag:s16] =	ssyncadd.s32 $0xFFFFFFB0  }
0x28: {  	[tilespmem:s19], [sflag:$0x2] =	stream.linear.gather [hbm4b:s25+s29], $0x2800, $0x38;
	[tilespmem:$0x18980] =	vst v63  }
0x29: {  	_ =	swait.ge [sflag:s16], $0x2800  }
0x2a: {  	[sflag:s16] =	ssyncset.done $0x0  }
0x2b: {  	[sflag:s16] =	ssyncadd.s32 $0xFFFFD800  }
0x2c: {  	[tilespmem:s21], [sflag:$0x1] =	stream.indirect.gather [hbm4b:s4+s20], $0x80, s18, s20, $0xb8;
	[tilespmem:$0x18980] =	vst v63  }
0x2d: {  	_ =	swait.ge [sflag:s22], $0x2800  }
0x2e: {  	[sflag:s22] =	ssyncset.done $0x0  }
0x2f: {  	s25 =	simm.s32 $0x0;
	[sflag:s22] =	ssyncadd.s32 $0xFFFFD800  }
0x30: {  	v5 =	vld [tilespmem:s25+$0x100]  }
0x31: {  	v6 =	vld [tilespmem:s25+$0x110]  }
0x32: {  	v1 =	vld [tilespmem:s25+$0x120]  }
0x33: {  	v0 =	vld [tilespmem:s25+$0x130]  }
0x34: {  	v2 =	vld [tilespmem:s25+$0x2900]  }
0x35: {  	v4 =	vld [tilespmem:s25+$0x2910]  }
0x36: {  	s26 =	simm.s32 $0x200;
	v3 =	vld [tilespmem:s25+$0x2920]  }
.LBB2_3:
0x37: {  	s28 =	sshra.s32 s26, $0x2;
	p1 =	sne.s32 s26, $0x9E00;
	v7 =	vld [tilespmem:s25+$0x2930];
	v8 =	vmov v1  }
0x38: {  	v9 =	vld [tilespmem:s28+$0x100];
	v10 =	vmov v0  }
0x39: {  	v11 =	vld [tilespmem:s28+$0x110];
	v2 =	vmul.f32 v2, v5  }
.Ltmp0:
0x3a: {  	v1 =	vld [tilespmem:s28+$0x120];
	v4 =	vmul.f32 v4, v6;
	(pc) =	sbr.rel @p1 .LBB2_3-.Ltmp0, $4  }
0x3b: {  	v0 =	vld [tilespmem:s28+$0x130];
	[tilespmem:s25+$0x2900] =	vst v2;
	v3 =	vmul.f32 v3, v8  }
0x3c: {  	v2 =	vld [tilespmem:s28+$0x2900];
	[tilespmem:s25+$0x2910] =	vst v4;
	v7 =	vmul.f32 v7, v10  }
0x3d: {  	v4 =	vld [tilespmem:s28+$0x2910];
	[tilespmem:s25+$0x2920] =	vst v3;
	v5 =	vmov v9  }
0x3e: {  	s26 =	sadd.s32 $0x200, s26;
	v3 =	vld [tilespmem:s28+$0x2920];
	[tilespmem:s25+$0x2930] =	vst v7;
	v6 =	vmov v11;
	s25 =	smov.u32 s28  }
0x3f: {  	v7 =	vld [tilespmem:s25+$0x2930];
	_ =	sdelay $0x1  }
0x40: {  	v2 =	vmul.f32 v2, v5  }
0x41: {  	v4 =	vmul.f32 v4, v6  }
0x42: {  	[tilespmem:s25+$0x2900] =	vst v2;
	v1 =	vmul.f32 v3, v1  }
0x43: {  	s24 =	sadd.s32 $0x1, s24;
	[tilespmem:s25+$0x2910] =	vst v4;
	v0 =	vmul.f32 v7, v0  }
0x44: {  	p1 =	sne.s32 s24, $0x7D;
	[tilespmem:s25+$0x2920] =	vst v1  }
.Ltmp1:
0x45: {  	[tilespmem:s25+$0x2930] =	vst v0;
	(pc) =	sbr.rel @p1 .LBB2_2-.Ltmp1, $4  }
0x46: {  	[spmem:s1] =	stream.indirect.scatter.add.f32 [tilespmem:s19], [sflag:$0x2], $0x80, s3, s20, $0xb8;
	[tilespmem:$0x18980] =	vst v63  }
0x47: {  	_ =	swait.ge [sflag:s16], $0x2800  }
0x48: {  	[sflag:s16] =	ssyncset.done $0x0  }
0x49: {  	[sflag:s16] =	ssyncadd.s32 $0xFFFFD800  }
0x4a: {  	[bflag:$0x0] =	sbarrier.arrive $0xFFFF  }
0x4b: {  	[hbm:s12], [sflag:s9] =	dma.local [spmem:s15], $0x2700  }
0x4c: {  	s23 =	sadd.s32 $0x1, s23;
	_ =	swait.ge [sflag:s16], $0x2700  }
0x4d: {  	p1 =	sne.s32 s23, s14;
	[sflag:s16] =	ssyncset.done $0x0  }
.Ltmp2:
0x4e: {  	s24 =	simm.s32 @!p0 $0x2;
	[sflag:s16] =	ssyncadd.s32 $0xFFFFD900;
	(pc) =	sbr.rel @p1 .LBB2_1-.Ltmp2, $4  }
0x4f: {  	[hbm:s13], [sflag:s9] =	dma.local @!p0 [spmem:s17], $0x100  }
0x50: {  	_ =	swait.ge @!p0 [sflag:s24], $0x100  }
0x51: {  	[sflag:s24] =	ssyncset.done @!p0 $0x0  }
0x52: {  	[sflag:s24] =	ssyncadd.s32 @!p0 $0xFFFFFF00  }
0x53: {  	_ =	sfence.sel $0x180000  }
0x54: {  	[bflag:$0x0] =	sbarrier.arrive $0xFFFF  }
0x55: {  	p0 =	sne.s32 s2, $0x0;
	_ =	strace $0x90000047  }
0x56: {  	s0 =	sadd.s32 @!p0 $0x100000, s0;
	[bflag:$0x2] =	sbarrier.arrive $0xFFFF  }
0x57: {  	[sflag:s0] =	ssyncadd.tile.s32 @!p0 $0x1;
	_ =	shalt  }
.Lfunc_end2:
_tile_overlayer_lowered:
.L_overlay_start_2:
0x58: {  	(tag) =	ssettag $0x2  }
0x59: {  	s0 =	rddreg [dreg:$0x0];
	s2 =	stileid.u32  }
0x5a: {  	s1 =	rddreg [dreg:$0x1];
	p0 =	sne.s32 s2, $0x0  }
0x5b: {  	s3 =	rddreg [dreg:$0x2];
	[bflag:$0x3] =	sbarrier.arrive $0xFFFF;
	s2 =	simm.s32 @!p0 $0x1C02  }
0x5c: {  	[timem:s3], [sflag:s2] =	dma.local @!p0 [hbm:s0], s1  }
0x5d: {  	s0 =	simm.s32 @!p0 $0x2  }
0x5e: {  	_ =	swait.ge @!p0 [sflag:s0], s1  }
0x5f: {  	s1 =	ssub.s32 @!p0 $0x0, s1;
	[sflag:s0] =	ssyncset.done @!p0 $0x0  }
0x60: {  	[sflag:s0] =	ssyncadd.s32 @!p0 s1  }
0x61: {  	[bflag:$0x3] =	sbarrier.arrive $0xFFFF  }
0x62: {  	_ =	shalt  }

// kernel: kernel.16.cloned.1.call-start
scs
__scs_entry_jumppad:
0x0: {  	(pc) =	sbr.rel $0x88, $3  }
0x1: {  	(tag) =	ssettag $0x0;
	lr =	simm.s32 $0x1  }
0x2: {  	[smem:$0x3F92] =	sst lr;
	_ =	strace $0xD0000000  }
0x3: {  	_ = 	snop  }
0x4: {  	_ = 	snop  }
0x5: {  	_ = 	snop  }
0x6: {  	_ = 	snop  }
0x7: {  	_ = 	snop  }
__scs_overlays_trampoline_lowered:
0x8: {  	[smem:$0x3FA1] =	sst s0  }
0x9: {  	[smem:$0x3FA2] =	sst s1  }
0xa: {  	[smem:$0x3FA3] =	sst s2  }
0xb: {  	[smem:$0x3FA4] =	sst s3  }
0xc: {  	[smem:$0x3FA5] =	sst s4  }
0xd: {  	[smem:$0x3FA6] =	sst s5  }
0xe: {  	[smem:$0x3FA7] =	sst s6  }
0xf: {  	[smem:$0x3FA8] =	sst s7  }
0x10: {  	[smem:$0x3FA9] =	sst s8  }
0x11: {  	[smem:$0x3FAA] =	sst s9;
	s0 =	simm.s32 @!p0 $0x0  }
0x12: {  	s1 =	sld [smem:$0x3F90];
	s0 =	simm.s32 @p0 $0x1  }
0x13: {  	[smem:$0x3FAB] =	sst s0;
	s0 =	simm.s32 @!p1 $0x0  }
0x14: {  	s2 =	sld [smem:$0x3F8F];
	s0 =	simm.s32 @p1 $0x1  }
0x15: {  	[smem:$0x3FAC] =	sst s0;
	s0 =	simm.s32 @!p2 $0x0  }
0x16: {  	s3 =	sld [smem:$0x3FDB];
	s0 =	simm.s32 @p2 $0x1  }
0x17: {  	s4 =	simm.s32 $0x1BF5;
	[smem:$0x3FAE] =	sst s0  }
0x18: {  	s0 =	sld [smem:$0x3F91];
	_ =	swait.ge [sflag:s4], $0x0  }
0x19: {  	s7 =	sld [smem:$0x3F92]  }
0x1a: {  	s8 =	sadd.s32 $0xFFFFE003, lr  }
0x1b: {  	s9 =	sadd.s32 $0xFFFFFEF7, lr;
	s5 =	simm.s32 $0xFFFFFFFF;
	p2 =	slt.u32 s8, $0xFFFFF086  }
0x1c: {  	p1 =	slt.u32 s9, $0xF7A;
	s5 =	simm.s32 @!p2 $0x0  }
0x1d: {  	s5 =	simm.s32 @p1 $0x1;
	p0 =	seq.s32 s7, s2  }
0x1e: {  	s7 =	smul.u32 @!p0 $0xF7A, s2;
	p2 =	seq.s32 @!p0 s5, $0x0  }
0x1f: {  	s9 =	smul.u32 $0xF7A, s1;
	s8 =	simm.s32 @!p0 $0x1BF5;
	p2 =	por !p2, p0  }
0x20: {  	[sflag:s8] =	ssyncset.s32 @!p0 $0xFFFFF086;
	s6 =	sadd.s32 @!p0 s3, s7;
	s7 =	simm.s32 @!p0 $0x108  }
0x21: {  	s3 =	sadd.s32 s3, s9;
	s6 =	sadd.s32 @!p0 $0x88, s6;
	s7 =	simm.s32 @p2 $0x1082  }
0x22: {  	[simem:s7], [sflag:s8] =	dma.local @!p0 [hbm:s6], $0xF7A  }
0x23: {  	s9 =	sor.u32 $0xD0000000, s2;
	s6 =	simm.s32 $0x108;
	_ =	swait.ge @!p0 [sflag:s8], $0x0  }
0x24: {  	s3 =	sadd.s32 $0x88, s3;
	s6 =	simm.s32 @!p1 $0x1082;
	[sflag:s4] =	ssyncset.s32 $0xFFFFF086  }
0x25: {  	[simem:s6], [sflag:s4] =	dma.local [hbm:s3], $0xF7A  }
0x26: {  	[smem:$0x3F92] =	sst s1;
	(tag) =	ssettag s2;
	_ =	strace s9  }
0x27: {  	s1 =	sld [smem:$0x3FA2]  }
0x28: {  	s2 =	sld [smem:$0x3FA3]  }
0x29: {  	s4 =	sld [smem:$0x3FA5]  }
0x2a: {  	p0 =	seq.s32 s5, $0x0;
	s5 =	sld [smem:$0x3FA6]  }
0x2b: {  	s6 =	sld [smem:$0x3FA7]  }
0x2c: {  	s7 =	sld [smem:$0x3FA8]  }
0x2d: {  	s3 =	simm.s32 $0x108;
	s8 =	sld [smem:$0x3FA9]  }
0x2e: {  	s3 =	simm.s32 @!p0 $0x1082;
	s9 =	sld [smem:$0x3FAA]  }
0x2f: {  	lr =	sadd.s32 s0, s3;
	s0 =	sld [smem:$0x3FA1]  }
0x30: {  	s3 =	sld [smem:$0x3FA4]  }
0x31: {  	[smem:$0x3FAD] =	sst s10  }
0x32: {  	s10 =	sld [smem:$0x3FAB];
	_ =	sdelay $0x3  }
0x33: {  	p0 =	seq.s32 s10, $0x1;
	s10 =	sld [smem:$0x3FAD];
	_ =	sdelay $0x3  }
0x34: {  	[smem:$0x3FAD] =	sst s10  }
0x35: {  	s10 =	sld [smem:$0x3FAC];
	_ =	sdelay $0x3  }
0x36: {  	p1 =	seq.s32 s10, $0x1;
	s10 =	sld [smem:$0x3FAD];
	_ =	sdelay $0x3  }
0x37: {  	[smem:$0x3FAD] =	sst s10  }
0x38: {  	s10 =	sld [smem:$0x3FAE]  }
0x39: {  	_ = 	snop;
	(pc) =	sbr.ind lr, $3  }
0x3a: {  	_ = 	snop  }
0x3b: {  	_ = 	snop  }
0x3c: {  	p2 =	seq.s32 s10, $0x1;
	s10 =	sld [smem:$0x3FAD]  }
0x3d: {  	_ =	shalt  }
0x3e: {  	_ =	shalt  }
0x3f: {  	_ =	shalt  }
0x40: {  	_ =	shalt  }
0x41: {  	_ =	shalt  }
0x42: {  	_ =	shalt  }
0x43: {  	_ =	shalt  }
0x44: {  	_ =	shalt  }
0x45: {  	_ =	shalt  }
0x46: {  	_ =	shalt  }
0x47: {  	_ =	shalt  }
0x48: {  	_ =	shalt  }
0x49: {  	_ =	shalt  }
0x4a: {  	_ =	shalt  }
0x4b: {  	_ =	shalt  }
0x4c: {  	_ =	shalt  }
0x4d: {  	_ =	shalt  }
0x4e: {  	_ =	shalt  }
0x4f: {  	_ =	shalt  }
0x50: {  	_ =	shalt  }
0x51: {  	_ =	shalt  }
0x52: {  	_ =	shalt  }
0x53: {  	_ =	shalt  }
0x54: {  	_ =	shalt  }
0x55: {  	_ =	shalt  }
0x56: {  	_ =	shalt  }
0x57: {  	_ =	shalt  }
0x58: {  	_ =	shalt  }
0x59: {  	_ =	shalt  }
0x5a: {  	_ =	shalt  }
0x5b: {  	_ =	shalt  }
0x5c: {  	_ =	shalt  }
0x5d: {  	_ =	shalt  }
0x5e: {  	_ =	shalt  }
0x5f: {  	_ =	shalt  }
0x60: {  	_ =	shalt  }
0x61: {  	_ =	shalt  }
0x62: {  	_ =	shalt  }
0x63: {  	_ =	shalt  }
0x64: {  	_ =	shalt  }
0x65: {  	_ =	shalt  }
0x66: {  	_ =	shalt  }
0x67: {  	_ =	shalt  }
0x68: {  	_ =	shalt  }
0x69: {  	_ =	shalt  }
0x6a: {  	_ =	shalt  }
0x6b: {  	_ =	shalt  }
0x6c: {  	_ =	shalt  }
0x6d: {  	_ =	shalt  }
0x6e: {  	_ =	shalt  }
0x6f: {  	_ =	shalt  }
0x70: {  	_ =	shalt  }
0x71: {  	_ =	shalt  }
0x72: {  	_ =	shalt  }
0x73: {  	_ =	shalt  }
0x74: {  	_ =	shalt  }
0x75: {  	_ =	shalt  }
0x76: {  	_ =	shalt  }
0x77: {  	_ =	shalt  }
0x78: {  	_ =	shalt  }
0x79: {  	_ =	shalt  }
0x7a: {  	_ =	shalt  }
0x7b: {  	_ =	shalt  }
0x7c: {  	_ =	shalt  }
0x7d: {  	_ =	shalt  }
0x7e: {  	_ =	shalt  }
0x7f: {  	_ =	shalt  }
0x80: {  	_ =	shalt  }
0x81: {  	_ =	shalt  }
0x82: {  	_ =	shalt  }
0x83: {  	_ =	shalt  }
0x84: {  	_ =	shalt  }
0x85: {  	_ =	shalt  }
0x86: {  	_ =	shalt  }
0x87: {  	_ =	shalt  }
.Lfunc_end0:
.L_simem_size_0:
called_computation.1_lowered:
.L_overlay_start_0:
0x88: {  	s2 =	sld [smem:$0x3FD9]  }
0x89: {  	s3 =	sld [smem:$0x3FFE];
	_ =	sdelay $0x1  }
0x8a: {  	s1 =	srdreg.scid  }
0x8b: {  	s0 =	sand.u32 $0x1, s1  }
0x8c: {  	s16 =	sshll.u32 s0, $0xA;
	s2 =	sadd.s32 s3, s2  }
0x8d: {  	s2 =	sadd.s32 s2, s16  }
0x8e: {  	[smem:$0x3FB9] =	sst s2  }
0x8f: {  	_ = 	snop  }
0x90: {  	(tm) =	ssettm $0x1  }
0x91: {  	s17 =	sld [smem:$0x3FFB];
	_ =	sdelay $0x3  }
0x92: {  	_ =	strace s17  }
0x93: {  	s2 =	sld [smem:$0x3FFC];
	_ =	sdelay $0x3  }
0x94: {  	_ =	strace s2  }
0x95: {  	s2 =	sld [smem:$0x3FFD];
	_ =	sdelay $0x3  }
0x96: {  	_ =	strace s2  }
0x97: {  	_ =	strace $0x8FFFFFFF  }
0x98: {  	s18 =	sld [smem:$0x3FDB];
	_ =	sdelay $0x1  }
0x99: {  	s19 =	simm.s32 $_scs_section_size  }
0x9a: {  	s4 =	simm.s32 $_size__tile_overlayer_lowered;
	s5 =	simm.s32 $_tile_overlayer_lowered  }
0x9b: {  	s22 =	simm.s32 $0x1BFF;
	s21 =	sshll.u32 s5, $0x1;
	s2 =	sadd.s32 s19, s18  }
0x9c: {  	s6 =	simm.s32 $0x0;
	s20 =	sshll.u32 s4, $0x1;
	s4 =	sadd.s32 s21, s2  }
0x9d: {  	[timem:s6], [sflag:s22] =	dma.local [hbm:s4], s20  }
0x9e: {  	_ =	swait.ge [sflag:s22], s20  }
0x9f: {  	s3 =	ssub.s32 $0x0, s20;
	[sflag:s22] =	ssyncset.done $0x0  }
0xa0: {  	[sflag:s22] =	ssyncadd.s32 s3;
	_ =	sdelay $0x1  }
0xa1: {  	s23 =	simm.s32 $0x1B8B  }
0xa2: {  	_ =	swait.ge [sflag:s23], $0x1  }
0xa3: {  	[sflag:s23] =	ssyncset.done $0x0  }
0xa4: {  	s25 =	simm.s32 $0x1B8E;
	s24 =	sld [smem:$0x3FFE];
	[sflag:s23] =	ssyncadd.s32 $0xFFFFFFFF  }
0xa5: {  	s26 =	simm.s32 $execute0_lowered;
	[smem:$0x3FD2] =	sst s25  }
0xa6: {  	s4 =	sshll.u32 s26, $0x1;
	_ =	strace $0x80000049;
	[dreg:$0x1] =	wrdreg $0xFFFFFFFF  }
0xa7: {  	s28 =	simm.s32 $_size_execute0_lowered;
	s2 =	sadd.s32 s2, s4;
	[dreg:$0x0] =	wrdreg $0x0  }
0xa8: {  	s4 =	sshll.u32 s28, $0x1;
	[dreg:$0x2] =	wrdreg s2  }
0xa9: {  	[dreg:$0x3] =	wrdreg s4  }
0xaa: {  	[dreg:$0x4] =	wrdreg $0xC0  }
0xab: {  	_ =	task [dreg:s6], $0x5FFFF  }
0xac: {  	[dreg:$0x1] =	wrdreg $0xFFFFFFFF  }
0xad: {  	[dreg:$0x0] =	wrdreg $0x60  }
0xae: {  	[dreg:$0x2] =	wrdreg s24  }
0xaf: {  	[dreg:$0x3] =	wrdreg $0x51000  }
0xb0: {  	[dreg:$0x4] =	wrdreg $0x9  }
0xb1: {  	_ =	task.clear_ibuf [dreg:s6], $0x5FFFF;
	_ =	strace $0x90000049  }
0xb2: {  	s29 =	simm.s32 $0x9;
	_ =	strace $0x8000004B  }
0xb3: {  	_ =	swait.ge [sflag:s29], $0x1  }
0xb4: {  	[sflag:s29] =	ssyncadd.s32 $0xFFFFFFFF  }
0xb5: {  	_ =	strace $0x9000004B  }
0xb6: {  	_ =	sfence  }
0xb7: {  	s30 =	sld [smem:$0x0];
	_ =	sdelay $0x2  }
0xb8: {  	s31 =	sshll.u32 s1, $0xD;
	s1 =	sshrl.u32 s1, $0x2  }
0xb9: {  	s3 =	sand.u32 $0x4000, s31;
	s1 =	sadd.s32 s1, s30  }
0xba: {  	s0 =	sor.u32 s3, s0;
	s1 =	sshll.u32 s1, $0x11  }
0xbb: {  	s0 =	sor.u32 s1, s0  }
0xbc: {  	s0 =	sadd.s32 $0x8F2B, s0  }
0xbd: {  	[sflag:s0] =	ssyncadd.remote.s32 $0x1  }
0xbe: {  	_ =	sfence.sel $0xFFFF  }
0xbf: {  	[dreg:$0x0] =	wrdreg $0xFFFFFFFF;
	(pc) =	sbr.abs _section_cstart, $3  }
0xc0: {  	[dreg:$0x1] =	wrdreg $0xFFFFFFFF  }
0xc1: {  	_ =	task.clear_ibuf [dreg:s6], $0x2FFFF;
	_ =	strace $0x9FFFFFFF  }
0xc2: {  	(tm) =	ssettm $0x7FFFFFFF  }
0xc3: {  	_ =	shalt  }
tec
execute0_lowered:
.L_overlay_start_1:
0x0: {  	(tag) =	ssettag $0x1  }
0x1: {  	s10 =	rddreg [dreg:$0x0]  }
0x2: {  	s1 =	rddreg [dreg:$0x1]  }
0x3: {  	s0 =	rddreg [dreg:$0x2];
	s3 =	simm.s32 $0x0;
	s2 =	stileid.u32  }
0x4: {  	s7 =	srdreg.scid;
	s19 =	simm.s32 $0x2900;
	s20 =	simm.s32 $0x50  }
0x5: {  	s21 =	simm.s32 $0x100;
	s22 =	simm.s32 $0x1;
	s23 =	simm.s32 $0x0  }
0x6: {  	s29 =	simm.s32 $0x0;
	[smem:$0x7FF] =	sst s3;
	s4 =	sadd.s32 $0xF36E00, s10  }
0x7: {  	s11 =	smul.u32 $0x13800, s2;
	s5 =	sadd.s32 $0xA2DC00, s10;
	s6 =	sadd.s32 $0x11A00, s10  }
0x8: {  	s8 =	sand.u32 $0x1, s7;
	s7 =	sadd.s32 $0x7C00, s10;
	s14 =	smul.u32 $0x4E000, s2  }
0x9: {  	s15 =	sadd.s32 $0x572E00, s10;
	s24 =	sshll.u32 s2, $0x1;
	s28 =	sshll.u32 s2, $0x6  }
0xa: {  	s18 =	sadd.s32 $0x138000, s1;
	p0 =	sne.s32 s2, $0xF;
	_ =	strace $0x8000004A  }
0xb: {  	s12 =	ssub.s32 $0x2, s8;
	s26 =	smul.u32 $0x138800, s8;
	s9 =	sshrl.u32 s11, $0x3  }
0xc: {  	s13 =	sshrl.u32 s12, $0x1;
	s25 =	sshrl.u32 s14, $0x2;
	s9 =	sadd.s32 s9, s10  }
0xd: {  	s16 =	ssub.s32 s12, s13;
	s12 =	sor.u32 s8, s24;
	s17 =	sadd.s32 s25, s1  }
0xe: {  	s11 =	sadd.s32 s11, s26;
	s10 =	sadd.s32 $0xF36C00, s10;
	s14 =	sshrl.u32 s26, $0x3  }
0xf: {  	s8 =	sadd.s32 $0xF0FC00, s9;
	s9 =	sor.u32 $0x1C02, s28;
	s30 =	sshrl.u32 s11, $0x3  }
0x10: {  	s11 =	smul.u32 $0x2710, s12;
	s31 =	sadd.s32 s15, s14;
	s14 =	smax.u32 s16, $0x1  }
0x11: {  	s16 =	simm.s32 $0x2;
	s12 =	sadd.s32 s15, s30;
	s13 =	sadd.s32 $0x27000, s31  }
0x12: {  	s15 =	sshrl.u32 s17, $0x3;
	s17 =	sshrl.u32 @!p0 s18, $0x3;
	s18 =	simm.s32 $0x80  }
.LBB2_1:
0x13: {  	[spmem:s15], [sflag:s9] =	dma.local [hbm:s8], $0x2700  }
0x14: {  	_ =	swait.ge [sflag:s16], $0x2700  }
0x15: {  	[sflag:s16] =	ssyncset.done $0x0  }
0x16: {  	s24 =	simm.s32 @!p0 $0x2;
	[sflag:s16] =	ssyncadd.s32 $0xFFFFD900  }
0x17: {  	[spmem:s17], [sflag:s9] =	dma.local @!p0 [hbm:s10], $0x100  }
0x18: {  	_ =	swait.ge @!p0 [sflag:s24], $0x100  }
0x19: {  	[sflag:s24] =	ssyncset.done @!p0 $0x0  }
0x1a: {  	[sflag:s24] =	ssyncadd.s32 @!p0 $0xFFFFFF00  }
0x1b: {  	s24 =	simm.s32 $0x0;
	[bflag:$0x0] =	sbarrier.arrive $0xFFFF  }
.LBB2_2:
0x1c: {  	s25 =	smul.u32 $0x50, s24;
	_ =	sdelay $0x1  }
0x1d: {  	s25 =	sadd.s32 s11, s25  }
0x1e: {  	s26 =	sshrl.u32 s25, $0x3  }
0x1f: {  	s28 =	sadd.s32 s6, s26  }
0x20: {  	[tilespmem:s29], [sflag:$0x2] =	stream.linear.gather [hbm4b:s28+s29], $0x50, $0x38;
	[tilespmem:$0x18980] =	vst v63  }
0x21: {  	_ =	swait.ge [sflag:s16], $0x50  }
0x22: {  	[sflag:s16] =	ssyncset.done $0x0  }
0x23: {  	s26 =	sadd.s32 s7, s26;
	[sflag:s16] =	ssyncadd.s32 $0xFFFFFFB0  }
0x24: {  	[tilespmem:s18], [sflag:$0x2] =	stream.linear.gather [hbm4b:s26+s29], $0x50, $0x38;
	[tilespmem:$0x18980] =	vst v63  }
0x25: {  	_ =	swait.ge [sflag:s16], $0x50  }
0x26: {  	s25 =	sshll.u32 s25, $0x4;
	[sflag:s16] =	ssyncset.done $0x0  }
0x27: {  	s25 =	sadd.s32 s5, s25;
	[sflag:s16] =	ssyncadd.s32 $0xFFFFFFB0  }
0x28: {  	[tilespmem:s19], [sflag:$0x2] =	stream.linear.gather [hbm4b:s25+s29], $0x2800, $0x38;
	[tilespmem:$0x18980] =	vst v63  }
0x29: {  	_ =	swait.ge [sflag:s16], $0x2800  }
0x2a: {  	[sflag:s16] =	ssyncset.done $0x0  }
0x2b: {  	[sflag:s16] =	ssyncadd.s32 $0xFFFFD800  }
0x2c: {  	[tilespmem:s21], [sflag:$0x1] =	stream.indirect.gather [hbm4b:s4+s20], $0x80, s18, s20, $0xb8;
	[tilespmem:$0x18980] =	vst v63  }
0x2d: {  	_ =	swait.ge [sflag:s22], $0x2800  }
0x2e: {  	[sflag:s22] =	ssyncset.done $0x0  }
0x2f: {  	s25 =	simm.s32 $0x0;
	[sflag:s22] =	ssyncadd.s32 $0xFFFFD800  }
0x30: {  	v5 =	vld [tilespmem:s25+$0x100]  }
0x31: {  	v6 =	vld [tilespmem:s25+$0x110]  }
0x32: {  	v1 =	vld [tilespmem:s25+$0x120]  }
0x33: {  	v0 =	vld [tilespmem:s25+$0x130]  }
0x34: {  	v2 =	vld [tilespmem:s25+$0x2900]  }
0x35: {  	v4 =	vld [tilespmem:s25+$0x2910]  }
0x36: {  	s26 =	simm.s32 $0x200;
	v3 =	vld [tilespmem:s25+$0x2920]  }
.LBB2_3:
0x37: {  	s28 =	sshra.s32 s26, $0x2;
	p1 =	sne.s32 s26, $0x9E00;
	v7 =	vld [tilespmem:s25+$0x2930];
	v8 =	vmov v1  }
0x38: {  	v9 =	vld [tilespmem:s28+$0x100];
	v10 =	vmov v0  }
0x39: {  	v11 =	vld [tilespmem:s28+$0x110];
	v2 =	vmul.f32 v2, v5  }
.Ltmp0:
0x3a: {  	v1 =	vld [tilespmem:s28+$0x120];
	v4 =	vmul.f32 v4, v6;
	(pc) =	sbr.rel @p1 .LBB2_3-.Ltmp0, $4  }
0x3b: {  	v0 =	vld [tilespmem:s28+$0x130];
	[tilespmem:s25+$0x2900] =	vst v2;
	v3 =	vmul.f32 v3, v8  }
0x3c: {  	v2 =	vld [tilespmem:s28+$0x2900];
	[tilespmem:s25+$0x2910] =	vst v4;
	v7 =	vmul.f32 v7, v10  }
0x3d: {  	v4 =	vld [tilespmem:s28+$0x2910];
	[tilespmem:s25+$0x2920] =	vst v3;
	v5 =	vmov v9  }
0x3e: {  	s26 =	sadd.s32 $0x200, s26;
	v3 =	vld [tilespmem:s28+$0x2920];
	[tilespmem:s25+$0x2930] =	vst v7;
	v6 =	vmov v11;
	s25 =	smov.u32 s28  }
0x3f: {  	v7 =	vld [tilespmem:s25+$0x2930];
	_ =	sdelay $0x1  }
0x40: {  	v2 =	vmul.f32 v2, v5  }
0x41: {  	v4 =	vmul.f32 v4, v6  }
0x42: {  	[tilespmem:s25+$0x2900] =	vst v2;
	v1 =	vmul.f32 v3, v1  }
0x43: {  	s24 =	sadd.s32 $0x1, s24;
	[tilespmem:s25+$0x2910] =	vst v4;
	v0 =	vmul.f32 v7, v0  }
0x44: {  	p1 =	sne.s32 s24, $0x7D;
	[tilespmem:s25+$0x2920] =	vst v1  }
.Ltmp1:
0x45: {  	[tilespmem:s25+$0x2930] =	vst v0;
	(pc) =	sbr.rel @p1 .LBB2_2-.Ltmp1, $4  }
0x46: {  	[spmem:s1] =	stream.indirect.scatter.add.f32 [tilespmem:s19], [sflag:$0x2], $0x80, s3, s20, $0xb8;
	[tilespmem:$0x18980] =	vst v63  }
0x47: {  	_ =	swait.ge [sflag:s16], $0x2800  }
0x48: {  	[sflag:s16] =	ssyncset.done $0x0  }
0x49: {  	[sflag:s16] =	ssyncadd.s32 $0xFFFFD800  }
0x4a: {  	[bflag:$0x0] =	sbarrier.arrive $0xFFFF  }
0x4b: {  	[hbm:s12], [sflag:s9] =	dma.local [spmem:s15], $0x2700  }
0x4c: {  	s23 =	sadd.s32 $0x1, s23;
	_ =	swait.ge [sflag:s16], $0x2700  }
0x4d: {  	p1 =	sne.s32 s23, s14;
	[sflag:s16] =	ssyncset.done $0x0  }
.Ltmp2:
0x4e: {  	s24 =	simm.s32 @!p0 $0x2;
	[sflag:s16] =	ssyncadd.s32 $0xFFFFD900;
	(pc) =	sbr.rel @p1 .LBB2_1-.Ltmp2, $4  }
0x4f: {  	[hbm:s13], [sflag:s9] =	dma.local @!p0 [spmem:s17], $0x100  }
0x50: {  	_ =	swait.ge @!p0 [sflag:s24], $0x100  }
0x51: {  	[sflag:s24] =	ssyncset.done @!p0 $0x0  }
0x52: {  	[sflag:s24] =	ssyncadd.s32 @!p0 $0xFFFFFF00  }
0x53: {  	_ =	sfence.sel $0x180000  }
0x54: {  	[bflag:$0x0] =	sbarrier.arrive $0xFFFF  }
0x55: {  	p0 =	sne.s32 s2, $0x0;
	_ =	strace $0x9000004A  }
0x56: {  	s0 =	sadd.s32 @!p0 $0x100000, s0;
	[bflag:$0x2] =	sbarrier.arrive $0xFFFF  }
0x57: {  	[sflag:s0] =	ssyncadd.tile.s32 @!p0 $0x1;
	_ =	shalt  }
.Lfunc_end2:
_tile_overlayer_lowered:
.L_overlay_start_2:
0x58: {  	(tag) =	ssettag $0x2  }
0x59: {  	s0 =	rddreg [dreg:$0x0];
	s2 =	stileid.u32  }
0x5a: {  	s1 =	rddreg [dreg:$0x1];
	p0 =	sne.s32 s2, $0x0  }
0x5b: {  	s3 =	rddreg [dreg:$0x2];
	[bflag:$0x3] =	sbarrier.arrive $0xFFFF;
	s2 =	simm.s32 @!p0 $0x1C02  }
0x5c: {  	[timem:s3], [sflag:s2] =	dma.local @!p0 [hbm:s0], s1  }
0x5d: {  	s0 =	simm.s32 @!p0 $0x2  }
0x5e: {  	_ =	swait.ge @!p0 [sflag:s0], s1  }
0x5f: {  	s1 =	ssub.s32 @!p0 $0x0, s1;
	[sflag:s0] =	ssyncset.done @!p0 $0x0  }
0x60: {  	[sflag:s0] =	ssyncadd.s32 @!p0 s1  }
0x61: {  	[bflag:$0x3] =	sbarrier.arrive $0xFFFF  }
0x62: {  	_ =	shalt  }

// kernel: kernel.19.cloned.1.call-start
scs
__scs_entry_jumppad:
0x0: {  	(pc) =	sbr.rel $0x88, $3  }
0x1: {  	(tag) =	ssettag $0x0;
	lr =	simm.s32 $0x1  }
0x2: {  	[smem:$0x3F92] =	sst lr;
	_ =	strace $0xD0000000  }
0x3: {  	_ = 	snop  }
0x4: {  	_ = 	snop  }
0x5: {  	_ = 	snop  }
0x6: {  	_ = 	snop  }
0x7: {  	_ = 	snop  }
__scs_overlays_trampoline_lowered:
0x8: {  	[smem:$0x3FA1] =	sst s0  }
0x9: {  	[smem:$0x3FA2] =	sst s1  }
0xa: {  	[smem:$0x3FA3] =	sst s2  }
0xb: {  	[smem:$0x3FA4] =	sst s3  }
0xc: {  	[smem:$0x3FA5] =	sst s4  }
0xd: {  	[smem:$0x3FA6] =	sst s5  }
0xe: {  	[smem:$0x3FA7] =	sst s6  }
0xf: {  	[smem:$0x3FA8] =	sst s7  }
0x10: {  	[smem:$0x3FA9] =	sst s8  }
0x11: {  	[smem:$0x3FAA] =	sst s9;
	s0 =	simm.s32 @!p0 $0x0  }
0x12: {  	s1 =	sld [smem:$0x3F90];
	s0 =	simm.s32 @p0 $0x1  }
0x13: {  	[smem:$0x3FAB] =	sst s0;
	s0 =	simm.s32 @!p1 $0x0  }
0x14: {  	s2 =	sld [smem:$0x3F8F];
	s0 =	simm.s32 @p1 $0x1  }
0x15: {  	[smem:$0x3FAC] =	sst s0;
	s0 =	simm.s32 @!p2 $0x0  }
0x16: {  	s3 =	sld [smem:$0x3FDB];
	s0 =	simm.s32 @p2 $0x1  }
0x17: {  	s4 =	simm.s32 $0x1BF5;
	[smem:$0x3FAE] =	sst s0  }
0x18: {  	s0 =	sld [smem:$0x3F91];
	_ =	swait.ge [sflag:s4], $0x0  }
0x19: {  	s7 =	sld [smem:$0x3F92]  }
0x1a: {  	s8 =	sadd.s32 $0xFFFFE003, lr  }
0x1b: {  	s9 =	sadd.s32 $0xFFFFFEF7, lr;
	s5 =	simm.s32 $0xFFFFFFFF;
	p2 =	slt.u32 s8, $0xFFFFF086  }
0x1c: {  	p1 =	slt.u32 s9, $0xF7A;
	s5 =	simm.s32 @!p2 $0x0  }
0x1d: {  	s5 =	simm.s32 @p1 $0x1;
	p0 =	seq.s32 s7, s2  }
0x1e: {  	s7 =	smul.u32 @!p0 $0xF7A, s2;
	p2 =	seq.s32 @!p0 s5, $0x0  }
0x1f: {  	s9 =	smul.u32 $0xF7A, s1;
	s8 =	simm.s32 @!p0 $0x1BF5;
	p2 =	por !p2, p0  }
0x20: {  	[sflag:s8] =	ssyncset.s32 @!p0 $0xFFFFF086;
	s6 =	sadd.s32 @!p0 s3, s7;
	s7 =	simm.s32 @!p0 $0x108  }
0x21: {  	s3 =	sadd.s32 s3, s9;
	s6 =	sadd.s32 @!p0 $0x88, s6;
	s7 =	simm.s32 @p2 $0x1082  }
0x22: {  	[simem:s7], [sflag:s8] =	dma.local @!p0 [hbm:s6], $0xF7A  }
0x23: {  	s9 =	sor.u32 $0xD0000000, s2;
	s6 =	simm.s32 $0x108;
	_ =	swait.ge @!p0 [sflag:s8], $0x0  }
0x24: {  	s3 =	sadd.s32 $0x88, s3;
	s6 =	simm.s32 @!p1 $0x1082;
	[sflag:s4] =	ssyncset.s32 $0xFFFFF086  }
0x25: {  	[simem:s6], [sflag:s4] =	dma.local [hbm:s3], $0xF7A  }
0x26: {  	[smem:$0x3F92] =	sst s1;
	(tag) =	ssettag s2;
	_ =	strace s9  }
0x27: {  	s1 =	sld [smem:$0x3FA2]  }
0x28: {  	s2 =	sld [smem:$0x3FA3]  }
0x29: {  	s4 =	sld [smem:$0x3FA5]  }
0x2a: {  	p0 =	seq.s32 s5, $0x0;
	s5 =	sld [smem:$0x3FA6]  }
0x2b: {  	s6 =	sld [smem:$0x3FA7]  }
0x2c: {  	s7 =	sld [smem:$0x3FA8]  }
0x2d: {  	s3 =	simm.s32 $0x108;
	s8 =	sld [smem:$0x3FA9]  }
0x2e: {  	s3 =	simm.s32 @!p0 $0x1082;
	s9 =	sld [smem:$0x3FAA]  }
0x2f: {  	lr =	sadd.s32 s0, s3;
	s0 =	sld [smem:$0x3FA1]  }
0x30: {  	s3 =	sld [smem:$0x3FA4]  }
0x31: {  	[smem:$0x3FAD] =	sst s10  }
0x32: {  	s10 =	sld [smem:$0x3FAB];
	_ =	sdelay $0x3  }
0x33: {  	p0 =	seq.s32 s10, $0x1;
	s10 =	sld [smem:$0x3FAD];
	_ =	sdelay $0x3  }
0x34: {  	[smem:$0x3FAD] =	sst s10  }
0x35: {  	s10 =	sld [smem:$0x3FAC];
	_ =	sdelay $0x3  }
0x36: {  	p1 =	seq.s32 s10, $0x1;
	s10 =	sld [smem:$0x3FAD];
	_ =	sdelay $0x3  }
0x37: {  	[smem:$0x3FAD] =	sst s10  }
0x38: {  	s10 =	sld [smem:$0x3FAE]  }
0x39: {  	_ = 	snop;
	(pc) =	sbr.ind lr, $3  }
0x3a: {  	_ = 	snop  }
0x3b: {  	_ = 	snop  }
0x3c: {  	p2 =	seq.s32 s10, $0x1;
	s10 =	sld [smem:$0x3FAD]  }
0x3d: {  	_ =	shalt  }
0x3e: {  	_ =	shalt  }
0x3f: {  	_ =	shalt  }
0x40: {  	_ =	shalt  }
0x41: {  	_ =	shalt  }
0x42: {  	_ =	shalt  }
0x43: {  	_ =	shalt  }
0x44: {  	_ =	shalt  }
0x45: {  	_ =	shalt  }
0x46: {  	_ =	shalt  }
0x47: {  	_ =	shalt  }
0x48: {  	_ =	shalt  }
0x49: {  	_ =	shalt  }
0x4a: {  	_ =	shalt  }
0x4b: {  	_ =	shalt  }
0x4c: {  	_ =	shalt  }
0x4d: {  	_ =	shalt  }
0x4e: {  	_ =	shalt  }
0x4f: {  	_ =	shalt  }
0x50: {  	_ =	shalt  }
0x51: {  	_ =	shalt  }
0x52: {  	_ =	shalt  }
0x53: {  	_ =	shalt  }
0x54: {  	_ =	shalt  }
0x55: {  	_ =	shalt  }
0x56: {  	_ =	shalt  }
0x57: {  	_ =	shalt  }
0x58: {  	_ =	shalt  }
0x59: {  	_ =	shalt  }
0x5a: {  	_ =	shalt  }
0x5b: {  	_ =	shalt  }
0x5c: {  	_ =	shalt  }
0x5d: {  	_ =	shalt  }
0x5e: {  	_ =	shalt  }
0x5f: {  	_ =	shalt  }
0x60: {  	_ =	shalt  }
0x61: {  	_ =	shalt  }
0x62: {  	_ =	shalt  }
0x63: {  	_ =	shalt  }
0x64: {  	_ =	shalt  }
0x65: {  	_ =	shalt  }
0x66: {  	_ =	shalt  }
0x67: {  	_ =	shalt  }
0x68: {  	_ =	shalt  }
0x69: {  	_ =	shalt  }
0x6a: {  	_ =	shalt  }
0x6b: {  	_ =	shalt  }
0x6c: {  	_ =	shalt  }
0x6d: {  	_ =	shalt  }
0x6e: {  	_ =	shalt  }
0x6f: {  	_ =	shalt  }
0x70: {  	_ =	shalt  }
0x71: {  	_ =	shalt  }
0x72: {  	_ =	shalt  }
0x73: {  	_ =	shalt  }
0x74: {  	_ =	shalt  }
0x75: {  	_ =	shalt  }
0x76: {  	_ =	shalt  }
0x77: {  	_ =	shalt  }
0x78: {  	_ =	shalt  }
0x79: {  	_ =	shalt  }
0x7a: {  	_ =	shalt  }
0x7b: {  	_ =	shalt  }
0x7c: {  	_ =	shalt  }
0x7d: {  	_ =	shalt  }
0x7e: {  	_ =	shalt  }
0x7f: {  	_ =	shalt  }
0x80: {  	_ =	shalt  }
0x81: {  	_ =	shalt  }
0x82: {  	_ =	shalt  }
0x83: {  	_ =	shalt  }
0x84: {  	_ =	shalt  }
0x85: {  	_ =	shalt  }
0x86: {  	_ =	shalt  }
0x87: {  	_ =	shalt  }
.Lfunc_end0:
.L_simem_size_0:
called_computation.2_lowered:
.L_overlay_start_0:
0x88: {  	s2 =	sld [smem:$0x3FD9]  }
0x89: {  	s3 =	sld [smem:$0x3FFE];
	_ =	sdelay $0x1  }
0x8a: {  	s1 =	srdreg.scid  }
0x8b: {  	s0 =	sand.u32 $0x1, s1  }
0x8c: {  	s16 =	sshll.u32 s0, $0xA;
	s2 =	sadd.s32 s3, s2  }
0x8d: {  	s2 =	sadd.s32 s2, s16  }
0x8e: {  	[smem:$0x3FB9] =	sst s2  }
0x8f: {  	_ = 	snop  }
0x90: {  	(tm) =	ssettm $0x1  }
0x91: {  	s17 =	sld [smem:$0x3FFB];
	_ =	sdelay $0x3  }
0x92: {  	_ =	strace s17  }
0x93: {  	s2 =	sld [smem:$0x3FFC];
	_ =	sdelay $0x3  }
0x94: {  	_ =	strace s2  }
0x95: {  	s2 =	sld [smem:$0x3FFD];
	_ =	sdelay $0x3  }
0x96: {  	_ =	strace s2  }
0x97: {  	_ =	strace $0x8FFFFFFF  }
0x98: {  	s18 =	sld [smem:$0x3FDB];
	_ =	sdelay $0x1  }
0x99: {  	s19 =	simm.s32 $_scs_section_size  }
0x9a: {  	s4 =	simm.s32 $_size__tile_overlayer_lowered;
	s5 =	simm.s32 $_tile_overlayer_lowered  }
0x9b: {  	s22 =	simm.s32 $0x1BFF;
	s21 =	sshll.u32 s5, $0x1;
	s2 =	sadd.s32 s19, s18  }
0x9c: {  	s6 =	simm.s32 $0x0;
	s20 =	sshll.u32 s4, $0x1;
	s4 =	sadd.s32 s21, s2  }
0x9d: {  	[timem:s6], [sflag:s22] =	dma.local [hbm:s4], s20  }
0x9e: {  	_ =	swait.ge [sflag:s22], s20  }
0x9f: {  	s3 =	ssub.s32 $0x0, s20;
	[sflag:s22] =	ssyncset.done $0x0  }
0xa0: {  	[sflag:s22] =	ssyncadd.s32 s3;
	_ =	sdelay $0x1  }
0xa1: {  	s23 =	simm.s32 $0x1B8B  }
0xa2: {  	_ =	swait.ge [sflag:s23], $0x1  }
0xa3: {  	[sflag:s23] =	ssyncset.done $0x0  }
0xa4: {  	s25 =	simm.s32 $0x1B8E;
	s24 =	sld [smem:$0x3FFE];
	[sflag:s23] =	ssyncadd.s32 $0xFFFFFFFF  }
0xa5: {  	s26 =	simm.s32 $execute0_lowered;
	[smem:$0x3FD2] =	sst s25  }
0xa6: {  	s4 =	sshll.u32 s26, $0x1;
	_ =	strace $0x8000004C;
	[dreg:$0x1] =	wrdreg $0xFFFFFFFF  }
0xa7: {  	s28 =	simm.s32 $_size_execute0_lowered;
	s2 =	sadd.s32 s2, s4;
	[dreg:$0x0] =	wrdreg $0x0  }
0xa8: {  	s4 =	sshll.u32 s28, $0x1;
	[dreg:$0x2] =	wrdreg s2  }
0xa9: {  	[dreg:$0x3] =	wrdreg s4  }
0xaa: {  	[dreg:$0x4] =	wrdreg $0xC0  }
0xab: {  	_ =	task [dreg:s6], $0x5FFFF  }
0xac: {  	[dreg:$0x1] =	wrdreg $0xFFFFFFFF  }
0xad: {  	[dreg:$0x0] =	wrdreg $0x60  }
0xae: {  	[dreg:$0x2] =	wrdreg s24  }
0xaf: {  	[dreg:$0x3] =	wrdreg $0x79000  }
0xb0: {  	[dreg:$0x4] =	wrdreg $0x9  }
0xb1: {  	_ =	task.clear_ibuf [dreg:s6], $0x5FFFF;
	_ =	strace $0x9000004C  }
0xb2: {  	s29 =	simm.s32 $0x9;
	_ =	strace $0x8000004E  }
0xb3: {  	_ =	swait.ge [sflag:s29], $0x1  }
0xb4: {  	[sflag:s29] =	ssyncadd.s32 $0xFFFFFFFF  }
0xb5: {  	_ =	strace $0x9000004E  }
0xb6: {  	_ =	sfence  }
0xb7: {  	s30 =	sld [smem:$0x0];
	_ =	sdelay $0x2  }
0xb8: {  	s31 =	sshll.u32 s1, $0xD;
	s1 =	sshrl.u32 s1, $0x2  }
0xb9: {  	s3 =	sand.u32 $0x4000, s31;
	s1 =	sadd.s32 s1, s30  }
0xba: {  	s0 =	sor.u32 s3, s0;
	s1 =	sshll.u32 s1, $0x11  }
0xbb: {  	s0 =	sor.u32 s1, s0  }
0xbc: {  	s0 =	sadd.s32 $0x8F2B, s0  }
0xbd: {  	[sflag:s0] =	ssyncadd.remote.s32 $0x1  }
0xbe: {  	_ =	sfence.sel $0xFFFF  }
0xbf: {  	[dreg:$0x0] =	wrdreg $0xFFFFFFFF;
	(pc) =	sbr.abs _section_cstart, $3  }
0xc0: {  	[dreg:$0x1] =	wrdreg $0xFFFFFFFF  }
0xc1: {  	_ =	task.clear_ibuf [dreg:s6], $0x2FFFF;
	_ =	strace $0x9FFFFFFF  }
0xc2: {  	(tm) =	ssettm $0x7FFFFFFF  }
0xc3: {  	_ =	shalt  }
tec
execute0_lowered:
.L_overlay_start_1:
0x0: {  	(tag) =	ssettag $0x1  }
0x1: {  	s12 =	rddreg [dreg:$0x0]  }
0x2: {  	s1 =	rddreg [dreg:$0x1];
	s3 =	simm.s32 $0x0  }
0x3: {  	s2 =	stileid.u32;
	s9 =	srdreg.scid;
	s22 =	simm.s32 $0x50  }
0x4: {  	s23 =	simm.s32 $0x100;
	s24 =	simm.s32 $0x2900;
	s4 =	sadd.s32 $0x524A00, s12  }
0x5: {  	[smem:$0x7FF] =	sst s3;
	s5 =	sadd.s32 $0xF36E00, s12;
	s13 =	smul.u32 $0x13800, s2  }
0x6: {  	s6 =	sadd.s32 $0xA2DC00, s12;
	s7 =	sadd.s32 $0x11A00, s12;
	s8 =	sadd.s32 $0x7C00, s12  }
0x7: {  	s11 =	sand.u32 $0x1, s9;
	s9 =	sadd.s32 $0xF85E00, s12;
	s16 =	sshll.u32 s2, $0x1  }
0x8: {  	s17 =	smul.u32 $0x4E000, s2;
	s18 =	sadd.s32 $0x572E00, s12;
	s28 =	sshll.u32 s2, $0x6  }
0x9: {  	s21 =	sadd.s32 $0x138000, s1;
	p0 =	sne.s32 s2, $0xF;
	_ =	strace $0x8000004D  }
0xa: {  	s14 =	ssub.s32 $0x2, s11;
	s25 =	sor.u32 s11, s16;
	s29 =	smul.u32 $0x138800, s11  }
0xb: {  	s11 =	sor.u32 $0x1C02, s28;
	s10 =	sshrl.u32 s13, $0x3;
	s15 =	sshrl.u32 s14, $0x1  }
0xc: {  	s26 =	sshrl.u32 s17, $0x2;
	s10 =	sadd.s32 s10, s12;
	s19 =	ssub.s32 s14, s15  }
0xd: {  	s20 =	sadd.s32 s26, s1;
	s13 =	sadd.s32 s13, s29;
	s30 =	sshrl.u32 s29, $0x3  }
0xe: {  	s12 =	sadd.s32 $0xF36C00, s12;
	s26 =	simm.s32 $0x0;
	s10 =	sadd.s32 $0xF0FC00, s10  }
0xf: {  	s31 =	sshrl.u32 s13, $0x3;
	s15 =	sadd.s32 s18, s30;
	s13 =	smul.u32 $0x2710, s25  }
0x10: {  	s16 =	smax.u32 s19, $0x1;
	s17 =	sshrl.u32 s20, $0x3;
	s19 =	sshrl.u32 @!p0 s21, $0x3  }
0x11: {  	s20 =	simm.s32 $0x80;
	s21 =	simm.s32 $0x5100;
	s25 =	simm.s32 $0x1  }
0x12: {  	s14 =	sadd.s32 s18, s31;
	s15 =	sadd.s32 $0x27000, s15;
	s18 =	simm.s32 $0x2  }
.LBB2_1:
0x13: {  	[spmem:s17], [sflag:s11] =	dma.local [hbm:s10], $0x2700  }
0x14: {  	_ =	swait.ge [sflag:s18], $0x2700  }
0x15: {  	[sflag:s18] =	ssyncset.done $0x0  }
0x16: {  	s28 =	simm.s32 @!p0 $0x2;
	[sflag:s18] =	ssyncadd.s32 $0xFFFFD900  }
0x17: {  	[spmem:s19], [sflag:s11] =	dma.local @!p0 [hbm:s12], $0x100  }
0x18: {  	_ =	swait.ge @!p0 [sflag:s28], $0x100  }
0x19: {  	[sflag:s28] =	ssyncset.done @!p0 $0x0  }
0x1a: {  	[sflag:s28] =	ssyncadd.s32 @!p0 $0xFFFFFF00  }
0x1b: {  	s28 =	simm.s32 $0x0;
	[bflag:$0x0] =	sbarrier.arrive $0xFFFF  }
.LBB2_2:
0x1c: {  	s29 =	smul.u32 $0x50, s28;
	_ =	sdelay $0x1  }
0x1d: {  	s29 =	sadd.s32 s13, s29  }
0x1e: {  	s30 =	sshrl.u32 s29, $0x3  }
0x1f: {  	s0 =	simm.s32 $0x0;
	s31 =	sadd.s32 s7, s30  }
0x20: {  	[tilespmem:s0], [sflag:$0x2] =	stream.linear.gather [hbm4b:s31+s0], $0x50, $0x38;
	[tilespmem:$0x1B180] =	vst v63  }
0x21: {  	_ =	swait.ge [sflag:s18], $0x50  }
0x22: {  	[sflag:s18] =	ssyncset.done $0x0  }
0x23: {  	s30 =	sadd.s32 s8, s30;
	[sflag:s18] =	ssyncadd.s32 $0xFFFFFFB0  }
0x24: {  	[tilespmem:s20], [sflag:$0x2] =	stream.linear.gather [hbm4b:s30+s0], $0x50, $0x38;
	[tilespmem:$0x1B180] =	vst v63  }
0x25: {  	_ =	swait.ge [sflag:s18], $0x50  }
0x26: {  	s29 =	sshll.u32 s29, $0x4;
	[sflag:s18] =	ssyncset.done $0x0  }
0x27: {  	s30 =	sadd.s32 s6, s29;
	[sflag:s18] =	ssyncadd.s32 $0xFFFFFFB0  }
0x28: {  	[tilespmem:s21], [sflag:$0x2] =	stream.linear.gather [hbm4b:s30+s0], $0x2800, $0x38;
	[tilespmem:$0x1B180] =	vst v63  }
0x29: {  	_ =	swait.ge [sflag:s18], $0x2800  }
0x2a: {  	[sflag:s18] =	ssyncset.done $0x0  }
0x2b: {  	[sflag:s18] =	ssyncadd.s32 $0xFFFFD800  }
0x2c: {  	[tilespmem:s23], [sflag:$0x1] =	stream.indirect.gather [hbm4b:s4+s22], $0x80, s0, s22, $0xb8;
	[tilespmem:$0x1B180] =	vst v63  }
0x2d: {  	_ = 	snop  }
0x2e: {  	[tilespmem:s24], [sflag:$0x1] =	stream.indirect.gather [hbm4b:s5+s22], $0x80, s20, s22, $0xb8;
	[tilespmem:$0x1B180] =	vst v63  }
0x2f: {  	_ =	swait.ge [sflag:s25], $0x2800  }
0x30: {  	[sflag:s25] =	ssyncset.done $0x0  }
0x31: {  	[sflag:s25] =	ssyncadd.s32 $0xFFFFD800  }
0x32: {  	_ =	swait.ge [sflag:s25], $0x2800  }
0x33: {  	[sflag:s25] =	ssyncset.done $0x0  }
0x34: {  	s30 =	simm.s32 $0x0;
	[sflag:s25] =	ssyncadd.s32 $0xFFFFD800  }
0x35: {  	v3 =	vld [tilespmem:s30+$0x100]  }
0x36: {  	v1 =	vld [tilespmem:s30+$0x110]  }
0x37: {  	v0 =	vld [tilespmem:s30+$0x120]  }
0x38: {  	v2 =	vld [tilespmem:s30+$0x130]  }
0x39: {  	v8 =	vld [tilespmem:s30+$0x2900]  }
0x3a: {  	v10 =	vld [tilespmem:s30+$0x5100]  }
0x3b: {  	v7 =	vld [tilespmem:s30+$0x2910]  }
0x3c: {  	v6 =	vld [tilespmem:s30+$0x5110]  }
0x3d: {  	v4 =	vld [tilespmem:s30+$0x2920]  }
0x3e: {  	v5 =	vld [tilespmem:s30+$0x5120];
	v9 =	vmul.f32 v8, v3  }
0x3f: {  	s31 =	simm.s32 $0x200;
	v8 =	vmul.f32 v10, v3;
	v3 =	vld [tilespmem:s30+$0x2930]  }
.LBB2_3:
0x40: {  	s0 =	sshra.s32 s31, $0x2;
	p1 =	sne.s32 s31, $0x9E00;
	[tilespmem:s30+$0x2900] =	vst v9;
	v7 =	vmul.f32 v7, v1;
	v9 =	vld [tilespmem:s30+$0x5130]  }
0x41: {  	v10 =	vld [tilespmem:s0+$0x100];
	[tilespmem:s30+$0x5100] =	vst v8;
	v6 =	vmul.f32 v6, v1  }
0x42: {  	v1 =	vld [tilespmem:s0+$0x110];
	[tilespmem:s30+$0x2910] =	vst v7;
	v4 =	vmul.f32 v4, v0  }
0x43: {  	[tilespmem:s30+$0x5110] =	vst v6;
	v5 =	vmul.f32 v5, v0;
	v0 =	vld [tilespmem:s0+$0x120]  }
0x44: {  	v8 =	vld [tilespmem:s0+$0x130];
	[tilespmem:s30+$0x2920] =	vst v4;
	v3 =	vmul.f32 v3, v2  }
0x45: {  	v11 =	vld [tilespmem:s0+$0x2900];
	[tilespmem:s30+$0x5120] =	vst v5;
	v2 =	vmul.f32 v9, v2  }
0x46: {  	v12 =	vld [tilespmem:s0+$0x5100];
	[tilespmem:s30+$0x2930] =	vst v3  }
.Ltmp0:
0x47: {  	v7 =	vld [tilespmem:s0+$0x2910];
	[tilespmem:s30+$0x5130] =	vst v2;
	s30 =	smov.u32 s0;
	(pc) =	sbr.rel @p1 .LBB2_3-.Ltmp0, $4  }
0x48: {  	v6 =	vld [tilespmem:s30+$0x5110]  }
0x49: {  	v4 =	vld [tilespmem:s30+$0x2920];
	v2 =	vmov v8  }
0x4a: {  	v9 =	vmul.f32 v11, v10;
	v5 =	vld [tilespmem:s30+$0x5120]  }
0x4b: {  	s31 =	sadd.s32 $0x200, s31;
	v8 =	vmul.f32 v12, v10;
	v3 =	vld [tilespmem:s30+$0x2930]  }
0x4c: {  	[tilespmem:s30+$0x2900] =	vst v9;
	v7 =	vmul.f32 v7, v1;
	v59 =	vld [tilespmem:s30+$0x5130]  }
0x4d: {  	[tilespmem:s30+$0x5100] =	vst v8;
	v60 =	vmul.f32 v6, v1  }
0x4e: {  	[tilespmem:s30+$0x2910] =	vst v7;
	v4 =	vmul.f32 v4, v0  }
0x4f: {  	[tilespmem:s30+$0x5110] =	vst v60;
	v61 =	vmul.f32 v5, v0  }
0x50: {  	[tilespmem:s30+$0x2920] =	vst v4;
	v62 =	vmul.f32 v3, v2  }
0x51: {  	[tilespmem:s30+$0x5120] =	vst v61;
	v63 =	vmul.f32 v59, v2  }
0x52: {  	[tilespmem:s30+$0x2930] =	vst v62  }
0x53: {  	s0 =	sadd.s32 s9, s29;
	[tilespmem:s30+$0x5130] =	vst v63  }
0x54: {  	[hbm4b:s0+s3] =	stream.linear.scatter [tilespmem:s24], [sflag:$0x2], $0x2800, $0x38;
	[tilespmem:$0x1B180] =	vst v63  }
0x55: {  	s28 =	sadd.s32 $0x1, s28;
	_ =	swait.ge [sflag:s18], $0x2800  }
0x56: {  	p1 =	sne.s32 s28, $0x7D;
	[sflag:s18] =	ssyncset.done $0x0  }
.Ltmp1:
0x57: {  	[sflag:s18] =	ssyncadd.s32 $0xFFFFD800;
	(pc) =	sbr.rel @p1 .LBB2_2-.Ltmp1, $4  }
0x58: {  	[spmem:s1] =	stream.indirect.scatter.add.f32 [tilespmem:s21], [sflag:$0x2], $0x80, s20, s22, $0xb8;
	[tilespmem:$0x1B180] =	vst v63  }
0x59: {  	_ =	swait.ge [sflag:s18], $0x2800  }
0x5a: {  	[sflag:s18] =	ssyncset.done $0x0  }
0x5b: {  	[sflag:s18] =	ssyncadd.s32 $0xFFFFD800  }
0x5c: {  	[bflag:$0x0] =	sbarrier.arrive $0xFFFF  }
0x5d: {  	[hbm:s14], [sflag:s11] =	dma.local [spmem:s17], $0x2700  }
0x5e: {  	s26 =	sadd.s32 $0x1, s26;
	_ =	swait.ge [sflag:s18], $0x2700  }
0x5f: {  	p1 =	sne.s32 s26, s16;
	[sflag:s18] =	ssyncset.done $0x0  }
.Ltmp2:
0x60: {  	s0 =	simm.s32 @!p0 $0x2;
	[sflag:s18] =	ssyncadd.s32 $0xFFFFD900;
	(pc) =	sbr.rel @p1 .LBB2_1-.Ltmp2, $4  }
0x61: {  	[hbm:s15], [sflag:s11] =	dma.local @!p0 [spmem:s19], $0x100  }
0x62: {  	_ =	swait.ge @!p0 [sflag:s0], $0x100  }
0x63: {  	[sflag:s0] =	ssyncset.done @!p0 $0x0  }
0x64: {  	[sflag:s0] =	ssyncadd.s32 @!p0 $0xFFFFFF00  }
0x65: {  	_ =	sfence.sel $0x180000  }
0x66: {  	[bflag:$0x0] =	sbarrier.arrive $0xFFFF  }
0x67: {  	_ =	strace $0x9000004D  }
0x68: {  	[bflag:$0x2] =	sbarrier.arrive $0xFFFF  }
0x69: {  	p0 =	sne.s32 s2, $0x0;
	s0 =	rddreg [dreg:$0x2]  }
0x6a: {  	s0 =	sadd.s32 @!p0 $0x100000, s0  }
0x6b: {  	[sflag:s0] =	ssyncadd.tile.s32 @!p0 $0x1;
	_ =	shalt  }
.Lfunc_end2:
_tile_overlayer_lowered:
.L_overlay_start_2:
0x6c: {  	(tag) =	ssettag $0x2  }
0x6d: {  	s0 =	rddreg [dreg:$0x0];
	s2 =	stileid.u32  }
0x6e: {  	s1 =	rddreg [dreg:$0x1];
	p0 =	sne.s32 s2, $0x0  }
0x6f: {  	s3 =	rddreg [dreg:$0x2];
	[bflag:$0x3] =	sbarrier.arrive $0xFFFF;
	s2 =	simm.s32 @!p0 $0x1C02  }
0x70: {  	[timem:s3], [sflag:s2] =	dma.local @!p0 [hbm:s0], s1  }
0x71: {  	s0 =	simm.s32 @!p0 $0x2  }
0x72: {  	_ =	swait.ge @!p0 [sflag:s0], s1  }
0x73: {  	s1 =	ssub.s32 @!p0 $0x0, s1;
	[sflag:s0] =	ssyncset.done @!p0 $0x0  }
0x74: {  	[sflag:s0] =	ssyncadd.s32 @!p0 s1  }
0x75: {  	[bflag:$0x3] =	sbarrier.arrive $0xFFFF  }
0x76: {  	_ =	shalt  }

// kernel: kernel.22.cloned.1.call-start
scs
__scs_entry_jumppad:
0x0: {  	(pc) =	sbr.rel $0x88, $3  }
0x1: {  	(tag) =	ssettag $0x0;
	lr =	simm.s32 $0x1  }
0x2: {  	[smem:$0x3F92] =	sst lr;
	_ =	strace $0xD0000000  }
0x3: {  	_ = 	snop  }
0x4: {  	_ = 	snop  }
0x5: {  	_ = 	snop  }
0x6: {  	_ = 	snop  }
0x7: {  	_ = 	snop  }
__scs_overlays_trampoline_lowered:
0x8: {  	[smem:$0x3FA1] =	sst s0  }
0x9: {  	[smem:$0x3FA2] =	sst s1  }
0xa: {  	[smem:$0x3FA3] =	sst s2  }
0xb: {  	[smem:$0x3FA4] =	sst s3  }
0xc: {  	[smem:$0x3FA5] =	sst s4  }
0xd: {  	[smem:$0x3FA6] =	sst s5  }
0xe: {  	[smem:$0x3FA7] =	sst s6  }
0xf: {  	[smem:$0x3FA8] =	sst s7  }
0x10: {  	[smem:$0x3FA9] =	sst s8  }
0x11: {  	[smem:$0x3FAA] =	sst s9;
	s0 =	simm.s32 @!p0 $0x0  }
0x12: {  	s1 =	sld [smem:$0x3F90];
	s0 =	simm.s32 @p0 $0x1  }
0x13: {  	[smem:$0x3FAB] =	sst s0;
	s0 =	simm.s32 @!p1 $0x0  }
0x14: {  	s2 =	sld [smem:$0x3F8F];
	s0 =	simm.s32 @p1 $0x1  }
0x15: {  	[smem:$0x3FAC] =	sst s0;
	s0 =	simm.s32 @!p2 $0x0  }
0x16: {  	s3 =	sld [smem:$0x3FDB];
	s0 =	simm.s32 @p2 $0x1  }
0x17: {  	s4 =	simm.s32 $0x1BF5;
	[smem:$0x3FAE] =	sst s0  }
0x18: {  	s0 =	sld [smem:$0x3F91];
	_ =	swait.ge [sflag:s4], $0x0  }
0x19: {  	s7 =	sld [smem:$0x3F92]  }
0x1a: {  	s8 =	sadd.s32 $0xFFFFE003, lr  }
0x1b: {  	s9 =	sadd.s32 $0xFFFFFEF7, lr;
	s5 =	simm.s32 $0xFFFFFFFF;
	p2 =	slt.u32 s8, $0xFFFFF086  }
0x1c: {  	p1 =	slt.u32 s9, $0xF7A;
	s5 =	simm.s32 @!p2 $0x0  }
0x1d: {  	s5 =	simm.s32 @p1 $0x1;
	p0 =	seq.s32 s7, s2  }
0x1e: {  	s7 =	smul.u32 @!p0 $0xF7A, s2;
	p2 =	seq.s32 @!p0 s5, $0x0  }
0x1f: {  	s9 =	smul.u32 $0xF7A, s1;
	s8 =	simm.s32 @!p0 $0x1BF5;
	p2 =	por !p2, p0  }
0x20: {  	[sflag:s8] =	ssyncset.s32 @!p0 $0xFFFFF086;
	s6 =	sadd.s32 @!p0 s3, s7;
	s7 =	simm.s32 @!p0 $0x108  }
0x21: {  	s3 =	sadd.s32 s3, s9;
	s6 =	sadd.s32 @!p0 $0x88, s6;
	s7 =	simm.s32 @p2 $0x1082  }
0x22: {  	[simem:s7], [sflag:s8] =	dma.local @!p0 [hbm:s6], $0xF7A  }
0x23: {  	s9 =	sor.u32 $0xD0000000, s2;
	s6 =	simm.s32 $0x108;
	_ =	swait.ge @!p0 [sflag:s8], $0x0  }
0x24: {  	s3 =	sadd.s32 $0x88, s3;
	s6 =	simm.s32 @!p1 $0x1082;
	[sflag:s4] =	ssyncset.s32 $0xFFFFF086  }
0x25: {  	[simem:s6], [sflag:s4] =	dma.local [hbm:s3], $0xF7A  }
0x26: {  	[smem:$0x3F92] =	sst s1;
	(tag) =	ssettag s2;
	_ =	strace s9  }
0x27: {  	s1 =	sld [smem:$0x3FA2]  }
0x28: {  	s2 =	sld [smem:$0x3FA3]  }
0x29: {  	s4 =	sld [smem:$0x3FA5]  }
0x2a: {  	p0 =	seq.s32 s5, $0x0;
	s5 =	sld [smem:$0x3FA6]  }
0x2b: {  	s6 =	sld [smem:$0x3FA7]  }
0x2c: {  	s7 =	sld [smem:$0x3FA8]  }
0x2d: {  	s3 =	simm.s32 $0x108;
	s8 =	sld [smem:$0x3FA9]  }
0x2e: {  	s3 =	simm.s32 @!p0 $0x1082;
	s9 =	sld [smem:$0x3FAA]  }
0x2f: {  	lr =	sadd.s32 s0, s3;
	s0 =	sld [smem:$0x3FA1]  }
0x30: {  	s3 =	sld [smem:$0x3FA4]  }
0x31: {  	[smem:$0x3FAD] =	sst s10  }
0x32: {  	s10 =	sld [smem:$0x3FAB];
	_ =	sdelay $0x3  }
0x33: {  	p0 =	seq.s32 s10, $0x1;
	s10 =	sld [smem:$0x3FAD];
	_ =	sdelay $0x3  }
0x34: {  	[smem:$0x3FAD] =	sst s10  }
0x35: {  	s10 =	sld [smem:$0x3FAC];
	_ =	sdelay $0x3  }
0x36: {  	p1 =	seq.s32 s10, $0x1;
	s10 =	sld [smem:$0x3FAD];
	_ =	sdelay $0x3  }
0x37: {  	[smem:$0x3FAD] =	sst s10  }
0x38: {  	s10 =	sld [smem:$0x3FAE]  }
0x39: {  	_ = 	snop;
	(pc) =	sbr.ind lr, $3  }
0x3a: {  	_ = 	snop  }
0x3b: {  	_ = 	snop  }
0x3c: {  	p2 =	seq.s32 s10, $0x1;
	s10 =	sld [smem:$0x3FAD]  }
0x3d: {  	_ =	shalt  }
0x3e: {  	_ =	shalt  }
0x3f: {  	_ =	shalt  }
0x40: {  	_ =	shalt  }
0x41: {  	_ =	shalt  }
0x42: {  	_ =	shalt  }
0x43: {  	_ =	shalt  }
0x44: {  	_ =	shalt  }
0x45: {  	_ =	shalt  }
0x46: {  	_ =	shalt  }
0x47: {  	_ =	shalt  }
0x48: {  	_ =	shalt  }
0x49: {  	_ =	shalt  }
0x4a: {  	_ =	shalt  }
0x4b: {  	_ =	shalt  }
0x4c: {  	_ =	shalt  }
0x4d: {  	_ =	shalt  }
0x4e: {  	_ =	shalt  }
0x4f: {  	_ =	shalt  }
0x50: {  	_ =	shalt  }
0x51: {  	_ =	shalt  }
0x52: {  	_ =	shalt  }
0x53: {  	_ =	shalt  }
0x54: {  	_ =	shalt  }
0x55: {  	_ =	shalt  }
0x56: {  	_ =	shalt  }
0x57: {  	_ =	shalt  }
0x58: {  	_ =	shalt  }
0x59: {  	_ =	shalt  }
0x5a: {  	_ =	shalt  }
0x5b: {  	_ =	shalt  }
0x5c: {  	_ =	shalt  }
0x5d: {  	_ =	shalt  }
0x5e: {  	_ =	shalt  }
0x5f: {  	_ =	shalt  }
0x60: {  	_ =	shalt  }
0x61: {  	_ =	shalt  }
0x62: {  	_ =	shalt  }
0x63: {  	_ =	shalt  }
0x64: {  	_ =	shalt  }
0x65: {  	_ =	shalt  }
0x66: {  	_ =	shalt  }
0x67: {  	_ =	shalt  }
0x68: {  	_ =	shalt  }
0x69: {  	_ =	shalt  }
0x6a: {  	_ =	shalt  }
0x6b: {  	_ =	shalt  }
0x6c: {  	_ =	shalt  }
0x6d: {  	_ =	shalt  }
0x6e: {  	_ =	shalt  }
0x6f: {  	_ =	shalt  }
0x70: {  	_ =	shalt  }
0x71: {  	_ =	shalt  }
0x72: {  	_ =	shalt  }
0x73: {  	_ =	shalt  }
0x74: {  	_ =	shalt  }
0x75: {  	_ =	shalt  }
0x76: {  	_ =	shalt  }
0x77: {  	_ =	shalt  }
0x78: {  	_ =	shalt  }
0x79: {  	_ =	shalt  }
0x7a: {  	_ =	shalt  }
0x7b: {  	_ =	shalt  }
0x7c: {  	_ =	shalt  }
0x7d: {  	_ =	shalt  }
0x7e: {  	_ =	shalt  }
0x7f: {  	_ =	shalt  }
0x80: {  	_ =	shalt  }
0x81: {  	_ =	shalt  }
0x82: {  	_ =	shalt  }
0x83: {  	_ =	shalt  }
0x84: {  	_ =	shalt  }
0x85: {  	_ =	shalt  }
0x86: {  	_ =	shalt  }
0x87: {  	_ =	shalt  }
.Lfunc_end0:
.L_simem_size_0:
called_computation.3_lowered:
.L_overlay_start_0:
0x88: {  	s2 =	sld [smem:$0x3FD9]  }
0x89: {  	s3 =	sld [smem:$0x3FFE];
	_ =	sdelay $0x1  }
0x8a: {  	s1 =	srdreg.scid  }
0x8b: {  	s0 =	sand.u32 $0x1, s1  }
0x8c: {  	s16 =	sshll.u32 s0, $0xA;
	s2 =	sadd.s32 s3, s2  }
0x8d: {  	s2 =	sadd.s32 s2, s16  }
0x8e: {  	[smem:$0x3FB9] =	sst s2  }
0x8f: {  	_ = 	snop  }
0x90: {  	(tm) =	ssettm $0x1  }
0x91: {  	s17 =	sld [smem:$0x3FFB];
	_ =	sdelay $0x3  }
0x92: {  	_ =	strace s17  }
0x93: {  	s2 =	sld [smem:$0x3FFC];
	_ =	sdelay $0x3  }
0x94: {  	_ =	strace s2  }
0x95: {  	s2 =	sld [smem:$0x3FFD];
	_ =	sdelay $0x3  }
0x96: {  	_ =	strace s2  }
0x97: {  	_ =	strace $0x8FFFFFFF  }
0x98: {  	s18 =	sld [smem:$0x3FDB];
	_ =	sdelay $0x1  }
0x99: {  	s19 =	simm.s32 $_scs_section_size  }
0x9a: {  	s4 =	simm.s32 $_size__tile_overlayer_lowered;
	s5 =	simm.s32 $_tile_overlayer_lowered  }
0x9b: {  	s22 =	simm.s32 $0x1BFF;
	s21 =	sshll.u32 s5, $0x1;
	s2 =	sadd.s32 s19, s18  }
0x9c: {  	s6 =	simm.s32 $0x0;
	s20 =	sshll.u32 s4, $0x1;
	s4 =	sadd.s32 s21, s2  }
0x9d: {  	[timem:s6], [sflag:s22] =	dma.local [hbm:s4], s20  }
0x9e: {  	_ =	swait.ge [sflag:s22], s20  }
0x9f: {  	s3 =	ssub.s32 $0x0, s20;
	[sflag:s22] =	ssyncset.done $0x0  }
0xa0: {  	[sflag:s22] =	ssyncadd.s32 s3;
	_ =	sdelay $0x1  }
0xa1: {  	s23 =	simm.s32 $0x1B8B  }
0xa2: {  	_ =	swait.ge [sflag:s23], $0x1  }
0xa3: {  	[sflag:s23] =	ssyncset.done $0x0  }
0xa4: {  	s25 =	simm.s32 $0x1B8E;
	s24 =	sld [smem:$0x3FFE];
	[sflag:s23] =	ssyncadd.s32 $0xFFFFFFFF  }
0xa5: {  	s26 =	simm.s32 $execute0_lowered;
	[smem:$0x3FD2] =	sst s25  }
0xa6: {  	s4 =	sshll.u32 s26, $0x1;
	_ =	strace $0x8000004F;
	[dreg:$0x1] =	wrdreg $0xFFFFFFFF  }
0xa7: {  	s28 =	simm.s32 $_size_execute0_lowered;
	s2 =	sadd.s32 s2, s4;
	[dreg:$0x0] =	wrdreg $0x0  }
0xa8: {  	s4 =	sshll.u32 s28, $0x1;
	[dreg:$0x2] =	wrdreg s2  }
0xa9: {  	[dreg:$0x3] =	wrdreg s4  }
0xaa: {  	[dreg:$0x4] =	wrdreg $0xC0  }
0xab: {  	_ =	task [dreg:s6], $0x5FFFF  }
0xac: {  	[dreg:$0x1] =	wrdreg $0xFFFFFFFF  }
0xad: {  	[dreg:$0x0] =	wrdreg $0x60  }
0xae: {  	[dreg:$0x2] =	wrdreg s24  }
0xaf: {  	[dreg:$0x3] =	wrdreg $0x9  }
0xb0: {  	_ =	task.clear_ibuf [dreg:s6], $0x4FFFF;
	_ =	strace $0x9000004F  }
0xb1: {  	s29 =	simm.s32 $0x9;
	_ =	strace $0x80000051  }
0xb2: {  	_ =	swait.ge [sflag:s29], $0x1  }
0xb3: {  	[sflag:s29] =	ssyncadd.s32 $0xFFFFFFFF  }
0xb4: {  	_ =	strace $0x90000051  }
0xb5: {  	_ =	sfence  }
0xb6: {  	s30 =	sld [smem:$0x0];
	_ =	sdelay $0x2  }
0xb7: {  	s31 =	sshll.u32 s1, $0xD;
	s1 =	sshrl.u32 s1, $0x2  }
0xb8: {  	s3 =	sand.u32 $0x4000, s31;
	s1 =	sadd.s32 s1, s30  }
0xb9: {  	s0 =	sor.u32 s3, s0;
	s1 =	sshll.u32 s1, $0x11  }
0xba: {  	s0 =	sor.u32 s1, s0  }
0xbb: {  	s0 =	sadd.s32 $0x8F2B, s0  }
0xbc: {  	[sflag:s0] =	ssyncadd.remote.s32 $0x1  }
0xbd: {  	_ =	sfence.sel $0xFFFF  }
0xbe: {  	[dreg:$0x0] =	wrdreg $0xFFFFFFFF;
	(pc) =	sbr.abs _section_cstart, $3  }
0xbf: {  	[dreg:$0x1] =	wrdreg $0xFFFFFFFF  }
0xc0: {  	_ =	task.clear_ibuf [dreg:s6], $0x2FFFF;
	_ =	strace $0x9FFFFFFF  }
0xc1: {  	(tm) =	ssettm $0x7FFFFFFF  }
tec
execute0_lowered:
.L_overlay_start_1:
0x0: {  	(tag) =	ssettag $0x1  }
0x1: {  	s7 =	rddreg [dreg:$0x0]  }
0x2: {  	s0 =	rddreg [dreg:$0x1];
	s1 =	simm.s32 $0x0  }
0x3: {  	s2 =	srdreg.scid;
	s12 =	simm.s32 $0x50;
	s13 =	simm.s32 $0x100  }
0x4: {  	s14 =	simm.s32 $0x2900;
	s15 =	simm.s32 $0x1;
	[smem:$0x7FF] =	sst s1  }
0x5: {  	s16 =	simm.s32 $0x0;
	s3 =	sadd.s32 $0xF36E00, s7;
	s4 =	sadd.s32 $0x4FD800, s7  }
0x6: {  	s8 =	sand.u32 $0x1, s2;
	s5 =	sadd.s32 $0x11A00, s7;
	s2 =	stileid.u32  }
0x7: {  	s6 =	sadd.s32 $0x7C00, s7;
	s7 =	sadd.s32 $0x524A00, s7;
	s9 =	ssub.s32 $0x2, s8  }
0x8: {  	_ =	strace $0x80000050;
	s11 =	sshll.u32 s2, $0x1;
	s10 =	sshrl.u32 s9, $0x1  }
0x9: {  	s8 =	sor.u32 s8, s11;
	s11 =	simm.s32 $0x80;
	s9 =	ssub.s32 s9, s10  }
0xa: {  	s8 =	smul.u32 $0x2710, s8;
	s10 =	simm.s32 $0x2;
	s9 =	smax.u32 s9, $0x1  }
.LBB2_1:
0xb: {  	s17 =	simm.s32 $0x0  }
.LBB2_2:
0xc: {  	s18 =	smul.u32 $0x50, s17;
	_ =	sdelay $0x1  }
0xd: {  	s18 =	sadd.s32 s8, s18  }
0xe: {  	s19 =	sshrl.u32 s18, $0x3  }
0xf: {  	s21 =	simm.s32 $0x0;
	s20 =	sadd.s32 s5, s19  }
0x10: {  	[tilespmem:s21], [sflag:$0x2] =	stream.linear.gather [hbm4b:s20+s21], $0x50, $0x38;
	[tilespmem:$0x5100] =	vst v63  }
0x11: {  	_ =	swait.ge [sflag:s10], $0x50  }
0x12: {  	[sflag:s10] =	ssyncset.done $0x0  }
0x13: {  	s19 =	sadd.s32 s6, s19;
	[sflag:s10] =	ssyncadd.s32 $0xFFFFFFB0  }
0x14: {  	[tilespmem:s11], [sflag:$0x2] =	stream.linear.gather [hbm4b:s19+s21], $0x50, $0x38;
	[tilespmem:$0x5100] =	vst v63  }
0x15: {  	_ =	swait.ge [sflag:s10], $0x50  }
0x16: {  	[sflag:s10] =	ssyncset.done $0x0  }
0x17: {  	[sflag:s10] =	ssyncadd.s32 $0xFFFFFFB0  }
0x18: {  	[tilespmem:s13], [sflag:$0x1] =	stream.indirect.gather [hbm4b:s3+s12], $0x80, s21, s12, $0xb8;
	[tilespmem:$0x5100] =	vst v63  }
0x19: {  	_ = 	snop  }
0x1a: {  	[tilespmem:s14], [sflag:$0x1] =	stream.indirect.gather [hbm4b:s4+s12], $0x80, s11, s12, $0xb8;
	[tilespmem:$0x5100] =	vst v63  }
0x1b: {  	_ =	swait.ge [sflag:s15], $0x2800  }
0x1c: {  	[sflag:s15] =	ssyncset.done $0x0  }
0x1d: {  	[sflag:s15] =	ssyncadd.s32 $0xFFFFD800  }
0x1e: {  	_ =	swait.ge [sflag:s15], $0x2800  }
0x1f: {  	[sflag:s15] =	ssyncset.done $0x0  }
0x20: {  	s19 =	simm.s32 $0x0;
	[sflag:s15] =	ssyncadd.s32 $0xFFFFD800  }
0x21: {  	v5 =	vld [tilespmem:s19+$0x100]  }
0x22: {  	v6 =	vld [tilespmem:s19+$0x110]  }
0x23: {  	v1 =	vld [tilespmem:s19+$0x120]  }
0x24: {  	v0 =	vld [tilespmem:s19+$0x130]  }
0x25: {  	v2 =	vld [tilespmem:s19+$0x2900]  }
0x26: {  	v4 =	vld [tilespmem:s19+$0x2910]  }
0x27: {  	s20 =	simm.s32 $0x200;
	v3 =	vld [tilespmem:s19+$0x2920]  }
.LBB2_3:
0x28: {  	s21 =	sshra.s32 s20, $0x2;
	p0 =	sne.s32 s20, $0x9E00;
	v7 =	vld [tilespmem:s19+$0x2930];
	v8 =	vmov v1  }
0x29: {  	v9 =	vld [tilespmem:s21+$0x100];
	v10 =	vmov v0  }
0x2a: {  	v11 =	vld [tilespmem:s21+$0x110];
	v2 =	vmul.f32 v2, v5  }
.Ltmp0:
0x2b: {  	v1 =	vld [tilespmem:s21+$0x120];
	v4 =	vmul.f32 v4, v6;
	(pc) =	sbr.rel @p0 .LBB2_3-.Ltmp0, $4  }
0x2c: {  	v0 =	vld [tilespmem:s21+$0x130];
	[tilespmem:s19+$0x2900] =	vst v2;
	v3 =	vmul.f32 v3, v8  }
0x2d: {  	v2 =	vld [tilespmem:s21+$0x2900];
	[tilespmem:s19+$0x2910] =	vst v4;
	v7 =	vmul.f32 v7, v10  }
0x2e: {  	v4 =	vld [tilespmem:s21+$0x2910];
	[tilespmem:s19+$0x2920] =	vst v3;
	v5 =	vmov v9  }
0x2f: {  	s20 =	sadd.s32 $0x200, s20;
	v3 =	vld [tilespmem:s21+$0x2920];
	[tilespmem:s19+$0x2930] =	vst v7;
	v6 =	vmov v11;
	s19 =	smov.u32 s21  }
0x30: {  	v7 =	vld [tilespmem:s19+$0x2930];
	_ =	sdelay $0x1  }
0x31: {  	v2 =	vmul.f32 v2, v5  }
0x32: {  	v4 =	vmul.f32 v4, v6  }
0x33: {  	[tilespmem:s19+$0x2900] =	vst v2;
	v1 =	vmul.f32 v3, v1  }
0x34: {  	s17 =	sadd.s32 $0x1, s17;
	[tilespmem:s19+$0x2910] =	vst v4;
	v0 =	vmul.f32 v7, v0  }
0x35: {  	s18 =	sshll.u32 s18, $0x4;
	p0 =	sne.s32 s17, $0x7D;
	[tilespmem:s19+$0x2920] =	vst v1  }
.Ltmp1:
0x36: {  	s18 =	sadd.s32 s7, s18;
	[tilespmem:s19+$0x2930] =	vst v0;
	(pc) =	sbr.rel @p0 .LBB2_2-.Ltmp1, $4  }
0x37: {  	[hbm4b:s18+s1] =	stream.linear.scatter [tilespmem:s14], [sflag:$0x2], $0x2800, $0x38;
	[tilespmem:$0x5100] =	vst v63  }
0x38: {  	_ =	swait.ge [sflag:s10], $0x2800  }
0x39: {  	[sflag:s10] =	ssyncset.done $0x0  }
0x3a: {  	[sflag:s10] =	ssyncadd.s32 $0xFFFFD800  }
0x3b: {  	s16 =	sadd.s32 $0x1, s16  }
0x3c: {  	p0 =	sne.s32 s16, s9  }
.Ltmp2:
0x3d: {  	_ = 	snop;
	(pc) =	sbr.rel @p0 .LBB2_1-.Ltmp2, $1  }
0x3e: {  	_ =	sdelay $0x3  }
0x3f: {  	_ =	sfence.sel $0x180000  }
0x40: {  	[bflag:$0x0] =	sbarrier.arrive $0xFFFF  }
0x41: {  	p0 =	sne.s32 s2, $0x0;
	_ =	strace $0x90000050  }
0x42: {  	s0 =	sadd.s32 @!p0 $0x100000, s0;
	[bflag:$0x2] =	sbarrier.arrive $0xFFFF  }
0x43: {  	[sflag:s0] =	ssyncadd.tile.s32 @!p0 $0x1;
	_ =	shalt  }
.Lfunc_end2:
_tile_overlayer_lowered:
.L_overlay_start_2:
0x44: {  	(tag) =	ssettag $0x2  }
0x45: {  	s0 =	rddreg [dreg:$0x0];
	s2 =	stileid.u32  }
0x46: {  	s1 =	rddreg [dreg:$0x1];
	p0 =	sne.s32 s2, $0x0  }
0x47: {  	s3 =	rddreg [dreg:$0x2];
	[bflag:$0x3] =	sbarrier.arrive $0xFFFF;
	s2 =	simm.s32 @!p0 $0x1C02  }
0x48: {  	[timem:s3], [sflag:s2] =	dma.local @!p0 [hbm:s0], s1  }
0x49: {  	s0 =	simm.s32 @!p0 $0x2  }
0x4a: {  	_ =	swait.ge @!p0 [sflag:s0], s1  }
0x4b: {  	s1 =	ssub.s32 @!p0 $0x0, s1;
	[sflag:s0] =	ssyncset.done @!p0 $0x0  }
0x4c: {  	[sflag:s0] =	ssyncadd.s32 @!p0 s1  }
0x4d: {  	[bflag:$0x3] =	sbarrier.arrive $0xFFFF  }
0x4e: {  	_ =	shalt  }

// kernel: kernel.25.cloned.1.call-start
scs
__scs_entry_jumppad:
0x0: {  	(pc) =	sbr.rel $0x88, $3  }
0x1: {  	(tag) =	ssettag $0x0;
	lr =	simm.s32 $0x1  }
0x2: {  	[smem:$0x3F92] =	sst lr;
	_ =	strace $0xD0000000  }
0x3: {  	_ = 	snop  }
0x4: {  	_ = 	snop  }
0x5: {  	_ = 	snop  }
0x6: {  	_ = 	snop  }
0x7: {  	_ = 	snop  }
__scs_overlays_trampoline_lowered:
0x8: {  	[smem:$0x3FA1] =	sst s0  }
0x9: {  	[smem:$0x3FA2] =	sst s1  }
0xa: {  	[smem:$0x3FA3] =	sst s2  }
0xb: {  	[smem:$0x3FA4] =	sst s3  }
0xc: {  	[smem:$0x3FA5] =	sst s4  }
0xd: {  	[smem:$0x3FA6] =	sst s5  }
0xe: {  	[smem:$0x3FA7] =	sst s6  }
0xf: {  	[smem:$0x3FA8] =	sst s7  }
0x10: {  	[smem:$0x3FA9] =	sst s8  }
0x11: {  	[smem:$0x3FAA] =	sst s9;
	s0 =	simm.s32 @!p0 $0x0  }
0x12: {  	s1 =	sld [smem:$0x3F90];
	s0 =	simm.s32 @p0 $0x1  }
0x13: {  	[smem:$0x3FAB] =	sst s0;
	s0 =	simm.s32 @!p1 $0x0  }
0x14: {  	s2 =	sld [smem:$0x3F8F];
	s0 =	simm.s32 @p1 $0x1  }
0x15: {  	[smem:$0x3FAC] =	sst s0;
	s0 =	simm.s32 @!p2 $0x0  }
0x16: {  	s3 =	sld [smem:$0x3FDB];
	s0 =	simm.s32 @p2 $0x1  }
0x17: {  	s4 =	simm.s32 $0x1BF5;
	[smem:$0x3FAE] =	sst s0  }
0x18: {  	s0 =	sld [smem:$0x3F91];
	_ =	swait.ge [sflag:s4], $0x0  }
0x19: {  	s7 =	sld [smem:$0x3F92]  }
0x1a: {  	s8 =	sadd.s32 $0xFFFFE003, lr  }
0x1b: {  	s9 =	sadd.s32 $0xFFFFFEF7, lr;
	s5 =	simm.s32 $0xFFFFFFFF;
	p2 =	slt.u32 s8, $0xFFFFF086  }
0x1c: {  	p1 =	slt.u32 s9, $0xF7A;
	s5 =	simm.s32 @!p2 $0x0  }
0x1d: {  	s5 =	simm.s32 @p1 $0x1;
	p0 =	seq.s32 s7, s2  }
0x1e: {  	s7 =	smul.u32 @!p0 $0xF7A, s2;
	p2 =	seq.s32 @!p0 s5, $0x0  }
0x1f: {  	s9 =	smul.u32 $0xF7A, s1;
	s8 =	simm.s32 @!p0 $0x1BF5;
	p2 =	por !p2, p0  }
0x20: {  	[sflag:s8] =	ssyncset.s32 @!p0 $0xFFFFF086;
	s6 =	sadd.s32 @!p0 s3, s7;
	s7 =	simm.s32 @!p0 $0x108  }
0x21: {  	s3 =	sadd.s32 s3, s9;
	s6 =	sadd.s32 @!p0 $0x88, s6;
	s7 =	simm.s32 @p2 $0x1082  }
0x22: {  	[simem:s7], [sflag:s8] =	dma.local @!p0 [hbm:s6], $0xF7A  }
0x23: {  	s9 =	sor.u32 $0xD0000000, s2;
	s6 =	simm.s32 $0x108;
	_ =	swait.ge @!p0 [sflag:s8], $0x0  }
0x24: {  	s3 =	sadd.s32 $0x88, s3;
	s6 =	simm.s32 @!p1 $0x1082;
	[sflag:s4] =	ssyncset.s32 $0xFFFFF086  }
0x25: {  	[simem:s6], [sflag:s4] =	dma.local [hbm:s3], $0xF7A  }
0x26: {  	[smem:$0x3F92] =	sst s1;
	(tag) =	ssettag s2;
	_ =	strace s9  }
0x27: {  	s1 =	sld [smem:$0x3FA2]  }
0x28: {  	s2 =	sld [smem:$0x3FA3]  }
0x29: {  	s4 =	sld [smem:$0x3FA5]  }
0x2a: {  	p0 =	seq.s32 s5, $0x0;
	s5 =	sld [smem:$0x3FA6]  }
0x2b: {  	s6 =	sld [smem:$0x3FA7]  }
0x2c: {  	s7 =	sld [smem:$0x3FA8]  }
0x2d: {  	s3 =	simm.s32 $0x108;
	s8 =	sld [smem:$0x3FA9]  }
0x2e: {  	s3 =	simm.s32 @!p0 $0x1082;
	s9 =	sld [smem:$0x3FAA]  }
0x2f: {  	lr =	sadd.s32 s0, s3;
	s0 =	sld [smem:$0x3FA1]  }
0x30: {  	s3 =	sld [smem:$0x3FA4]  }
0x31: {  	[smem:$0x3FAD] =	sst s10  }
0x32: {  	s10 =	sld [smem:$0x3FAB];
	_ =	sdelay $0x3  }
0x33: {  	p0 =	seq.s32 s10, $0x1;
	s10 =	sld [smem:$0x3FAD];
	_ =	sdelay $0x3  }
0x34: {  	[smem:$0x3FAD] =	sst s10  }
0x35: {  	s10 =	sld [smem:$0x3FAC];
	_ =	sdelay $0x3  }
0x36: {  	p1 =	seq.s32 s10, $0x1;
	s10 =	sld [smem:$0x3FAD];
	_ =	sdelay $0x3  }
0x37: {  	[smem:$0x3FAD] =	sst s10  }
0x38: {  	s10 =	sld [smem:$0x3FAE]  }
0x39: {  	_ = 	snop;
	(pc) =	sbr.ind lr, $3  }
0x3a: {  	_ = 	snop  }
0x3b: {  	_ = 	snop  }
0x3c: {  	p2 =	seq.s32 s10, $0x1;
	s10 =	sld [smem:$0x3FAD]  }
0x3d: {  	_ =	shalt  }
0x3e: {  	_ =	shalt  }
0x3f: {  	_ =	shalt  }
0x40: {  	_ =	shalt  }
0x41: {  	_ =	shalt  }
0x42: {  	_ =	shalt  }
0x43: {  	_ =	shalt  }
0x44: {  	_ =	shalt  }
0x45: {  	_ =	shalt  }
0x46: {  	_ =	shalt  }
0x47: {  	_ =	shalt  }
0x48: {  	_ =	shalt  }
0x49: {  	_ =	shalt  }
0x4a: {  	_ =	shalt  }
0x4b: {  	_ =	shalt  }
0x4c: {  	_ =	shalt  }
0x4d: {  	_ =	shalt  }
0x4e: {  	_ =	shalt  }
0x4f: {  	_ =	shalt  }
0x50: {  	_ =	shalt  }
0x51: {  	_ =	shalt  }
0x52: {  	_ =	shalt  }
0x53: {  	_ =	shalt  }
0x54: {  	_ =	shalt  }
0x55: {  	_ =	shalt  }
0x56: {  	_ =	shalt  }
0x57: {  	_ =	shalt  }
0x58: {  	_ =	shalt  }
0x59: {  	_ =	shalt  }
0x5a: {  	_ =	shalt  }
0x5b: {  	_ =	shalt  }
0x5c: {  	_ =	shalt  }
0x5d: {  	_ =	shalt  }
0x5e: {  	_ =	shalt  }
0x5f: {  	_ =	shalt  }
0x60: {  	_ =	shalt  }
0x61: {  	_ =	shalt  }
0x62: {  	_ =	shalt  }
0x63: {  	_ =	shalt  }
0x64: {  	_ =	shalt  }
0x65: {  	_ =	shalt  }
0x66: {  	_ =	shalt  }
0x67: {  	_ =	shalt  }
0x68: {  	_ =	shalt  }
0x69: {  	_ =	shalt  }
0x6a: {  	_ =	shalt  }
0x6b: {  	_ =	shalt  }
0x6c: {  	_ =	shalt  }
0x6d: {  	_ =	shalt  }
0x6e: {  	_ =	shalt  }
0x6f: {  	_ =	shalt  }
0x70: {  	_ =	shalt  }
0x71: {  	_ =	shalt  }
0x72: {  	_ =	shalt  }
0x73: {  	_ =	shalt  }
0x74: {  	_ =	shalt  }
0x75: {  	_ =	shalt  }
0x76: {  	_ =	shalt  }
0x77: {  	_ =	shalt  }
0x78: {  	_ =	shalt  }
0x79: {  	_ =	shalt  }
0x7a: {  	_ =	shalt  }
0x7b: {  	_ =	shalt  }
0x7c: {  	_ =	shalt  }
0x7d: {  	_ =	shalt  }
0x7e: {  	_ =	shalt  }
0x7f: {  	_ =	shalt  }
0x80: {  	_ =	shalt  }
0x81: {  	_ =	shalt  }
0x82: {  	_ =	shalt  }
0x83: {  	_ =	shalt  }
0x84: {  	_ =	shalt  }
0x85: {  	_ =	shalt  }
0x86: {  	_ =	shalt  }
0x87: {  	_ =	shalt  }
.Lfunc_end0:
.L_simem_size_0:
called_computation.4_lowered:
.L_overlay_start_0:
0x88: {  	s2 =	sld [smem:$0x3FD9]  }
0x89: {  	s3 =	sld [smem:$0x3FFE];
	_ =	sdelay $0x1  }
0x8a: {  	s1 =	srdreg.scid  }
0x8b: {  	s0 =	sand.u32 $0x1, s1  }
0x8c: {  	s16 =	sshll.u32 s0, $0xA;
	s2 =	sadd.s32 s3, s2  }
0x8d: {  	s2 =	sadd.s32 s2, s16  }
0x8e: {  	[smem:$0x3FB9] =	sst s2  }
0x8f: {  	_ = 	snop  }
0x90: {  	(tm) =	ssettm $0x1  }
0x91: {  	s17 =	sld [smem:$0x3FFB];
	_ =	sdelay $0x3  }
0x92: {  	_ =	strace s17  }
0x93: {  	s2 =	sld [smem:$0x3FFC];
	_ =	sdelay $0x3  }
0x94: {  	_ =	strace s2  }
0x95: {  	s2 =	sld [smem:$0x3FFD];
	_ =	sdelay $0x3  }
0x96: {  	_ =	strace s2  }
0x97: {  	_ =	strace $0x8FFFFFFF  }
0x98: {  	s18 =	sld [smem:$0x3FDB];
	_ =	sdelay $0x1  }
0x99: {  	s19 =	simm.s32 $_scs_section_size  }
0x9a: {  	s4 =	simm.s32 $_size__tile_overlayer_lowered;
	s5 =	simm.s32 $_tile_overlayer_lowered  }
0x9b: {  	s22 =	simm.s32 $0x1BFF;
	s21 =	sshll.u32 s5, $0x1;
	s2 =	sadd.s32 s19, s18  }
0x9c: {  	s6 =	simm.s32 $0x0;
	s20 =	sshll.u32 s4, $0x1;
	s4 =	sadd.s32 s21, s2  }
0x9d: {  	[timem:s6], [sflag:s22] =	dma.local [hbm:s4], s20  }
0x9e: {  	_ =	swait.ge [sflag:s22], s20  }
0x9f: {  	s3 =	ssub.s32 $0x0, s20;
	[sflag:s22] =	ssyncset.done $0x0  }
0xa0: {  	[sflag:s22] =	ssyncadd.s32 s3;
	_ =	sdelay $0x1  }
0xa1: {  	s23 =	simm.s32 $0x1B8B  }
0xa2: {  	_ =	swait.ge [sflag:s23], $0x1  }
0xa3: {  	[sflag:s23] =	ssyncset.done $0x0  }
0xa4: {  	s25 =	simm.s32 $0x1B8E;
	s24 =	sld [smem:$0x3FFE];
	[sflag:s23] =	ssyncadd.s32 $0xFFFFFFFF  }
0xa5: {  	s26 =	simm.s32 $execute0_lowered;
	[smem:$0x3FD2] =	sst s25  }
0xa6: {  	s4 =	sshll.u32 s26, $0x1;
	_ =	strace $0x80000052;
	[dreg:$0x1] =	wrdreg $0xFFFFFFFF  }
0xa7: {  	s28 =	simm.s32 $_size_execute0_lowered;
	s2 =	sadd.s32 s2, s4;
	[dreg:$0x0] =	wrdreg $0x0  }
0xa8: {  	s4 =	sshll.u32 s28, $0x1;
	[dreg:$0x2] =	wrdreg s2  }
0xa9: {  	[dreg:$0x3] =	wrdreg s4  }
0xaa: {  	[dreg:$0x4] =	wrdreg $0xC0  }
0xab: {  	_ =	task [dreg:s6], $0x5FFFF  }
0xac: {  	[dreg:$0x1] =	wrdreg $0xFFFFFFFF  }
0xad: {  	[dreg:$0x0] =	wrdreg $0x60  }
0xae: {  	[dreg:$0x2] =	wrdreg s24  }
0xaf: {  	[dreg:$0x3] =	wrdreg $0x51000  }
0xb0: {  	[dreg:$0x4] =	wrdreg $0x9  }
0xb1: {  	_ =	task.clear_ibuf [dreg:s6], $0x5FFFF;
	_ =	strace $0x90000052  }
0xb2: {  	s29 =	simm.s32 $0x9;
	_ =	strace $0x80000054  }
0xb3: {  	_ =	swait.ge [sflag:s29], $0x1  }
0xb4: {  	[sflag:s29] =	ssyncadd.s32 $0xFFFFFFFF  }
0xb5: {  	_ =	strace $0x90000054  }
0xb6: {  	_ =	sfence  }
0xb7: {  	s30 =	sld [smem:$0x0];
	_ =	sdelay $0x2  }
0xb8: {  	s31 =	sshll.u32 s1, $0xD;
	s1 =	sshrl.u32 s1, $0x2  }
0xb9: {  	s3 =	sand.u32 $0x4000, s31;
	s1 =	sadd.s32 s1, s30  }
0xba: {  	s0 =	sor.u32 s3, s0;
	s1 =	sshll.u32 s1, $0x11  }
0xbb: {  	s0 =	sor.u32 s1, s0  }
0xbc: {  	s0 =	sadd.s32 $0x8F2B, s0  }
0xbd: {  	[sflag:s0] =	ssyncadd.remote.s32 $0x1  }
0xbe: {  	_ =	sfence.sel $0xFFFF  }
0xbf: {  	[dreg:$0x0] =	wrdreg $0xFFFFFFFF;
	(pc) =	sbr.abs _section_cstart, $3  }
0xc0: {  	[dreg:$0x1] =	wrdreg $0xFFFFFFFF  }
0xc1: {  	_ =	task.clear_ibuf [dreg:s6], $0x2FFFF;
	_ =	strace $0x9FFFFFFF  }
0xc2: {  	(tm) =	ssettm $0x7FFFFFFF  }
0xc3: {  	_ =	shalt  }
tec
execute0_lowered:
.L_overlay_start_1:
0x0: {  	(tag) =	ssettag $0x1  }
0x1: {  	s9 =	rddreg [dreg:$0x0]  }
0x2: {  	s2 =	rddreg [dreg:$0x1]  }
0x3: {  	s0 =	rddreg [dreg:$0x2];
	s3 =	simm.s32 $0x0;
	s1 =	stileid.u32  }
0x4: {  	s7 =	srdreg.scid;
	s18 =	simm.s32 $0x100;
	s19 =	simm.s32 $0x50  }
0x5: {  	s20 =	simm.s32 $0x2900;
	s21 =	simm.s32 $0x0;
	[smem:$0x7FF] =	sst s3  }
0x6: {  	s10 =	smul.u32 $0x13800, s1;
	s4 =	sadd.s32 $0xA06A00, s9;
	s5 =	sadd.s32 $0x11A00, s9  }
0x7: {  	s6 =	sadd.s32 $0x7C00, s9;
	s7 =	sand.u32 $0x1, s7;
	s12 =	smul.u32 $0x4E000, s1  }
0x8: {  	s13 =	sadd.s32 $0xF36E00, s9;
	s15 =	sshll.u32 s1, $0x1;
	s28 =	sshll.u32 s1, $0x6  }
0x9: {  	s17 =	sadd.s32 $0x138000, s2;
	p0 =	sne.s32 s1, $0xF;
	_ =	strace $0x80000053  }
0xa: {  	s11 =	ssub.s32 $0x2, s7;
	s25 =	sor.u32 s7, s15;
	s16 =	smul.u32 $0x138800, s7  }
0xb: {  	s15 =	simm.s32 $0x1;
	s8 =	sshrl.u32 s10, $0x3;
	s14 =	sshrl.u32 s11, $0x1  }
0xc: {  	s12 =	sshrl.u32 s12, $0x2;
	s8 =	sadd.s32 s8, s9;
	s14 =	ssub.s32 s11, s14  }
0xd: {  	s26 =	sadd.s32 s12, s2;
	s9 =	sadd.s32 $0xF36C00, s9;
	s29 =	sadd.s32 s10, s16  }
0xe: {  	s16 =	sshrl.u32 s16, $0x3;
	s10 =	smul.u32 $0x2710, s25;
	s7 =	sadd.s32 $0xF0FC00, s8  }
0xf: {  	s8 =	sor.u32 $0x1C01, s28;
	s30 =	sshrl.u32 s29, $0x3;
	s31 =	sadd.s32 s13, s16  }
0x10: {  	s16 =	sshrl.u32 @!p0 s17, $0x3;
	s17 =	simm.s32 $0x80;
	s11 =	sadd.s32 s13, s30  }
0x11: {  	v0 =	vimm.f32 $0.0e+00;
	s12 =	sadd.s32 $0x27000, s31;
	s13 =	smax.u32 s14, $0x1;
	s14 =	sshrl.u32 s26, $0x3  }
.LBB2_1:
0x12: {  	[spmem:s14], [sflag:s8] =	dma.local [hbm:s7], $0x2700  }
0x13: {  	_ =	swait.ge [sflag:s15], $0x2700  }
0x14: {  	[sflag:s15] =	ssyncset.done $0x0  }
0x15: {  	s22 =	simm.s32 @!p0 $0x1;
	[sflag:s15] =	ssyncadd.s32 $0xFFFFD900  }
0x16: {  	[spmem:s16], [sflag:s8] =	dma.local @!p0 [hbm:s9], $0x100  }
0x17: {  	_ =	swait.ge @!p0 [sflag:s22], $0x100  }
0x18: {  	[sflag:s22] =	ssyncset.done @!p0 $0x0  }
0x19: {  	s23 =	simm.s32 $0x200;
	[sflag:s22] =	ssyncadd.s32 @!p0 $0xFFFFFF00;
	s22 =	simm.s32 $0x0  }
.LBB2_2:
0x1a: {  	p1 =	sne.s32 s23, $0x9E00;
	[tilespmem:s22+$0x2970] =	vst v0  }
0x1b: {  	[tilespmem:s22+$0x2900] =	vst v0  }
0x1c: {  	[tilespmem:s22+$0x2910] =	vst v0  }
.Ltmp0:
0x1d: {  	[tilespmem:s22+$0x2920] =	vst v0;
	(pc) =	sbr.rel @p1 .LBB2_2-.Ltmp0, $4  }
0x1e: {  	[tilespmem:s22+$0x2930] =	vst v0  }
0x1f: {  	[tilespmem:s22+$0x2940] =	vst v0  }
0x20: {  	[tilespmem:s22+$0x2950] =	vst v0  }
0x21: {  	[tilespmem:s22+$0x2960] =	vst v0;
	s22 =	sshra.s32 s23, $0x2;
	s23 =	sadd.s32 $0x200, s23  }
0x22: {  	[tilespmem:s22+$0x2970] =	vst v0  }
0x23: {  	[tilespmem:s22+$0x2900] =	vst v0  }
0x24: {  	[tilespmem:s22+$0x2910] =	vst v0  }
0x25: {  	[tilespmem:s22+$0x2920] =	vst v0  }
0x26: {  	[tilespmem:s22+$0x2930] =	vst v0  }
0x27: {  	[tilespmem:s22+$0x2940] =	vst v0  }
0x28: {  	[tilespmem:s22+$0x2950] =	vst v0  }
0x29: {  	[tilespmem:s22+$0x2960] =	vst v0  }
0x2a: {  	s22 =	simm.s32 $0x0;
	s23 =	simm.s32 $0x0;
	[bflag:$0x0] =	sbarrier.arrive $0xFFFF  }
.LBB2_4:
0x2b: {  	s24 =	smul.u32 $0x50, s23;
	_ =	sdelay $0x1  }
0x2c: {  	s24 =	sadd.s32 s10, s24  }
0x2d: {  	s25 =	sshrl.u32 s24, $0x3  }
0x2e: {  	s26 =	sadd.s32 s5, s25  }
0x2f: {  	[tilespmem:s22], [sflag:$0x1] =	stream.linear.gather [hbm4b:s26+s22], $0x50, $0x38;
	[tilespmem:$0x18980] =	vst v63  }
0x30: {  	_ =	swait.ge [sflag:s15], $0x50  }
0x31: {  	[sflag:s15] =	ssyncset.done $0x0  }
0x32: {  	s25 =	sadd.s32 s6, s25;
	[sflag:s15] =	ssyncadd.s32 $0xFFFFFFB0  }
0x33: {  	[tilespmem:s17], [sflag:$0x1] =	stream.linear.gather [hbm4b:s25+s22], $0x50, $0x38;
	[tilespmem:$0x18980] =	vst v63  }
0x34: {  	_ =	swait.ge [sflag:s15], $0x50  }
0x35: {  	s24 =	sshll.u32 s24, $0x4;
	[sflag:s15] =	ssyncset.done $0x0  }
0x36: {  	s24 =	sadd.s32 s4, s24;
	[sflag:s15] =	ssyncadd.s32 $0xFFFFFFB0  }
0x37: {  	[tilespmem:s18], [sflag:$0x1] =	stream.linear.gather [hbm4b:s24+s22], $0x2800, $0x38;
	[tilespmem:$0x18980] =	vst v63  }
0x38: {  	_ =	swait.ge [sflag:s15], $0x2800  }
0x39: {  	[sflag:s15] =	ssyncset.done $0x0  }
0x3a: {  	s24 =	simm.s32 $0x0;
	[sflag:s15] =	ssyncadd.s32 $0xFFFFD800  }
0x3b: {  	v1 =	vld [tilespmem:s24+$0x100]  }
0x3c: {  	s25 =	simm.s32 $0x200  }
.LBB2_5:
0x3d: {  	p1 =	sne.s32 s25, $0x9E00  }
.Ltmp1:
0x3e: {  	_ = 	snop;
	(pc) =	sbr.rel @p1 .LBB2_5-.Ltmp1, $4  }
0x3f: {  	_ = 	snop  }
0x40: {  	s26 =	sshra.s32 s25, $0x2;
	s25 =	sadd.s32 $0x200, s25;
	v2 =	vsub.f32 $0.0e+00, v1  }
0x41: {  	v1 =	vld [tilespmem:s26+$0x100]  }
0x42: {  	[tilespmem:s24+$0x2900] =	vst v2;
	s24 =	smov.u32 s26  }
0x43: {  	_ =	sdelay $0x2  }
0x44: {  	v1 =	vsub.f32 $0.0e+00, v1;
	_ =	sdelay $0x1  }
0x45: {  	[tilespmem:s24+$0x2900] =	vst v1  }
0x46: {  	[spmem:s2] =	stream.indirect.scatter.add.f32 [tilespmem:s18], [sflag:$0x1], $0x80, s3, s19, $0xb8;
	[tilespmem:$0x18980] =	vst v63  }
0x47: {  	s23 =	sadd.s32 $0x1, s23;
	_ =	swait.ge [sflag:s15], $0x2800  }
0x48: {  	p1 =	sne.s32 s23, $0x7D;
	[sflag:s15] =	ssyncset.done $0x0  }
.Ltmp2:
0x49: {  	[sflag:s15] =	ssyncadd.s32 $0xFFFFD800;
	(pc) =	sbr.rel @p1 .LBB2_4-.Ltmp2, $4  }
0x4a: {  	[spmem:s2] =	stream.indirect.scatter.add.f32 [tilespmem:s20], [sflag:$0x1], $0x80, s17, s19, $0xb8;
	[tilespmem:$0x18980] =	vst v63  }
0x4b: {  	_ =	swait.ge [sflag:s15], $0x2800  }
0x4c: {  	[sflag:s15] =	ssyncset.done $0x0  }
0x4d: {  	[sflag:s15] =	ssyncadd.s32 $0xFFFFD800  }
0x4e: {  	[bflag:$0x0] =	sbarrier.arrive $0xFFFF  }
0x4f: {  	[hbm:s11], [sflag:s8] =	dma.local [spmem:s14], $0x2700  }
0x50: {  	s21 =	sadd.s32 $0x1, s21;
	_ =	swait.ge [sflag:s15], $0x2700  }
0x51: {  	p1 =	sne.s32 s21, s13;
	[sflag:s15] =	ssyncset.done $0x0  }
.Ltmp3:
0x52: {  	s22 =	simm.s32 @!p0 $0x1;
	[sflag:s15] =	ssyncadd.s32 $0xFFFFD900;
	(pc) =	sbr.rel @p1 .LBB2_1-.Ltmp3, $4  }
0x53: {  	[hbm:s12], [sflag:s8] =	dma.local @!p0 [spmem:s16], $0x100  }
0x54: {  	_ =	swait.ge @!p0 [sflag:s22], $0x100  }
0x55: {  	[sflag:s22] =	ssyncset.done @!p0 $0x0  }
0x56: {  	[sflag:s22] =	ssyncadd.s32 @!p0 $0xFFFFFF00  }
0x57: {  	_ =	sfence.sel $0x180000  }
0x58: {  	[bflag:$0x0] =	sbarrier.arrive $0xFFFF  }
0x59: {  	p0 =	sne.s32 s1, $0x0;
	_ =	strace $0x90000053  }
0x5a: {  	s0 =	sadd.s32 @!p0 $0x100000, s0;
	[bflag:$0x2] =	sbarrier.arrive $0xFFFF  }
0x5b: {  	[sflag:s0] =	ssyncadd.tile.s32 @!p0 $0x1;
	_ =	shalt  }
.Lfunc_end2:
_tile_overlayer_lowered:
.L_overlay_start_2:
0x5c: {  	(tag) =	ssettag $0x2  }
0x5d: {  	s0 =	rddreg [dreg:$0x0];
	s2 =	stileid.u32  }
0x5e: {  	s1 =	rddreg [dreg:$0x1];
	p0 =	sne.s32 s2, $0x0  }
0x5f: {  	s3 =	rddreg [dreg:$0x2];
	[bflag:$0x3] =	sbarrier.arrive $0xFFFF;
	s2 =	simm.s32 @!p0 $0x1C01  }
0x60: {  	[timem:s3], [sflag:s2] =	dma.local @!p0 [hbm:s0], s1  }
0x61: {  	s0 =	simm.s32 @!p0 $0x1  }
0x62: {  	_ =	swait.ge @!p0 [sflag:s0], s1  }
0x63: {  	s1 =	ssub.s32 @!p0 $0x0, s1;
	[sflag:s0] =	ssyncset.done @!p0 $0x0  }
0x64: {  	[sflag:s0] =	ssyncadd.s32 @!p0 s1  }
0x65: {  	[bflag:$0x3] =	sbarrier.arrive $0xFFFF  }
0x66: {  	_ =	shalt  }

</sc_bundles>
